<compile_context>
chip_gen: v7x
topology: tpu7x:2x2x1
jax: 0.10.2.dev20260603
libtpu: 0.0.44.dev20260713+nightly
codegen_flags: <defaults>
</compile_context>

<pallas_src>
import functools

import jax
import jax.numpy as jnp
from jax import lax
from jax.experimental import pallas as pl
from jax.experimental.pallas import tpu as pltpu
from jax.experimental.pallas import tpu_sc as plsc

NUM_GRAPHS = 64
NC = 2
NS = 16
NW = NC * NS
CH = 128
L = 16


def _sc_degree(dstp, zeros_n, npad):
    epad = dstp.shape[0]
    per_tile = epad // NW

    mesh = plsc.VectorSubcoreMesh(core_axis_name="c", subcore_axis_name="s")

    @functools.partial(
        pl.kernel,
        out_type=jax.ShapeDtypeStruct((NW, npad), jnp.float32),
        mesh=mesh,
        compiler_params=pltpu.CompilerParams(use_tc_tiling_on_sc=False,
                                             needs_layout_passes=False),
        scratch_types=[
            pltpu.VMEM((per_tile,), jnp.int32),
            pltpu.VMEM((npad,), jnp.float32),
        ],
    )
    def deg_kernel(dst_hbm, zeros_hbm, out_hbm, dst_v, deg_v):
        c = lax.axis_index("c")
        s = lax.axis_index("s")
        wid = c * NS + s
        pltpu.sync_copy(zeros_hbm, deg_v)
        pltpu.sync_copy(dst_hbm.at[pl.ds(wid * per_tile, per_tile)], dst_v)
        ones = jnp.ones((L,), jnp.float32)

        def body(j, carry):
            idx = dst_v[pl.ds(j * L, L)]
            plsc.addupdate_scatter(deg_v, [idx], ones)
            return carry

        lax.fori_loop(0, per_tile // L, body, 0)
        pltpu.sync_copy(deg_v, out_hbm.at[wid])

    return deg_kernel(dstp, zeros_n)


def _sc_propagate(table, srcp, dstp, npad, h, nch0, nch1):
    epad = srcp.shape[0]
    rpt = npad // NS
    nch = max(nch0, nch1)
    pad_slot = npad - 1

    e0 = NS * nch0 * CH

    def split3d(arr):
        a = arr[:e0].reshape(NS, nch0, CH)
        a = jnp.pad(a, ((0, 0), (0, nch - nch0), (0, 0)),
                    constant_values=pad_slot)
        b = arr[e0:].reshape(NS, nch1, CH)
        b = jnp.pad(b, ((0, 0), (0, nch - nch1), (0, 0)),
                    constant_values=pad_slot)
        return jnp.concatenate([a, b], axis=0)

    src3d = split3d(srcp)
    dst3d = split3d(dstp)

    mesh = plsc.VectorSubcoreMesh(core_axis_name="c", subcore_axis_name="s")

    @functools.partial(
        pl.kernel,
        out_type=jax.ShapeDtypeStruct((NC, npad, h), jnp.float32),
        mesh=mesh,
        compiler_params=pltpu.CompilerParams(use_tc_tiling_on_sc=False),
        scratch_types=[
            pltpu.VMEM((nch, CH), jnp.int32),
            pltpu.VMEM((nch, CH), jnp.int32),
            pltpu.VMEM((CH, h), jnp.float32),
            pltpu.VMEM((CH, h), jnp.float32),
            pltpu.VMEM_SHARED((npad, h), jnp.float32),
            pltpu.VMEM_SHARED((npad, h), jnp.float32),
            pltpu.SemaphoreType.DMA,
            pltpu.SemaphoreType.DMA,
        ],
    )
    def prop_kernel(table_hbm, src_hbm, dst_hbm, out_hbm,
                    src2d, dst2d, rows0, rows1, acc, table_sp, sem0, sem1):
        c = lax.axis_index("c")
        s = lax.axis_index("s")
        wid = c * NS + s
        row0 = s * rpt

        z16 = jnp.zeros((L,), jnp.float32)

        def zbody(r, carry):
            for k in range(h // L):
                rows0[r, pl.ds(k * L, L)] = z16
            return carry

        lax.fori_loop(0, CH, zbody, 0)
        for k in range(rpt // CH):
            pltpu.sync_copy(rows0, acc.at[pl.ds(row0 + k * CH, CH)])
        rem = rpt - (rpt // CH) * CH
        if rem:
            pltpu.sync_copy(rows0.at[pl.ds(0, rem)],
                            acc.at[pl.ds(row0 + (rpt // CH) * CH, rem)])

        pltpu.sync_copy(table_hbm.at[pl.ds(row0, rpt)],
                        table_sp.at[pl.ds(row0, rpt)])
        pltpu.sync_copy(src_hbm.at[wid], src2d)
        pltpu.sync_copy(dst_hbm.at[wid], dst2d)
        plsc.subcore_barrier()
        nch_t = jnp.where(c == 0, nch0, nch1)

        def gstart(i, rows, sem):
            pltpu.make_async_copy(table_sp.at[src2d.at[i]], rows, sem).start()

        def gwait(i, rows, sem):
            pltpu.make_async_copy(table_sp.at[src2d.at[i]], rows, sem).wait()

        def scatter(i, rows):
            pltpu.sync_copy(rows, acc.at[dst2d.at[i]], add=True)

        bufs = ((rows0, sem0), (rows1, sem1))
        nb = len(bufs)
        for k, (rows, sem) in enumerate(bufs):
            gstart(k, rows, sem)

        def body(g, carry):
            i0 = nb * g
            for k, (rows, sem) in enumerate(bufs):
                gwait(i0 + k, rows, sem)
                scatter(i0 + k, rows)
                gstart(i0 + nb + k, rows, sem)
            return carry

        lax.fori_loop(0, nch_t // nb - 1, body, 0)
        for k, (rows, sem) in enumerate(bufs):
            gwait(nch_t - nb + k, rows, sem)
            scatter(nch_t - nb + k, rows)
        plsc.subcore_barrier()
        pltpu.sync_copy(acc.at[pl.ds(row0, rpt)], out_hbm.at[c].at[pl.ds(row0, rpt)])

    return prop_kernel(table, src3d, dst3d)


def _dis(dp):
    ones = jnp.ones((NW, 1), jnp.float32)
    dsum = lax.dot_general(dp, ones, (((0,), (0,)), ((), ())),
                           preferred_element_type=jnp.float32)
    return lax.rsqrt(dsum + 1.0)


def _tc_prep(xp, w1, degparts, h):
    npad = xp.shape[0]

    def body(x_ref, w_ref, dp_ref, out_ref):
        dis = _dis(dp_ref[...])
        h1 = lax.dot_general(x_ref[...], w_ref[...], (((1,), (1,)), ((), ())),
                             preferred_element_type=jnp.float32)
        out_ref[...] = dis * h1

    return pl.pallas_call(
        body, out_shape=jax.ShapeDtypeStruct((npad, h), jnp.float32),
    )(xp, w1, degparts)


def _tc_mid(parts, hp, degparts, b2d, wnext):
    npad, h = hp.shape

    def body(p_ref, hp_ref, dp_ref, b_ref, w_ref, out_ref):
        dis = _dis(dp_ref[...])
        z = jnp.maximum(dis * (p_ref[0] + p_ref[1] + hp_ref[...]) + b_ref[...], 0.0)
        hn = lax.dot_general(z, w_ref[...], (((1,), (1,)), ((), ())),
                             preferred_element_type=jnp.float32)
        out_ref[...] = dis * hn

    return pl.pallas_call(
        body, out_shape=jax.ShapeDtypeStruct((npad, h), jnp.float32),
    )(parts, hp, degparts, b2d, wnext)


def _tc_final(parts, hp, degparts, b2d, batch2d, wlin, blin2d):
    npad, h = hp.shape
    ncls = wlin.shape[0]

    def body(p_ref, hp_ref, dp_ref, b_ref, bat_ref, wl_ref, bl_ref, out_ref):
        dis = _dis(dp_ref[...])
        z = jnp.maximum(dis * (p_ref[0] + p_ref[1] + hp_ref[...]) + b_ref[...], 0.0)
        gids = lax.broadcasted_iota(jnp.int32, (NUM_GRAPHS, npad), 0)
        onehot = (gids == bat_ref[...]).astype(jnp.float32)
        summed = lax.dot_general(onehot, z, (((1,), (0,)), ((), ())),
                                 preferred_element_type=jnp.float32)
        cnt = jnp.sum(onehot, axis=1, keepdims=True)
        pooled = summed / jnp.maximum(cnt, 1.0)
        logits = jnp.sum(pooled * wl_ref[...], axis=1, keepdims=True) + bl_ref[...]
        out_ref[...] = jax.nn.sigmoid(logits)

    return pl.pallas_call(
        body, out_shape=jax.ShapeDtypeStruct((NUM_GRAPHS, ncls), jnp.float32),
    )(parts, hp, degparts, b2d, batch2d, wlin, blin2d)


def kernel(x, edge_index, batch, W1, b1, W2, b2, W3, b3, Wlin, blin):
    n, d = x.shape
    h = W1.shape[0]
    e = edge_index.shape[1]

    npad = -(-(n + 1) // 128) * 128
    epad = -(-e // (NW * CH)) * (NW * CH)
    rpt = npad // NS
    pad_slot = npad - 1

    srcp = jnp.concatenate(
        [edge_index[0], jnp.full((epad - e,), pad_slot, jnp.int32)])
    dstp = jnp.concatenate(
        [edge_index[1], jnp.full((epad - e,), pad_slot, jnp.int32)])
    xp = jnp.pad(x, ((0, npad - n), (0, 0)))
    batch2d = jnp.pad(batch, (0, npad - n),
                      constant_values=NUM_GRAPHS).reshape(1, npad)
    zeros_n = jnp.zeros((npad,), jnp.float32)

    degparts = _sc_degree(dstp, zeros_n, npad)

    total_chunks = epad // (NS * CH)
    nch0 = (total_chunks * 70 // 100 // 4) * 4
    nch1 = total_chunks - nch0

    h1p = _tc_prep(xp, W1, degparts, h)
    p1 = _sc_propagate(h1p, srcp, dstp, npad, h, nch0, nch1)
    h2p = _tc_mid(p1, h1p, degparts, b1.reshape(1, h), W2)
    p2 = _sc_propagate(h2p, srcp, dstp, npad, h, nch0, nch1)
    h3p = _tc_mid(p2, h2p, degparts, b2.reshape(1, h), W3)
    p3 = _sc_propagate(h3p, srcp, dstp, npad, h, nch0, nch1)
    blin2d = jnp.broadcast_to(blin.reshape(1, -1), (NUM_GRAPHS, blin.shape[0]))
    return _tc_final(p3, h3p, degparts, b3.reshape(1, h), batch2d, Wlin, blin2d)

# --- scband reference (transcript-rebuilt; emitter-appended) ---
"""Pipeline reference for scband-sanskrit-gcn-77421080478045 (READ-ONLY COPY).

The authoritative reference and input builder live on the scoring server;
editing this copy changes nothing except your own understanding.
"""

import jax, jax.numpy as jnp
import numpy as np

N = 10000
E = 320000
D_IN = 128
H = 64
NUM_CLASSES = 1
B = 64


def setup_inputs(seed: int = 0) -> dict:
    key = jax.random.key(seed)
    ks = jax.random.split(key, 12)
    x = jax.random.normal(ks[0], (N, D_IN), dtype=jnp.float32)
    edge_index = jax.random.randint(ks[1], (2, E), 0, N, dtype=jnp.int32)
    batch = jnp.sort(jax.random.randint(ks[2], (N,), 0, B, dtype=jnp.int32))
    def lin_params(k, fan_in, fan_out):
        k1, k2 = jax.random.split(k)
        bound = 1.0 / np.sqrt(fan_in)
        W = jax.random.uniform(k1, (fan_out, fan_in), jnp.float32, -bound, bound)
        b = jax.random.uniform(k2, (fan_out,), jnp.float32, -bound, bound)
        return W, b
    W1, b1 = lin_params(ks[3], D_IN, H)
    W2, b2 = lin_params(ks[4], H, H)
    W3, b3 = lin_params(ks[5], H, H)
    Wlin, blin = lin_params(ks[6], H, NUM_CLASSES)
    return {"x": x, "edge_index": edge_index, "batch": batch,
            "W1": W1, "b1": b1, "W2": W2, "b2": b2, "W3": W3, "b3": b3,
            "Wlin": Wlin, "blin": blin}


def _gcn_conv(x, edge_index, W, b):
    # PyG GCNConv: add self loops, symmetric normalization D^-1/2 A D^-1/2,
    # linear transform first, then propagate (sum), then add bias.
    src = edge_index[0]
    dst = edge_index[1]
    loop = jnp.arange(N, dtype=edge_index.dtype)
    src = jnp.concatenate([src, loop])
    dst = jnp.concatenate([dst, loop])
    deg = jnp.zeros((N,), x.dtype).at[dst].add(1.0)
    deg_inv_sqrt = jnp.where(deg > 0, jax.lax.rsqrt(jnp.maximum(deg, 1e-12)), 0.0)
    norm = deg_inv_sqrt[src] * deg_inv_sqrt[dst]
    h = x @ W.T
    msg = h[src] * norm[:, None]
    out = jnp.zeros((N, h.shape[1]), x.dtype).at[dst].add(msg)
    return out + b


def reference(x, edge_index, batch, W1, b1, W2, b2, W3, b3, Wlin, blin):
    h = jax.nn.relu(_gcn_conv(x, edge_index, W1, b1))
    # dropout p=0.2 is identity in eval mode
    h = jax.nn.relu(_gcn_conv(h, edge_index, W2, b2))
    h = jax.nn.relu(_gcn_conv(h, edge_index, W3, b3))
    # global_mean_pool over batch assignment
    summed = jax.ops.segment_sum(h, batch, num_segments=B)
    counts = jax.ops.segment_sum(jnp.ones((N,), h.dtype), batch, num_segments=B)
    pooled = summed / jnp.maximum(counts, 1.0)[:, None]
    # dropout p=0.5 is identity in eval mode
    logits = pooled @ Wlin.T + blin
    return jax.nn.sigmoid(logits)

if __name__ == "__main__":
    import jax
    _d = setup_inputs()
    print(jax.jit(kernel)(*tuple(_d.values())))

</pallas_src>

<mosaic_0001>
#map = affine_map<(d0, d1) -> (0)>
#map1 = affine_map<(d0, d1) -> (0, 0)>
module attributes {stable_mosaic.version = 14 : i64} {
  func.func @deg_kernel(%arg0: i32, %arg1: i32, %arg2: memref<323584xi32, #tpu.memory_space<hbm>>, %arg3: memref<10112xf32, #tpu.memory_space<hbm>>, %arg4: memref<32x10112xf32, #tpu.memory_space<hbm>>, %arg5: memref<10112xi32, #tpu.memory_space<vmem>>, %arg6: memref<10112xf32, #tpu.memory_space<vmem>>) attributes {dimension_semantics = [#tpu.dimension_semantics<core_parallel>, #tpu.dimension_semantics<subcore_parallel>], iteration_bounds = array<i64: 2, 16>, scalar_prefetch = 0 : i64, scratch_operands = 2 : i64, tpu.core_type = #tpu.core_type<sc_vector_subcore>, window_params = [{transform_indices = #map}, {transform_indices = #map}, {transform_indices = #map1}]} {
    %mul3A = arith.constant 16 : i32
    %mul3A_0 = arith.muli %arg0, %mul3A : i32
    %add3A = arith.addi %mul3A_0, %arg1 : i32
    "tpu.region"() ({
      %run_scoped3A = tpu.sem_alloc : memref<!tpu.dma_semaphore, #tpu.memory_space<semaphore_mem>>
      tpu.enqueue_dma source(%arg3 : memref<10112xf32, #tpu.memory_space<hbm>>) target(%arg6 : memref<10112xf32, #tpu.memory_space<vmem>>) target_semaphore(%run_scoped3A : memref<!tpu.dma_semaphore, #tpu.memory_space<semaphore_mem>>)
      tpu.wait_dma2 semaphore(%run_scoped3A : memref<!tpu.dma_semaphore, #tpu.memory_space<semaphore_mem>>) src(%arg3 : memref<10112xf32, #tpu.memory_space<hbm>>) dst(%arg6 : memref<10112xf32, #tpu.memory_space<vmem>>)
      tpu.yield
    }) : () -> ()
    %mul3A_1 = arith.constant 10112 : i32
    %mul3A_2 = arith.muli %add3A, %mul3A_1 : i32
    "tpu.region"() ({
      %run_scoped3A = tpu.sem_alloc : memref<!tpu.dma_semaphore, #tpu.memory_space<semaphore_mem>>
      %dma_start3A = tpu.memref_slice %arg2[%mul3A_2] : memref<323584xi32, #tpu.memory_space<hbm>> -> memref<10112xi32, #tpu.memory_space<hbm>>
      %dma_start3A_9 = tpu.memref_slice %arg2[%mul3A_2] : memref<323584xi32, #tpu.memory_space<hbm>> -> memref<10112xi32, #tpu.memory_space<hbm>>
      tpu.enqueue_dma source(%dma_start3A_9 : memref<10112xi32, #tpu.memory_space<hbm>>) target(%arg5 : memref<10112xi32, #tpu.memory_space<vmem>>) target_semaphore(%run_scoped3A : memref<!tpu.dma_semaphore, #tpu.memory_space<semaphore_mem>>)
      %dma_wait3A = tpu.memref_slice %arg2[%mul3A_2] : memref<323584xi32, #tpu.memory_space<hbm>> -> memref<10112xi32, #tpu.memory_space<hbm>>
      %dma_wait3A_10 = tpu.memref_slice %arg2[%mul3A_2] : memref<323584xi32, #tpu.memory_space<hbm>> -> memref<10112xi32, #tpu.memory_space<hbm>>
      tpu.wait_dma2 semaphore(%run_scoped3A : memref<!tpu.dma_semaphore, #tpu.memory_space<semaphore_mem>>) src(%dma_wait3A_10 : memref<10112xi32, #tpu.memory_space<hbm>>) dst(%arg5 : memref<10112xi32, #tpu.memory_space<vmem>>)
      tpu.yield
    }) : () -> ()
    %broadcast_in_dim3A = arith.constant 1.000000e+00 : f32
    %broadcast_in_dim3A_3 = vector.broadcast %broadcast_in_dim3A : f32 to vector<16xf32>
    %scan3A = arith.constant 0 : i32
    %scan3A_4 = arith.constant 0 : i32
    %scan3A_5 = arith.constant 632 : i32
    %scan3A_6 = arith.addi %scan3A_4, %scan3A_5 : i32
    %scan3A_7 = arith.constant 1 : i32
    scf.for %scan3A_9 = %scan3A_4 to %scan3A_6 step %scan3A_7  : i32 {
      %mul3A_10 = arith.constant 16 : i32
      %mul3A_11 = arith.muli %scan3A_9, %mul3A_10 : i32
      %get3A = arith.index_cast %mul3A_11 : i32 to index
      %get3A_12 = tpu.vector_load %arg5[%get3A] {strides = array<i32>} : memref<10112xi32, #tpu.memory_space<vmem>>, vector<16xi32>,
      tpu.vector_store_idx %arg6[%get3A_12], %broadcast_in_dim3A_3 {add = true} : memref<10112xf32, #tpu.memory_space<vmem>>[vector<16xi32>], vector<16xf32>,
    }
    %scan3A_8 = arith.constant 632 : i32
    "tpu.region"() ({
      %run_scoped3A = tpu.sem_alloc : memref<!tpu.dma_semaphore, #tpu.memory_space<semaphore_mem>>
      %dma_start3A = arith.constant 0 : i32
      %dma_start3A_9 = tpu.memref_slice %arg4[%add3A, %dma_start3A] : memref<32x10112xf32, #tpu.memory_space<hbm>> -> memref<1x10112xf32, #tpu.memory_space<hbm>>
      %dma_start3A_10 = tpu.memref_squeeze %dma_start3A_9 : memref<1x10112xf32, #tpu.memory_space<hbm>> -> memref<10112xf32, #tpu.memory_space<hbm>>
      %dma_start3A_11 = arith.constant 0 : i32
      %dma_start3A_12 = tpu.memref_slice %arg4[%add3A, %dma_start3A_11] : memref<32x10112xf32, #tpu.memory_space<hbm>> -> memref<1x10112xf32, #tpu.memory_space<hbm>>
      %dma_start3A_13 = tpu.memref_squeeze %dma_start3A_12 : memref<1x10112xf32, #tpu.memory_space<hbm>> -> memref<10112xf32, #tpu.memory_space<hbm>>
      tpu.enqueue_dma source(%arg6 : memref<10112xf32, #tpu.memory_space<vmem>>) target(%dma_start3A_13 : memref<10112xf32, #tpu.memory_space<hbm>>) target_semaphore(%run_scoped3A : memref<!tpu.dma_semaphore, #tpu.memory_space<semaphore_mem>>)
      %dma_wait3A = arith.constant 0 : i32
      %dma_wait3A_14 = tpu.memref_slice %arg4[%add3A, %dma_wait3A] : memref<32x10112xf32, #tpu.memory_space<hbm>> -> memref<1x10112xf32, #tpu.memory_space<hbm>>
      %dma_wait3A_15 = tpu.memref_squeeze %dma_wait3A_14 : memref<1x10112xf32, #tpu.memory_space<hbm>> -> memref<10112xf32, #tpu.memory_space<hbm>>
      %dma_wait3A_16 = arith.constant 0 : i32
      %dma_wait3A_17 = tpu.memref_slice %arg4[%add3A, %dma_wait3A_16] : memref<32x10112xf32, #tpu.memory_space<hbm>> -> memref<1x10112xf32, #tpu.memory_space<hbm>>
      %dma_wait3A_18 = tpu.memref_squeeze %dma_wait3A_17 : memref<1x10112xf32, #tpu.memory_space<hbm>> -> memref<10112xf32, #tpu.memory_space<hbm>>
      tpu.wait_dma2 semaphore(%run_scoped3A : memref<!tpu.dma_semaphore, #tpu.memory_space<semaphore_mem>>) src(%arg6 : memref<10112xf32, #tpu.memory_space<vmem>>) dst(%dma_wait3A_18 : memref<10112xf32, #tpu.memory_space<hbm>>)
      tpu.yield
    }) : () -> ()
    return
  }
}

#map = affine_map<(d0, d1) -> (0, 0)>
#map1 = affine_map<(d0, d1) -> (0, 0, 0)>
module attributes {stable_mosaic.version = 14 : i64} {
  func.func @prop_kernel(%arg0: i32, %arg1: i32, %arg2: memref<10112x64xf32, #tpu.memory_space<hbm>>, %arg3: memref<32x108x128xi32, #tpu.memory_space<hbm>>, %arg4: memref<32x108x128xi32, #tpu.memory_space<hbm>>, %arg5: memref<2x10112x64xf32, #tpu.memory_space<hbm>>, %arg6: memref<108x128xi32, #tpu.memory_space<vmem>>, %arg7: memref<108x128xi32, #tpu.memory_space<vmem>>, %arg8: memref<128x64xf32, #tpu.memory_space<vmem>>, %arg9: memref<128x64xf32, #tpu.memory_space<vmem>>, %arg10: memref<10112x64xf32, #tpu.memory_space<vmem_shared>>, %arg11: memref<10112x64xf32, #tpu.memory_space<vmem_shared>>, %arg12: memref<!tpu.dma_semaphore, #tpu.memory_space<semaphore_mem>>, %arg13: memref<!tpu.dma_semaphore, #tpu.memory_space<semaphore_mem>>) attributes {dimension_semantics = [#tpu.dimension_semantics<core_parallel>, #tpu.dimension_semantics<subcore_parallel>], iteration_bounds = array<i64: 2, 16>, scalar_prefetch = 0 : i64, scratch_operands = 8 : i64, tpu.core_type = #tpu.core_type<sc_vector_subcore>, window_params = [{transform_indices = #map}, {transform_indices = #map1}, {transform_indices = #map1}, {transform_indices = #map1}]} {
    %mul3A = arith.constant 16 : i32
    %mul3A_0 = arith.muli %arg0, %mul3A : i32
    %add3A = arith.addi %mul3A_0, %arg1 : i32
    %mul3A_1 = arith.constant 632 : i32
    %mul3A_2 = arith.muli %arg1, %mul3A_1 : i32
    %broadcast_in_dim3A = arith.constant 0.000000e+00 : f32
    %broadcast_in_dim3A_3 = vector.broadcast %broadcast_in_dim3A : f32 to vector<16xf32>
    %scan3A = arith.constant 0 : i32
    %scan3A_4 = arith.constant 0 : i32
    %scan3A_5 = arith.constant 128 : i32
    %scan3A_6 = arith.addi %scan3A_4, %scan3A_5 : i32
    %scan3A_7 = arith.constant 1 : i32
    scf.for %scan3A_91 = %scan3A_4 to %scan3A_6 step %scan3A_7  : i32 {
      %swap3A = arith.index_cast %scan3A_91 : i32 to index
      %swap3A_92 = arith.constant 0 : index
      %swap3A_93 = tpu.vector_load %arg8[%swap3A, %swap3A_92] {strides = array<i32>} : memref<128x64xf32, #tpu.memory_space<vmem>>, vector<1x16xf32>,
      %swap3A_94 = vector.shape_cast %swap3A_93 : vector<1x16xf32> to vector<16xf32>
      %swap3A_95 = vector.shape_cast %broadcast_in_dim3A_3 : vector<16xf32> to vector<1x16xf32>
      tpu.vector_store %arg8[%swap3A, %swap3A_92], %swap3A_95 {strides = array<i32>} : memref<128x64xf32, #tpu.memory_space<vmem>>, vector<1x16xf32>,
      %swap3A_96 = arith.index_cast %scan3A_91 : i32 to index
      %swap3A_97 = arith.constant 16 : index
      %swap3A_98 = tpu.vector_load %arg8[%swap3A_96, %swap3A_97] {strides = array<i32>} : memref<128x64xf32, #tpu.memory_space<vmem>>, vector<1x16xf32>,
      %swap3A_99 = vector.shape_cast %swap3A_98 : vector<1x16xf32> to vector<16xf32>
      %swap3A_100 = vector.shape_cast %broadcast_in_dim3A_3 : vector<16xf32> to vector<1x16xf32>
      tpu.vector_store %arg8[%swap3A_96, %swap3A_97], %swap3A_100 {strides = array<i32>} : memref<128x64xf32, #tpu.memory_space<vmem>>, vector<1x16xf32>,
      %swap3A_101 = arith.index_cast %scan3A_91 : i32 to index
      %swap3A_102 = arith.constant 32 : index
      %swap3A_103 = tpu.vector_load %arg8[%swap3A_101, %swap3A_102] {strides = array<i32>} : memref<128x64xf32, #tpu.memory_space<vmem>>, vector<1x16xf32>,
      %swap3A_104 = vector.shape_cast %swap3A_103 : vector<1x16xf32> to vector<16xf32>
      %swap3A_105 = vector.shape_cast %broadcast_in_dim3A_3 : vector<16xf32> to vector<1x16xf32>
      tpu.vector_store %arg8[%swap3A_101, %swap3A_102], %swap3A_105 {strides = array<i32>} : memref<128x64xf32, #tpu.memory_space<vmem>>, vector<1x16xf32>,
      %swap3A_106 = arith.index_cast %scan3A_91 : i32 to index
      %swap3A_107 = arith.constant 48 : index
      %swap3A_108 = tpu.vector_load %arg8[%swap3A_106, %swap3A_107] {strides = array<i32>} : memref<128x64xf32, #tpu.memory_space<vmem>>, vector<1x16xf32>,
      %swap3A_109 = vector.shape_cast %swap3A_108 : vector<1x16xf32> to vector<16xf32>
      %swap3A_110 = vector.shape_cast %broadcast_in_dim3A_3 : vector<16xf32> to vector<1x16xf32>
      tpu.vector_store %arg8[%swap3A_106, %swap3A_107], %swap3A_110 {strides = array<i32>} : memref<128x64xf32, #tpu.memory_space<vmem>>, vector<1x16xf32>,
    }
    %scan3A_8 = arith.constant 128 : i32
    %add3A_9 = arith.constant 0 : i32
    %add3A_10 = arith.addi %mul3A_2, %add3A_9 : i32
    "tpu.region"() ({
      %run_scoped3A = tpu.sem_alloc : memref<!tpu.dma_semaphore, #tpu.memory_space<semaphore_mem>>
      %dma_start3A_91 = arith.constant 0 : i32
      %dma_start3A_92 = tpu.memref_slice %arg10[%add3A_10, %dma_start3A_91] : memref<10112x64xf32, #tpu.memory_space<vmem_shared>> -> memref<128x64xf32, #tpu.memory_space<vmem_shared>>
      %dma_start3A_93 = arith.constant 0 : i32
      %dma_start3A_94 = tpu.memref_slice %arg10[%add3A_10, %dma_start3A_93] : memref<10112x64xf32, #tpu.memory_space<vmem_shared>> -> memref<128x64xf32, #tpu.memory_space<vmem_shared>>
      tpu.enqueue_dma source(%arg8 : memref<128x64xf32, #tpu.memory_space<vmem>>) target(%dma_start3A_94 : memref<128x64xf32, #tpu.memory_space<vmem_shared>>) target_semaphore(%run_scoped3A : memref<!tpu.dma_semaphore, #tpu.memory_space<semaphore_mem>>)
      %dma_wait3A_95 = arith.constant 0 : i32
      %dma_wait3A_96 = tpu.memref_slice %arg10[%add3A_10, %dma_wait3A_95] : memref<10112x64xf32, #tpu.memory_space<vmem_shared>> -> memref<128x64xf32, #tpu.memory_space<vmem_shared>>
      %dma_wait3A_97 = arith.constant 0 : i32
      %dma_wait3A_98 = tpu.memref_slice %arg10[%add3A_10, %dma_wait3A_97] : memref<10112x64xf32, #tpu.memory_space<vmem_shared>> -> memref<128x64xf32, #tpu.memory_space<vmem_shared>>
      tpu.wait_dma2 semaphore(%run_scoped3A : memref<!tpu.dma_semaphore, #tpu.memory_space<semaphore_mem>>) src(%arg8 : memref<128x64xf32, #tpu.memory_space<vmem>>) dst(%dma_wait3A_98 : memref<128x64xf32, #tpu.memory_space<vmem_shared>>)
      tpu.yield
    }) : () -> ()
    %add3A_11 = arith.constant 128 : i32
    %add3A_12 = arith.addi %mul3A_2, %add3A_11 : i32
    "tpu.region"() ({
      %run_scoped3A = tpu.sem_alloc : memref<!tpu.dma_semaphore, #tpu.memory_space<semaphore_mem>>
      %dma_start3A_91 = arith.constant 0 : i32
      %dma_start3A_92 = tpu.memref_slice %arg10[%add3A_12, %dma_start3A_91] : memref<10112x64xf32, #tpu.memory_space<vmem_shared>> -> memref<128x64xf32, #tpu.memory_space<vmem_shared>>
      %dma_start3A_93 = arith.constant 0 : i32
      %dma_start3A_94 = tpu.memref_slice %arg10[%add3A_12, %dma_start3A_93] : memref<10112x64xf32, #tpu.memory_space<vmem_shared>> -> memref<128x64xf32, #tpu.memory_space<vmem_shared>>
      tpu.enqueue_dma source(%arg8 : memref<128x64xf32, #tpu.memory_space<vmem>>) target(%dma_start3A_94 : memref<128x64xf32, #tpu.memory_space<vmem_shared>>) target_semaphore(%run_scoped3A : memref<!tpu.dma_semaphore, #tpu.memory_space<semaphore_mem>>)
      %dma_wait3A_95 = arith.constant 0 : i32
      %dma_wait3A_96 = tpu.memref_slice %arg10[%add3A_12, %dma_wait3A_95] : memref<10112x64xf32, #tpu.memory_space<vmem_shared>> -> memref<128x64xf32, #tpu.memory_space<vmem_shared>>
      %dma_wait3A_97 = arith.constant 0 : i32
      %dma_wait3A_98 = tpu.memref_slice %arg10[%add3A_12, %dma_wait3A_97] : memref<10112x64xf32, #tpu.memory_space<vmem_shared>> -> memref<128x64xf32, #tpu.memory_space<vmem_shared>>
      tpu.wait_dma2 semaphore(%run_scoped3A : memref<!tpu.dma_semaphore, #tpu.memory_space<semaphore_mem>>) src(%arg8 : memref<128x64xf32, #tpu.memory_space<vmem>>) dst(%dma_wait3A_98 : memref<128x64xf32, #tpu.memory_space<vmem_shared>>)
      tpu.yield
    }) : () -> ()
    %add3A_13 = arith.constant 256 : i32
    %add3A_14 = arith.addi %mul3A_2, %add3A_13 : i32
    "tpu.region"() ({
      %run_scoped3A = tpu.sem_alloc : memref<!tpu.dma_semaphore, #tpu.memory_space<semaphore_mem>>
      %dma_start3A_91 = arith.constant 0 : i32
      %dma_start3A_92 = tpu.memref_slice %arg10[%add3A_14, %dma_start3A_91] : memref<10112x64xf32, #tpu.memory_space<vmem_shared>> -> memref<128x64xf32, #tpu.memory_space<vmem_shared>>
      %dma_start3A_93 = arith.constant 0 : i32
      %dma_start3A_94 = tpu.memref_slice %arg10[%add3A_14, %dma_start3A_93] : memref<10112x64xf32, #tpu.memory_space<vmem_shared>> -> memref<128x64xf32, #tpu.memory_space<vmem_shared>>
      tpu.enqueue_dma source(%arg8 : memref<128x64xf32, #tpu.memory_space<vmem>>) target(%dma_start3A_94 : memref<128x64xf32, #tpu.memory_space<vmem_shared>>) target_semaphore(%run_scoped3A : memref<!tpu.dma_semaphore, #tpu.memory_space<semaphore_mem>>)
      %dma_wait3A_95 = arith.constant 0 : i32
      %dma_wait3A_96 = tpu.memref_slice %arg10[%add3A_14, %dma_wait3A_95] : memref<10112x64xf32, #tpu.memory_space<vmem_shared>> -> memref<128x64xf32, #tpu.memory_space<vmem_shared>>
      %dma_wait3A_97 = arith.constant 0 : i32
      %dma_wait3A_98 = tpu.memref_slice %arg10[%add3A_14, %dma_wait3A_97] : memref<10112x64xf32, #tpu.memory_space<vmem_shared>> -> memref<128x64xf32, #tpu.memory_space<vmem_shared>>
      tpu.wait_dma2 semaphore(%run_scoped3A : memref<!tpu.dma_semaphore, #tpu.memory_space<semaphore_mem>>) src(%arg8 : memref<128x64xf32, #tpu.memory_space<vmem>>) dst(%dma_wait3A_98 : memref<128x64xf32, #tpu.memory_space<vmem_shared>>)
      tpu.yield
    }) : () -> ()
    %add3A_15 = arith.constant 384 : i32
    %add3A_16 = arith.addi %mul3A_2, %add3A_15 : i32
    "tpu.region"() ({
      %run_scoped3A = tpu.sem_alloc : memref<!tpu.dma_semaphore, #tpu.memory_space<semaphore_mem>>
      %dma_start3A_91 = arith.constant 0 : i32
      %dma_start3A_92 = tpu.memref_slice %arg10[%add3A_16, %dma_start3A_91] : memref<10112x64xf32, #tpu.memory_space<vmem_shared>> -> memref<128x64xf32, #tpu.memory_space<vmem_shared>>
      %dma_start3A_93 = arith.constant 0 : i32
      %dma_start3A_94 = tpu.memref_slice %arg10[%add3A_16, %dma_start3A_93] : memref<10112x64xf32, #tpu.memory_space<vmem_shared>> -> memref<128x64xf32, #tpu.memory_space<vmem_shared>>
      tpu.enqueue_dma source(%arg8 : memref<128x64xf32, #tpu.memory_space<vmem>>) target(%dma_start3A_94 : memref<128x64xf32, #tpu.memory_space<vmem_shared>>) target_semaphore(%run_scoped3A : memref<!tpu.dma_semaphore, #tpu.memory_space<semaphore_mem>>)
      %dma_wait3A_95 = arith.constant 0 : i32
      %dma_wait3A_96 = tpu.memref_slice %arg10[%add3A_16, %dma_wait3A_95] : memref<10112x64xf32, #tpu.memory_space<vmem_shared>> -> memref<128x64xf32, #tpu.memory_space<vmem_shared>>
      %dma_wait3A_97 = arith.constant 0 : i32
      %dma_wait3A_98 = tpu.memref_slice %arg10[%add3A_16, %dma_wait3A_97] : memref<10112x64xf32, #tpu.memory_space<vmem_shared>> -> memref<128x64xf32, #tpu.memory_space<vmem_shared>>
      tpu.wait_dma2 semaphore(%run_scoped3A : memref<!tpu.dma_semaphore, #tpu.memory_space<semaphore_mem>>) src(%arg8 : memref<128x64xf32, #tpu.memory_space<vmem>>) dst(%dma_wait3A_98 : memref<128x64xf32, #tpu.memory_space<vmem_shared>>)
      tpu.yield
    }) : () -> ()
    %add3A_17 = arith.constant 512 : i32
    %add3A_18 = arith.addi %mul3A_2, %add3A_17 : i32
    "tpu.region"() ({
      %run_scoped3A = tpu.sem_alloc : memref<!tpu.dma_semaphore, #tpu.memory_space<semaphore_mem>>
      %dma_start3A_91 = arith.constant 0 : i32
      %dma_start3A_92 = arith.constant 0 : i32
      %dma_start3A_93 = tpu.memref_slice %arg8[%dma_start3A_91, %dma_start3A_92] : memref<128x64xf32, #tpu.memory_space<vmem>> -> memref<120x64xf32, #tpu.memory_space<vmem>>
      %dma_start3A_94 = arith.constant 0 : i32
      %dma_start3A_95 = tpu.memref_slice %arg10[%add3A_18, %dma_start3A_94] : memref<10112x64xf32, #tpu.memory_space<vmem_shared>> -> memref<120x64xf32, #tpu.memory_space<vmem_shared>>
      %dma_start3A_96 = arith.constant 0 : i32
      %dma_start3A_97 = tpu.memref_slice %arg10[%add3A_18, %dma_start3A_96] : memref<10112x64xf32, #tpu.memory_space<vmem_shared>> -> memref<120x64xf32, #tpu.memory_space<vmem_shared>>
      %dma_start3A_98 = arith.constant 0 : i32
      %dma_start3A_99 = arith.constant 0 : i32
      %dma_start3A_100 = tpu.memref_slice %arg8[%dma_start3A_98, %dma_start3A_99] : memref<128x64xf32, #tpu.memory_space<vmem>> -> memref<120x64xf32, #tpu.memory_space<vmem>>
      tpu.enqueue_dma source(%dma_start3A_100 : memref<120x64xf32, #tpu.memory_space<vmem>>) target(%dma_start3A_97 : memref<120x64xf32, #tpu.memory_space<vmem_shared>>) target_semaphore(%run_scoped3A : memref<!tpu.dma_semaphore, #tpu.memory_space<semaphore_mem>>)
      %dma_wait3A_101 = arith.constant 0 : i32
      %dma_wait3A_102 = arith.constant 0 : i32
      %dma_wait3A_103 = tpu.memref_slice %arg8[%dma_wait3A_101, %dma_wait3A_102] : memref<128x64xf32, #tpu.memory_space<vmem>> -> memref<120x64xf32, #tpu.memory_space<vmem>>
      %dma_wait3A_104 = arith.constant 0 : i32
      %dma_wait3A_105 = tpu.memref_slice %arg10[%add3A_18, %dma_wait3A_104] : memref<10112x64xf32, #tpu.memory_space<vmem_shared>> -> memref<120x64xf32, #tpu.memory_space<vmem_shared>>
      %dma_wait3A_106 = arith.constant 0 : i32
      %dma_wait3A_107 = tpu.memref_slice %arg10[%add3A_18, %dma_wait3A_106] : memref<10112x64xf32, #tpu.memory_space<vmem_shared>> -> memref<120x64xf32, #tpu.memory_space<vmem_shared>>
      %dma_wait3A_108 = arith.constant 0 : i32
      %dma_wait3A_109 = arith.constant 0 : i32
      %dma_wait3A_110 = tpu.memref_slice %arg8[%dma_wait3A_108, %dma_wait3A_109] : memref<128x64xf32, #tpu.memory_space<vmem>> -> memref<120x64xf32, #tpu.memory_space<vmem>>
      tpu.wait_dma2 semaphore(%run_scoped3A : memref<!tpu.dma_semaphore, #tpu.memory_space<semaphore_mem>>) src(%dma_wait3A_110 : memref<120x64xf32, #tpu.memory_space<vmem>>) dst(%dma_wait3A_107 : memref<120x64xf32, #tpu.memory_space<vmem_shared>>)
      tpu.yield
    }) : () -> ()
    "tpu.region"() ({
      %run_scoped3A = tpu.sem_alloc : memref<!tpu.dma_semaphore, #tpu.memory_space<semaphore_mem>>
      %dma_start3A_91 = arith.constant 0 : i32
      %dma_start3A_92 = tpu.memref_slice %arg11[%mul3A_2, %dma_start3A_91] : memref<10112x64xf32, #tpu.memory_space<vmem_shared>> -> memref<632x64xf32, #tpu.memory_space<vmem_shared>>
      %dma_start3A_93 = arith.constant 0 : i32
      %dma_start3A_94 = tpu.memref_slice %arg2[%mul3A_2, %dma_start3A_93] : memref<10112x64xf32, #tpu.memory_space<hbm>> -> memref<632x64xf32, #tpu.memory_space<hbm>>
      tpu.enqueue_dma source(%dma_start3A_94 : memref<632x64xf32, #tpu.memory_space<hbm>>) target(%dma_start3A_92 : memref<632x64xf32, #tpu.memory_space<vmem_shared>>) target_semaphore(%run_scoped3A : memref<!tpu.dma_semaphore, #tpu.memory_space<semaphore_mem>>)
      %dma_wait3A_95 = arith.constant 0 : i32
      %dma_wait3A_96 = tpu.memref_slice %arg11[%mul3A_2, %dma_wait3A_95] : memref<10112x64xf32, #tpu.memory_space<vmem_shared>> -> memref<632x64xf32, #tpu.memory_space<vmem_shared>>
      %dma_wait3A_97 = arith.constant 0 : i32
      %dma_wait3A_98 = tpu.memref_slice %arg2[%mul3A_2, %dma_wait3A_97] : memref<10112x64xf32, #tpu.memory_space<hbm>> -> memref<632x64xf32, #tpu.memory_space<hbm>>
      tpu.wait_dma2 semaphore(%run_scoped3A : memref<!tpu.dma_semaphore, #tpu.memory_space<semaphore_mem>>) src(%dma_wait3A_98 : memref<632x64xf32, #tpu.memory_space<hbm>>) dst(%dma_wait3A_96 : memref<632x64xf32, #tpu.memory_space<vmem_shared>>)
      tpu.yield
    }) : () -> ()
    "tpu.region"() ({
      %run_scoped3A = tpu.sem_alloc : memref<!tpu.dma_semaphore, #tpu.memory_space<semaphore_mem>>
      %dma_start3A_91 = arith.constant 0 : i32
      %dma_start3A_92 = arith.constant 0 : i32
      %dma_start3A_93 = tpu.memref_slice %arg3[%add3A, %dma_start3A_91, %dma_start3A_92] : memref<32x108x128xi32, #tpu.memory_space<hbm>> -> memref<1x108x128xi32, #tpu.memory_space<hbm>>
      %dma_start3A_94 = tpu.memref_squeeze %dma_start3A_93 : memref<1x108x128xi32, #tpu.memory_space<hbm>> -> memref<108x128xi32, #tpu.memory_space<hbm>>
      %dma_start3A_95 = arith.constant 0 : i32
      %dma_start3A_96 = arith.constant 0 : i32
      %dma_start3A_97 = tpu.memref_slice %arg3[%add3A, %dma_start3A_95, %dma_start3A_96] : memref<32x108x128xi32, #tpu.memory_space<hbm>> -> memref<1x108x128xi32, #tpu.memory_space<hbm>>
      %dma_start3A_98 = tpu.memref_squeeze %dma_start3A_97 : memref<1x108x128xi32, #tpu.memory_space<hbm>> -> memref<108x128xi32, #tpu.memory_space<hbm>>
      tpu.enqueue_dma source(%dma_start3A_98 : memref<108x128xi32, #tpu.memory_space<hbm>>) target(%arg6 : memref<108x128xi32, #tpu.memory_space<vmem>>) target_semaphore(%run_scoped3A : memref<!tpu.dma_semaphore, #tpu.memory_space<semaphore_mem>>)
      %dma_wait3A_99 = arith.constant 0 : i32
      %dma_wait3A_100 = arith.constant 0 : i32
      %dma_wait3A_101 = tpu.memref_slice %arg3[%add3A, %dma_wait3A_99, %dma_wait3A_100] : memref<32x108x128xi32, #tpu.memory_space<hbm>> -> memref<1x108x128xi32, #tpu.memory_space<hbm>>
      %dma_wait3A_102 = tpu.memref_squeeze %dma_wait3A_101 : memref<1x108x128xi32, #tpu.memory_space<hbm>> -> memref<108x128xi32, #tpu.memory_space<hbm>>
      %dma_wait3A_103 = arith.constant 0 : i32
      %dma_wait3A_104 = arith.constant 0 : i32
      %dma_wait3A_105 = tpu.memref_slice %arg3[%add3A, %dma_wait3A_103, %dma_wait3A_104] : memref<32x108x128xi32, #tpu.memory_space<hbm>> -> memref<1x108x128xi32, #tpu.memory_space<hbm>>
      %dma_wait3A_106 = tpu.memref_squeeze %dma_wait3A_105 : memref<1x108x128xi32, #tpu.memory_space<hbm>> -> memref<108x128xi32, #tpu.memory_space<hbm>>
      tpu.wait_dma2 semaphore(%run_scoped3A : memref<!tpu.dma_semaphore, #tpu.memory_space<semaphore_mem>>) src(%dma_wait3A_106 : memref<108x128xi32, #tpu.memory_space<hbm>>) dst(%arg6 : memref<108x128xi32, #tpu.memory_space<vmem>>)
      tpu.yield
    }) : () -> ()
    "tpu.region"() ({
      %run_scoped3A = tpu.sem_alloc : memref<!tpu.dma_semaphore, #tpu.memory_space<semaphore_mem>>
      %dma_start3A_91 = arith.constant 0 : i32
      %dma_start3A_92 = arith.constant 0 : i32
      %dma_start3A_93 = tpu.memref_slice %arg4[%add3A, %dma_start3A_91, %dma_start3A_92] : memref<32x108x128xi32, #tpu.memory_space<hbm>> -> memref<1x108x128xi32, #tpu.memory_space<hbm>>
      %dma_start3A_94 = tpu.memref_squeeze %dma_start3A_93 : memref<1x108x128xi32, #tpu.memory_space<hbm>> -> memref<108x128xi32, #tpu.memory_space<hbm>>
      %dma_start3A_95 = arith.constant 0 : i32
      %dma_start3A_96 = arith.constant 0 : i32
      %dma_start3A_97 = tpu.memref_slice %arg4[%add3A, %dma_start3A_95, %dma_start3A_96] : memref<32x108x128xi32, #tpu.memory_space<hbm>> -> memref<1x108x128xi32, #tpu.memory_space<hbm>>
      %dma_start3A_98 = tpu.memref_squeeze %dma_start3A_97 : memref<1x108x128xi32, #tpu.memory_space<hbm>> -> memref<108x128xi32, #tpu.memory_space<hbm>>
      tpu.enqueue_dma source(%dma_start3A_98 : memref<108x128xi32, #tpu.memory_space<hbm>>) target(%arg7 : memref<108x128xi32, #tpu.memory_space<vmem>>) target_semaphore(%run_scoped3A : memref<!tpu.dma_semaphore, #tpu.memory_space<semaphore_mem>>)
      %dma_wait3A_99 = arith.constant 0 : i32
      %dma_wait3A_100 = arith.constant 0 : i32
      %dma_wait3A_101 = tpu.memref_slice %arg4[%add3A, %dma_wait3A_99, %dma_wait3A_100] : memref<32x108x128xi32, #tpu.memory_space<hbm>> -> memref<1x108x128xi32, #tpu.memory_space<hbm>>
      %dma_wait3A_102 = tpu.memref_squeeze %dma_wait3A_101 : memref<1x108x128xi32, #tpu.memory_space<hbm>> -> memref<108x128xi32, #tpu.memory_space<hbm>>
      %dma_wait3A_103 = arith.constant 0 : i32
      %dma_wait3A_104 = arith.constant 0 : i32
      %dma_wait3A_105 = tpu.memref_slice %arg4[%add3A, %dma_wait3A_103, %dma_wait3A_104] : memref<32x108x128xi32, #tpu.memory_space<hbm>> -> memref<1x108x128xi32, #tpu.memory_space<hbm>>
      %dma_wait3A_106 = tpu.memref_squeeze %dma_wait3A_105 : memref<1x108x128xi32, #tpu.memory_space<hbm>> -> memref<108x128xi32, #tpu.memory_space<hbm>>
      tpu.wait_dma2 semaphore(%run_scoped3A : memref<!tpu.dma_semaphore, #tpu.memory_space<semaphore_mem>>) src(%dma_wait3A_106 : memref<108x128xi32, #tpu.memory_space<hbm>>) dst(%arg7 : memref<108x128xi32, #tpu.memory_space<vmem>>)
      tpu.yield
    }) : () -> ()
    %barrier3A = arith.constant 0 : index
    tpu.barrier barrier_id(%barrier3A)
    %eq3A = arith.constant 0 : i32
    %eq3A_19 = arith.cmpi eq, %arg0, %eq3A : i32
    %jit3A = arith.constant 108 : i32
    %jit3A_20 = arith.constant 50 : i32
    %select_n3A = arith.select %eq3A_19, %jit3A, %jit3A_20 : i32
    %dma_start3A = arith.constant 0 : i32
    %dma_start3A_21 = arith.constant 0 : i32
    %dma_start3A_22 = tpu.memref_slice %arg6[%dma_start3A, %dma_start3A_21] : memref<108x128xi32, #tpu.memory_space<vmem>> -> memref<1x128xi32, #tpu.memory_space<vmem>>
    %dma_start3A_23 = tpu.memref_squeeze %dma_start3A_22 : memref<1x128xi32, #tpu.memory_space<vmem>> -> memref<128xi32, #tpu.memory_space<vmem>>
    %dma_start3A_24 = arith.constant 0 : i32
    %dma_start3A_25 = arith.constant 0 : i32
    %dma_start3A_26 = tpu.memref_slice %arg11[%dma_start3A_24, %dma_start3A_25] : memref<10112x64xf32, #tpu.memory_space<vmem_shared>> -> memref<10112x64xf32, #tpu.memory_space<vmem_shared>>
    tpu.enqueue_indirect_dma source(%dma_start3A_26 : memref<10112x64xf32, #tpu.memory_space<vmem_shared>>) target(%arg8 : memref<128x64xf32, #tpu.memory_space<vmem>>) offsets(%dma_start3A_23 : memref<128xi32, #tpu.memory_space<vmem>>) semaphore(%arg12 : memref<!tpu.dma_semaphore, #tpu.memory_space<semaphore_mem>>)
    %dma_start3A_27 = arith.constant 1 : i32
    %dma_start3A_28 = arith.constant 0 : i32
    %dma_start3A_29 = tpu.memref_slice %arg6[%dma_start3A_27, %dma_start3A_28] : memref<108x128xi32, #tpu.memory_space<vmem>> -> memref<1x128xi32, #tpu.memory_space<vmem>>
    %dma_start3A_30 = tpu.memref_squeeze %dma_start3A_29 : memref<1x128xi32, #tpu.memory_space<vmem>> -> memref<128xi32, #tpu.memory_space<vmem>>
    %dma_start3A_31 = arith.constant 0 : i32
    %dma_start3A_32 = arith.constant 0 : i32
    %dma_start3A_33 = tpu.memref_slice %arg11[%dma_start3A_31, %dma_start3A_32] : memref<10112x64xf32, #tpu.memory_space<vmem_shared>> -> memref<10112x64xf32, #tpu.memory_space<vmem_shared>>
    tpu.enqueue_indirect_dma source(%dma_start3A_33 : memref<10112x64xf32, #tpu.memory_space<vmem_shared>>) target(%arg9 : memref<128x64xf32, #tpu.memory_space<vmem>>) offsets(%dma_start3A_30 : memref<128xi32, #tpu.memory_space<vmem>>) semaphore(%arg13 : memref<!tpu.dma_semaphore, #tpu.memory_space<semaphore_mem>>)
    %jit3A_34 = arith.constant 2 : i32
    %div3A = arith.divsi %select_n3A, %jit3A_34 : i32
    %sign3A = arith.constant 0 : i32
    %sign3A_35 = arith.cmpi sgt, %select_n3A, %sign3A : i32
    %sign3A_36 = arith.extui %sign3A_35 : i1 to i32
    %sign3A_37 = arith.constant 0 : i32
    %sign3A_38 = arith.cmpi slt, %select_n3A, %sign3A_37 : i32
    %sign3A_39 = arith.extui %sign3A_38 : i1 to i32
    %sign3A_40 = arith.subi %sign3A_36, %sign3A_39 : i32
    %sign3A_41 = arith.constant 0 : i32
    %sign3A_42 = arith.cmpi sgt, %jit3A_34, %sign3A_41 : i32
    %sign3A_43 = arith.extui %sign3A_42 : i1 to i32
    %sign3A_44 = arith.constant 0 : i32
    %sign3A_45 = arith.cmpi slt, %jit3A_34, %sign3A_44 : i32
    %sign3A_46 = arith.extui %sign3A_45 : i1 to i32
    %sign3A_47 = arith.subi %sign3A_43, %sign3A_46 : i32
    %ne3A = arith.cmpi ne, %sign3A_40, %sign3A_47 : i32
    %rem3A = arith.remsi %select_n3A, %jit3A_34 : i32
    %ne3A_48 = arith.constant 0 : i32
    %ne3A_49 = arith.cmpi ne, %rem3A, %ne3A_48 : i32
    %and3A = arith.andi %ne3A, %ne3A_49 : i1
    %sub3A = arith.constant 1 : i32
    %sub3A_50 = arith.subi %div3A, %sub3A : i32
    %select_n3A_51 = arith.select %and3A, %sub3A_50, %div3A : i32
    %sub3A_52 = arith.constant 1 : i32
    %sub3A_53 = arith.subi %select_n3A_51, %sub3A_52 : i32
    %while3A = arith.constant 0 : i32
    %while3A_54 = arith.constant 0 : i32
    %while3A_55 = arith.subi %sub3A_53, %while3A_54 : i32
    %while3A_56 = arith.addi %while3A_54, %while3A_55 : i32
    %while3A_57 = arith.constant 1 : i32
    %while3A_58 = arith.divsi %while3A_55, %while3A_57 : i32
    %while3A_59 = arith.muli %while3A_58, %while3A_57 : i32
    %while3A_60 = arith.addi %while3A_54, %while3A_59 : i32
    %while3A_61 = arith.constant 1 : i32
    scf.for %while3A_91 = %while3A_54 to %while3A_60 step %while3A_61  : i32 {
      %mul3A_92 = arith.constant 2 : i32
      %mul3A_93 = arith.muli %mul3A_92, %while3A_91 : i32
      %add3A_94 = arith.constant 0 : i32
      %add3A_95 = arith.addi %mul3A_93, %add3A_94 : i32
      %dma_wait3A_96 = arith.constant 0 : i32
      %dma_wait3A_97 = tpu.memref_slice %arg6[%add3A_95, %dma_wait3A_96] : memref<108x128xi32, #tpu.memory_space<vmem>> -> memref<1x128xi32, #tpu.memory_space<vmem>>
      %dma_wait3A_98 = tpu.memref_squeeze %dma_wait3A_97 : memref<1x128xi32, #tpu.memory_space<vmem>> -> memref<128xi32, #tpu.memory_space<vmem>>
      %dma_wait3A_99 = arith.constant 0 : i32
      %dma_wait3A_100 = arith.constant 0 : i32
      %dma_wait3A_101 = tpu.memref_slice %arg11[%dma_wait3A_99, %dma_wait3A_100] : memref<10112x64xf32, #tpu.memory_space<vmem_shared>> -> memref<10112x64xf32, #tpu.memory_space<vmem_shared>>
      tpu.wait_indirect_dma semaphore(%arg12 : memref<!tpu.dma_semaphore, #tpu.memory_space<semaphore_mem>>) src(%dma_wait3A_101 : memref<10112x64xf32, #tpu.memory_space<vmem_shared>>) dst(%arg8 : memref<128x64xf32, #tpu.memory_space<vmem>>)
      %add3A_102 = arith.constant 0 : i32
      %add3A_103 = arith.addi %mul3A_93, %add3A_102 : i32
      "tpu.region"() ({
        %run_scoped3A = tpu.sem_alloc : memref<!tpu.dma_semaphore, #tpu.memory_space<semaphore_mem>>
        %dma_start3A_134 = arith.constant 0 : i32
        %dma_start3A_135 = tpu.memref_slice %arg7[%add3A_103, %dma_start3A_134] : memref<108x128xi32, #tpu.memory_space<vmem>> -> memref<1x128xi32, #tpu.memory_space<vmem>>
        %dma_start3A_136 = tpu.memref_squeeze %dma_start3A_135 : memref<1x128xi32, #tpu.memory_space<vmem>> -> memref<128xi32, #tpu.memory_space<vmem>>
        %dma_start3A_137 = arith.constant 0 : i32
        %dma_start3A_138 = arith.constant 0 : i32
        %dma_start3A_139 = tpu.memref_slice %arg10[%dma_start3A_137, %dma_start3A_138] : memref<10112x64xf32, #tpu.memory_space<vmem_shared>> -> memref<10112x64xf32, #tpu.memory_space<vmem_shared>>
        tpu.enqueue_indirect_dma source(%arg8 : memref<128x64xf32, #tpu.memory_space<vmem>>) target(%dma_start3A_139 : memref<10112x64xf32, #tpu.memory_space<vmem_shared>>) offsets(%dma_start3A_136 : memref<128xi32, #tpu.memory_space<vmem>>) semaphore(%run_scoped3A : memref<!tpu.dma_semaphore, #tpu.memory_space<semaphore_mem>>) {add = true}
        %dma_wait3A_140 = arith.constant 0 : i32
        %dma_wait3A_141 = tpu.memref_slice %arg7[%add3A_103, %dma_wait3A_140] : memref<108x128xi32, #tpu.memory_space<vmem>> -> memref<1x128xi32, #tpu.memory_space<vmem>>
        %dma_wait3A_142 = tpu.memref_squeeze %dma_wait3A_141 : memref<1x128xi32, #tpu.memory_space<vmem>> -> memref<128xi32, #tpu.memory_space<vmem>>
        %dma_wait3A_143 = arith.constant 0 : i32
        %dma_wait3A_144 = arith.constant 0 : i32
        %dma_wait3A_145 = tpu.memref_slice %arg10[%dma_wait3A_143, %dma_wait3A_144] : memref<10112x64xf32, #tpu.memory_space<vmem_shared>> -> memref<10112x64xf32, #tpu.memory_space<vmem_shared>>
        tpu.wait_indirect_dma semaphore(%run_scoped3A : memref<!tpu.dma_semaphore, #tpu.memory_space<semaphore_mem>>) src(%arg8 : memref<128x64xf32, #tpu.memory_space<vmem>>) dst(%dma_wait3A_145 : memref<10112x64xf32, #tpu.memory_space<vmem_shared>>)
        tpu.yield
      }) : () -> ()
      %add3A_104 = arith.constant 2 : i32
      %add3A_105 = arith.addi %mul3A_93, %add3A_104 : i32
      %add3A_106 = arith.constant 0 : i32
      %add3A_107 = arith.addi %add3A_105, %add3A_106 : i32
      %dma_start3A_108 = arith.constant 0 : i32
      %dma_start3A_109 = tpu.memref_slice %arg6[%add3A_107, %dma_start3A_108] : memref<108x128xi32, #tpu.memory_space<vmem>> -> memref<1x128xi32, #tpu.memory_space<vmem>>
      %dma_start3A_110 = tpu.memref_squeeze %dma_start3A_109 : memref<1x128xi32, #tpu.memory_space<vmem>> -> memref<128xi32, #tpu.memory_space<vmem>>
      %dma_start3A_111 = arith.constant 0 : i32
      %dma_start3A_112 = arith.constant 0 : i32
      %dma_start3A_113 = tpu.memref_slice %arg11[%dma_start3A_111, %dma_start3A_112] : memref<10112x64xf32, #tpu.memory_space<vmem_shared>> -> memref<10112x64xf32, #tpu.memory_space<vmem_shared>>
      tpu.enqueue_indirect_dma source(%dma_start3A_113 : memref<10112x64xf32, #tpu.memory_space<vmem_shared>>) target(%arg8 : memref<128x64xf32, #tpu.memory_space<vmem>>) offsets(%dma_start3A_110 : memref<128xi32, #tpu.memory_space<vmem>>) semaphore(%arg12 : memref<!tpu.dma_semaphore, #tpu.memory_space<semaphore_mem>>)
      %add3A_114 = arith.constant 1 : i32
      %add3A_115 = arith.addi %mul3A_93, %add3A_114 : i32
      %dma_wait3A_116 = arith.constant 0 : i32
      %dma_wait3A_117 = tpu.memref_slice %arg6[%add3A_115, %dma_wait3A_116] : memref<108x128xi32, #tpu.memory_space<vmem>> -> memref<1x128xi32, #tpu.memory_space<vmem>>
      %dma_wait3A_118 = tpu.memref_squeeze %dma_wait3A_117 : memref<1x128xi32, #tpu.memory_space<vmem>> -> memref<128xi32, #tpu.memory_space<vmem>>
      %dma_wait3A_119 = arith.constant 0 : i32
      %dma_wait3A_120 = arith.constant 0 : i32
      %dma_wait3A_121 = tpu.memref_slice %arg11[%dma_wait3A_119, %dma_wait3A_120] : memref<10112x64xf32, #tpu.memory_space<vmem_shared>> -> memref<10112x64xf32, #tpu.memory_space<vmem_shared>>
      tpu.wait_indirect_dma semaphore(%arg13 : memref<!tpu.dma_semaphore, #tpu.memory_space<semaphore_mem>>) src(%dma_wait3A_121 : memref<10112x64xf32, #tpu.memory_space<vmem_shared>>) dst(%arg9 : memref<128x64xf32, #tpu.memory_space<vmem>>)
      %add3A_122 = arith.constant 1 : i32
      %add3A_123 = arith.addi %mul3A_93, %add3A_122 : i32
      "tpu.region"() ({
        %run_scoped3A = tpu.sem_alloc : memref<!tpu.dma_semaphore, #tpu.memory_space<semaphore_mem>>
        %dma_start3A_134 = arith.constant 0 : i32
        %dma_start3A_135 = tpu.memref_slice %arg7[%add3A_123, %dma_start3A_134] : memref<108x128xi32, #tpu.memory_space<vmem>> -> memref<1x128xi32, #tpu.memory_space<vmem>>
        %dma_start3A_136 = tpu.memref_squeeze %dma_start3A_135 : memref<1x128xi32, #tpu.memory_space<vmem>> -> memref<128xi32, #tpu.memory_space<vmem>>
        %dma_start3A_137 = arith.constant 0 : i32
        %dma_start3A_138 = arith.constant 0 : i32
        %dma_start3A_139 = tpu.memref_slice %arg10[%dma_start3A_137, %dma_start3A_138] : memref<10112x64xf32, #tpu.memory_space<vmem_shared>> -> memref<10112x64xf32, #tpu.memory_space<vmem_shared>>
        tpu.enqueue_indirect_dma source(%arg9 : memref<128x64xf32, #tpu.memory_space<vmem>>) target(%dma_start3A_139 : memref<10112x64xf32, #tpu.memory_space<vmem_shared>>) offsets(%dma_start3A_136 : memref<128xi32, #tpu.memory_space<vmem>>) semaphore(%run_scoped3A : memref<!tpu.dma_semaphore, #tpu.memory_space<semaphore_mem>>) {add = true}
        %dma_wait3A_140 = arith.constant 0 : i32
        %dma_wait3A_141 = tpu.memref_slice %arg7[%add3A_123, %dma_wait3A_140] : memref<108x128xi32, #tpu.memory_space<vmem>> -> memref<1x128xi32, #tpu.memory_space<vmem>>
        %dma_wait3A_142 = tpu.memref_squeeze %dma_wait3A_141 : memref<1x128xi32, #tpu.memory_space<vmem>> -> memref<128xi32, #tpu.memory_space<vmem>>
        %dma_wait3A_143 = arith.constant 0 : i32
        %dma_wait3A_144 = arith.constant 0 : i32
        %dma_wait3A_145 = tpu.memref_slice %arg10[%dma_wait3A_143, %dma_wait3A_144] : memref<10112x64xf32, #tpu.memory_space<vmem_shared>> -> memref<10112x64xf32, #tpu.memory_space<vmem_shared>>
        tpu.wait_indirect_dma semaphore(%run_scoped3A : memref<!tpu.dma_semaphore, #tpu.memory_space<semaphore_mem>>) src(%arg9 : memref<128x64xf32, #tpu.memory_space<vmem>>) dst(%dma_wait3A_145 : memref<10112x64xf32, #tpu.memory_space<vmem_shared>>)
        tpu.yield
      }) : () -> ()
      %add3A_124 = arith.constant 2 : i32
      %add3A_125 = arith.addi %mul3A_93, %add3A_124 : i32
      %add3A_126 = arith.constant 1 : i32
      %add3A_127 = arith.addi %add3A_125, %add3A_126 : i32
      %dma_start3A_128 = arith.constant 0 : i32
      %dma_start3A_129 = tpu.memref_slice %arg6[%add3A_127, %dma_start3A_128] : memref<108x128xi32, #tpu.memory_space<vmem>> -> memref<1x128xi32, #tpu.memory_space<vmem>>
      %dma_start3A_130 = tpu.memref_squeeze %dma_start3A_129 : memref<1x128xi32, #tpu.memory_space<vmem>> -> memref<128xi32, #tpu.memory_space<vmem>>
      %dma_start3A_131 = arith.constant 0 : i32
      %dma_start3A_132 = arith.constant 0 : i32
      %dma_start3A_133 = tpu.memref_slice %arg11[%dma_start3A_131, %dma_start3A_132] : memref<10112x64xf32, #tpu.memory_space<vmem_shared>> -> memref<10112x64xf32, #tpu.memory_space<vmem_shared>>
      tpu.enqueue_indirect_dma source(%dma_start3A_133 : memref<10112x64xf32, #tpu.memory_space<vmem_shared>>) target(%arg9 : memref<128x64xf32, #tpu.memory_space<vmem>>) offsets(%dma_start3A_130 : memref<128xi32, #tpu.memory_space<vmem>>) semaphore(%arg13 : memref<!tpu.dma_semaphore, #tpu.memory_space<semaphore_mem>>)
    }
    %while3A_62 = arith.constant 1 : i32
    scf.for %while3A_91 = %while3A_60 to %while3A_56 step %while3A_62  : i32 {
      %mul3A_92 = arith.constant 2 : i32
      %mul3A_93 = arith.muli %mul3A_92, %while3A_91 : i32
      %add3A_94 = arith.constant 0 : i32
      %add3A_95 = arith.addi %mul3A_93, %add3A_94 : i32
      %dma_wait3A_96 = arith.constant 0 : i32
      %dma_wait3A_97 = tpu.memref_slice %arg6[%add3A_95, %dma_wait3A_96] : memref<108x128xi32, #tpu.memory_space<vmem>> -> memref<1x128xi32, #tpu.memory_space<vmem>>
      %dma_wait3A_98 = tpu.memref_squeeze %dma_wait3A_97 : memref<1x128xi32, #tpu.memory_space<vmem>> -> memref<128xi32, #tpu.memory_space<vmem>>
      %dma_wait3A_99 = arith.constant 0 : i32
      %dma_wait3A_100 = arith.constant 0 : i32
      %dma_wait3A_101 = tpu.memref_slice %arg11[%dma_wait3A_99, %dma_wait3A_100] : memref<10112x64xf32, #tpu.memory_space<vmem_shared>> -> memref<10112x64xf32, #tpu.memory_space<vmem_shared>>
      tpu.wait_indirect_dma semaphore(%arg12 : memref<!tpu.dma_semaphore, #tpu.memory_space<semaphore_mem>>) src(%dma_wait3A_101 : memref<10112x64xf32, #tpu.memory_space<vmem_shared>>) dst(%arg8 : memref<128x64xf32, #tpu.memory_space<vmem>>)
      %add3A_102 = arith.constant 0 : i32
      %add3A_103 = arith.addi %mul3A_93, %add3A_102 : i32
      "tpu.region"() ({
        %run_scoped3A = tpu.sem_alloc : memref<!tpu.dma_semaphore, #tpu.memory_space<semaphore_mem>>
        %dma_start3A_134 = arith.constant 0 : i32
        %dma_start3A_135 = tpu.memref_slice %arg7[%add3A_103, %dma_start3A_134] : memref<108x128xi32, #tpu.memory_space<vmem>> -> memref<1x128xi32, #tpu.memory_space<vmem>>
        %dma_start3A_136 = tpu.memref_squeeze %dma_start3A_135 : memref<1x128xi32, #tpu.memory_space<vmem>> -> memref<128xi32, #tpu.memory_space<vmem>>
        %dma_start3A_137 = arith.constant 0 : i32
        %dma_start3A_138 = arith.constant 0 : i32
        %dma_start3A_139 = tpu.memref_slice %arg10[%dma_start3A_137, %dma_start3A_138] : memref<10112x64xf32, #tpu.memory_space<vmem_shared>> -> memref<10112x64xf32, #tpu.memory_space<vmem_shared>>
        tpu.enqueue_indirect_dma source(%arg8 : memref<128x64xf32, #tpu.memory_space<vmem>>) target(%dma_start3A_139 : memref<10112x64xf32, #tpu.memory_space<vmem_shared>>) offsets(%dma_start3A_136 : memref<128xi32, #tpu.memory_space<vmem>>) semaphore(%run_scoped3A : memref<!tpu.dma_semaphore, #tpu.memory_space<semaphore_mem>>) {add = true}
        %dma_wait3A_140 = arith.constant 0 : i32
        %dma_wait3A_141 = tpu.memref_slice %arg7[%add3A_103, %dma_wait3A_140] : memref<108x128xi32, #tpu.memory_space<vmem>> -> memref<1x128xi32, #tpu.memory_space<vmem>>
        %dma_wait3A_142 = tpu.memref_squeeze %dma_wait3A_141 : memref<1x128xi32, #tpu.memory_space<vmem>> -> memref<128xi32, #tpu.memory_space<vmem>>
        %dma_wait3A_143 = arith.constant 0 : i32
        %dma_wait3A_144 = arith.constant 0 : i32
        %dma_wait3A_145 = tpu.memref_slice %arg10[%dma_wait3A_143, %dma_wait3A_144] : memref<10112x64xf32, #tpu.memory_space<vmem_shared>> -> memref<10112x64xf32, #tpu.memory_space<vmem_shared>>
        tpu.wait_indirect_dma semaphore(%run_scoped3A : memref<!tpu.dma_semaphore, #tpu.memory_space<semaphore_mem>>) src(%arg8 : memref<128x64xf32, #tpu.memory_space<vmem>>) dst(%dma_wait3A_145 : memref<10112x64xf32, #tpu.memory_space<vmem_shared>>)
        tpu.yield
      }) : () -> ()
      %add3A_104 = arith.constant 2 : i32
      %add3A_105 = arith.addi %mul3A_93, %add3A_104 : i32
      %add3A_106 = arith.constant 0 : i32
      %add3A_107 = arith.addi %add3A_105, %add3A_106 : i32
      %dma_start3A_108 = arith.constant 0 : i32
      %dma_start3A_109 = tpu.memref_slice %arg6[%add3A_107, %dma_start3A_108] : memref<108x128xi32, #tpu.memory_space<vmem>> -> memref<1x128xi32, #tpu.memory_space<vmem>>
      %dma_start3A_110 = tpu.memref_squeeze %dma_start3A_109 : memref<1x128xi32, #tpu.memory_space<vmem>> -> memref<128xi32, #tpu.memory_space<vmem>>
      %dma_start3A_111 = arith.constant 0 : i32
      %dma_start3A_112 = arith.constant 0 : i32
      %dma_start3A_113 = tpu.memref_slice %arg11[%dma_start3A_111, %dma_start3A_112] : memref<10112x64xf32, #tpu.memory_space<vmem_shared>> -> memref<10112x64xf32, #tpu.memory_space<vmem_shared>>
      tpu.enqueue_indirect_dma source(%dma_start3A_113 : memref<10112x64xf32, #tpu.memory_space<vmem_shared>>) target(%arg8 : memref<128x64xf32, #tpu.memory_space<vmem>>) offsets(%dma_start3A_110 : memref<128xi32, #tpu.memory_space<vmem>>) semaphore(%arg12 : memref<!tpu.dma_semaphore, #tpu.memory_space<semaphore_mem>>)
      %add3A_114 = arith.constant 1 : i32
      %add3A_115 = arith.addi %mul3A_93, %add3A_114 : i32
      %dma_wait3A_116 = arith.constant 0 : i32
      %dma_wait3A_117 = tpu.memref_slice %arg6[%add3A_115, %dma_wait3A_116] : memref<108x128xi32, #tpu.memory_space<vmem>> -> memref<1x128xi32, #tpu.memory_space<vmem>>
      %dma_wait3A_118 = tpu.memref_squeeze %dma_wait3A_117 : memref<1x128xi32, #tpu.memory_space<vmem>> -> memref<128xi32, #tpu.memory_space<vmem>>
      %dma_wait3A_119 = arith.constant 0 : i32
      %dma_wait3A_120 = arith.constant 0 : i32
      %dma_wait3A_121 = tpu.memref_slice %arg11[%dma_wait3A_119, %dma_wait3A_120] : memref<10112x64xf32, #tpu.memory_space<vmem_shared>> -> memref<10112x64xf32, #tpu.memory_space<vmem_shared>>
      tpu.wait_indirect_dma semaphore(%arg13 : memref<!tpu.dma_semaphore, #tpu.memory_space<semaphore_mem>>) src(%dma_wait3A_121 : memref<10112x64xf32, #tpu.memory_space<vmem_shared>>) dst(%arg9 : memref<128x64xf32, #tpu.memory_space<vmem>>)
      %add3A_122 = arith.constant 1 : i32
      %add3A_123 = arith.addi %mul3A_93, %add3A_122 : i32
      "tpu.region"() ({
        %run_scoped3A = tpu.sem_alloc : memref<!tpu.dma_semaphore, #tpu.memory_space<semaphore_mem>>
        %dma_start3A_134 = arith.constant 0 : i32
        %dma_start3A_135 = tpu.memref_slice %arg7[%add3A_123, %dma_start3A_134] : memref<108x128xi32, #tpu.memory_space<vmem>> -> memref<1x128xi32, #tpu.memory_space<vmem>>
        %dma_start3A_136 = tpu.memref_squeeze %dma_start3A_135 : memref<1x128xi32, #tpu.memory_space<vmem>> -> memref<128xi32, #tpu.memory_space<vmem>>
        %dma_start3A_137 = arith.constant 0 : i32
        %dma_start3A_138 = arith.constant 0 : i32
        %dma_start3A_139 = tpu.memref_slice %arg10[%dma_start3A_137, %dma_start3A_138] : memref<10112x64xf32, #tpu.memory_space<vmem_shared>> -> memref<10112x64xf32, #tpu.memory_space<vmem_shared>>
        tpu.enqueue_indirect_dma source(%arg9 : memref<128x64xf32, #tpu.memory_space<vmem>>) target(%dma_start3A_139 : memref<10112x64xf32, #tpu.memory_space<vmem_shared>>) offsets(%dma_start3A_136 : memref<128xi32, #tpu.memory_space<vmem>>) semaphore(%run_scoped3A : memref<!tpu.dma_semaphore, #tpu.memory_space<semaphore_mem>>) {add = true}
        %dma_wait3A_140 = arith.constant 0 : i32
        %dma_wait3A_141 = tpu.memref_slice %arg7[%add3A_123, %dma_wait3A_140] : memref<108x128xi32, #tpu.memory_space<vmem>> -> memref<1x128xi32, #tpu.memory_space<vmem>>
        %dma_wait3A_142 = tpu.memref_squeeze %dma_wait3A_141 : memref<1x128xi32, #tpu.memory_space<vmem>> -> memref<128xi32, #tpu.memory_space<vmem>>
        %dma_wait3A_143 = arith.constant 0 : i32
        %dma_wait3A_144 = arith.constant 0 : i32
        %dma_wait3A_145 = tpu.memref_slice %arg10[%dma_wait3A_143, %dma_wait3A_144] : memref<10112x64xf32, #tpu.memory_space<vmem_shared>> -> memref<10112x64xf32, #tpu.memory_space<vmem_shared>>
        tpu.wait_indirect_dma semaphore(%run_scoped3A : memref<!tpu.dma_semaphore, #tpu.memory_space<semaphore_mem>>) src(%arg9 : memref<128x64xf32, #tpu.memory_space<vmem>>) dst(%dma_wait3A_145 : memref<10112x64xf32, #tpu.memory_space<vmem_shared>>)
        tpu.yield
      }) : () -> ()
      %add3A_124 = arith.constant 2 : i32
      %add3A_125 = arith.addi %mul3A_93, %add3A_124 : i32
      %add3A_126 = arith.constant 1 : i32
      %add3A_127 = arith.addi %add3A_125, %add3A_126 : i32
      %dma_start3A_128 = arith.constant 0 : i32
      %dma_start3A_129 = tpu.memref_slice %arg6[%add3A_127, %dma_start3A_128] : memref<108x128xi32, #tpu.memory_space<vmem>> -> memref<1x128xi32, #tpu.memory_space<vmem>>
      %dma_start3A_130 = tpu.memref_squeeze %dma_start3A_129 : memref<1x128xi32, #tpu.memory_space<vmem>> -> memref<128xi32, #tpu.memory_space<vmem>>
      %dma_start3A_131 = arith.constant 0 : i32
      %dma_start3A_132 = arith.constant 0 : i32
      %dma_start3A_133 = tpu.memref_slice %arg11[%dma_start3A_131, %dma_start3A_132] : memref<10112x64xf32, #tpu.memory_space<vmem_shared>> -> memref<10112x64xf32, #tpu.memory_space<vmem_shared>>
      tpu.enqueue_indirect_dma source(%dma_start3A_133 : memref<10112x64xf32, #tpu.memory_space<vmem_shared>>) target(%arg9 : memref<128x64xf32, #tpu.memory_space<vmem>>) offsets(%dma_start3A_130 : memref<128xi32, #tpu.memory_space<vmem>>) semaphore(%arg13 : memref<!tpu.dma_semaphore, #tpu.memory_space<semaphore_mem>>)
    }
    %sub3A_63 = arith.constant 2 : i32
    %sub3A_64 = arith.subi %select_n3A, %sub3A_63 : i32
    %add3A_65 = arith.constant 0 : i32
    %add3A_66 = arith.addi %sub3A_64, %add3A_65 : i32
    %dma_wait3A = arith.constant 0 : i32
    %dma_wait3A_67 = tpu.memref_slice %arg6[%add3A_66, %dma_wait3A] : memref<108x128xi32, #tpu.memory_space<vmem>> -> memref<1x128xi32, #tpu.memory_space<vmem>>
    %dma_wait3A_68 = tpu.memref_squeeze %dma_wait3A_67 : memref<1x128xi32, #tpu.memory_space<vmem>> -> memref<128xi32, #tpu.memory_space<vmem>>
    %dma_wait3A_69 = arith.constant 0 : i32
    %dma_wait3A_70 = arith.constant 0 : i32
    %dma_wait3A_71 = tpu.memref_slice %arg11[%dma_wait3A_69, %dma_wait3A_70] : memref<10112x64xf32, #tpu.memory_space<vmem_shared>> -> memref<10112x64xf32, #tpu.memory_space<vmem_shared>>
    tpu.wait_indirect_dma semaphore(%arg12 : memref<!tpu.dma_semaphore, #tpu.memory_space<semaphore_mem>>) src(%dma_wait3A_71 : memref<10112x64xf32, #tpu.memory_space<vmem_shared>>) dst(%arg8 : memref<128x64xf32, #tpu.memory_space<vmem>>)
    %sub3A_72 = arith.constant 2 : i32
    %sub3A_73 = arith.subi %select_n3A, %sub3A_72 : i32
    %add3A_74 = arith.constant 0 : i32
    %add3A_75 = arith.addi %sub3A_73, %add3A_74 : i32
    "tpu.region"() ({
      %run_scoped3A = tpu.sem_alloc : memref<!tpu.dma_semaphore, #tpu.memory_space<semaphore_mem>>
      %dma_start3A_91 = arith.constant 0 : i32
      %dma_start3A_92 = tpu.memref_slice %arg7[%add3A_75, %dma_start3A_91] : memref<108x128xi32, #tpu.memory_space<vmem>> -> memref<1x128xi32, #tpu.memory_space<vmem>>
      %dma_start3A_93 = tpu.memref_squeeze %dma_start3A_92 : memref<1x128xi32, #tpu.memory_space<vmem>> -> memref<128xi32, #tpu.memory_space<vmem>>
      %dma_start3A_94 = arith.constant 0 : i32
      %dma_start3A_95 = arith.constant 0 : i32
      %dma_start3A_96 = tpu.memref_slice %arg10[%dma_start3A_94, %dma_start3A_95] : memref<10112x64xf32, #tpu.memory_space<vmem_shared>> -> memref<10112x64xf32, #tpu.memory_space<vmem_shared>>
      tpu.enqueue_indirect_dma source(%arg8 : memref<128x64xf32, #tpu.memory_space<vmem>>) target(%dma_start3A_96 : memref<10112x64xf32, #tpu.memory_space<vmem_shared>>) offsets(%dma_start3A_93 : memref<128xi32, #tpu.memory_space<vmem>>) semaphore(%run_scoped3A : memref<!tpu.dma_semaphore, #tpu.memory_space<semaphore_mem>>) {add = true}
      %dma_wait3A_97 = arith.constant 0 : i32
      %dma_wait3A_98 = tpu.memref_slice %arg7[%add3A_75, %dma_wait3A_97] : memref<108x128xi32, #tpu.memory_space<vmem>> -> memref<1x128xi32, #tpu.memory_space<vmem>>
      %dma_wait3A_99 = tpu.memref_squeeze %dma_wait3A_98 : memref<1x128xi32, #tpu.memory_space<vmem>> -> memref<128xi32, #tpu.memory_space<vmem>>
      %dma_wait3A_100 = arith.constant 0 : i32
      %dma_wait3A_101 = arith.constant 0 : i32
      %dma_wait3A_102 = tpu.memref_slice %arg10[%dma_wait3A_100, %dma_wait3A_101] : memref<10112x64xf32, #tpu.memory_space<vmem_shared>> -> memref<10112x64xf32, #tpu.memory_space<vmem_shared>>
      tpu.wait_indirect_dma semaphore(%run_scoped3A : memref<!tpu.dma_semaphore, #tpu.memory_space<semaphore_mem>>) src(%arg8 : memref<128x64xf32, #tpu.memory_space<vmem>>) dst(%dma_wait3A_102 : memref<10112x64xf32, #tpu.memory_space<vmem_shared>>)
      tpu.yield
    }) : () -> ()
    %sub3A_76 = arith.constant 2 : i32
    %sub3A_77 = arith.subi %select_n3A, %sub3A_76 : i32
    %add3A_78 = arith.constant 1 : i32
    %add3A_79 = arith.addi %sub3A_77, %add3A_78 : i32
    %dma_wait3A_80 = arith.constant 0 : i32
    %dma_wait3A_81 = tpu.memref_slice %arg6[%add3A_79, %dma_wait3A_80] : memref<108x128xi32, #tpu.memory_space<vmem>> -> memref<1x128xi32, #tpu.memory_space<vmem>>
    %dma_wait3A_82 = tpu.memref_squeeze %dma_wait3A_81 : memref<1x128xi32, #tpu.memory_space<vmem>> -> memref<128xi32, #tpu.memory_space<vmem>>
    %dma_wait3A_83 = arith.constant 0 : i32
    %dma_wait3A_84 = arith.constant 0 : i32
    %dma_wait3A_85 = tpu.memref_slice %arg11[%dma_wait3A_83, %dma_wait3A_84] : memref<10112x64xf32, #tpu.memory_space<vmem_shared>> -> memref<10112x64xf32, #tpu.memory_space<vmem_shared>>
    tpu.wait_indirect_dma semaphore(%arg13 : memref<!tpu.dma_semaphore, #tpu.memory_space<semaphore_mem>>) src(%dma_wait3A_85 : memref<10112x64xf32, #tpu.memory_space<vmem_shared>>) dst(%arg9 : memref<128x64xf32, #tpu.memory_space<vmem>>)
    %sub3A_86 = arith.constant 2 : i32
    %sub3A_87 = arith.subi %select_n3A, %sub3A_86 : i32
    %add3A_88 = arith.constant 1 : i32
    %add3A_89 = arith.addi %sub3A_87, %add3A_88 : i32
    "tpu.region"() ({
      %run_scoped3A = tpu.sem_alloc : memref<!tpu.dma_semaphore, #tpu.memory_space<semaphore_mem>>
      %dma_start3A_91 = arith.constant 0 : i32
      %dma_start3A_92 = tpu.memref_slice %arg7[%add3A_89, %dma_start3A_91] : memref<108x128xi32, #tpu.memory_space<vmem>> -> memref<1x128xi32, #tpu.memory_space<vmem>>
      %dma_start3A_93 = tpu.memref_squeeze %dma_start3A_92 : memref<1x128xi32, #tpu.memory_space<vmem>> -> memref<128xi32, #tpu.memory_space<vmem>>
      %dma_start3A_94 = arith.constant 0 : i32
      %dma_start3A_95 = arith.constant 0 : i32
      %dma_start3A_96 = tpu.memref_slice %arg10[%dma_start3A_94, %dma_start3A_95] : memref<10112x64xf32, #tpu.memory_space<vmem_shared>> -> memref<10112x64xf32, #tpu.memory_space<vmem_shared>>
      tpu.enqueue_indirect_dma source(%arg9 : memref<128x64xf32, #tpu.memory_space<vmem>>) target(%dma_start3A_96 : memref<10112x64xf32, #tpu.memory_space<vmem_shared>>) offsets(%dma_start3A_93 : memref<128xi32, #tpu.memory_space<vmem>>) semaphore(%run_scoped3A : memref<!tpu.dma_semaphore, #tpu.memory_space<semaphore_mem>>) {add = true}
      %dma_wait3A_97 = arith.constant 0 : i32
      %dma_wait3A_98 = tpu.memref_slice %arg7[%add3A_89, %dma_wait3A_97] : memref<108x128xi32, #tpu.memory_space<vmem>> -> memref<1x128xi32, #tpu.memory_space<vmem>>
      %dma_wait3A_99 = tpu.memref_squeeze %dma_wait3A_98 : memref<1x128xi32, #tpu.memory_space<vmem>> -> memref<128xi32, #tpu.memory_space<vmem>>
      %dma_wait3A_100 = arith.constant 0 : i32
      %dma_wait3A_101 = arith.constant 0 : i32
      %dma_wait3A_102 = tpu.memref_slice %arg10[%dma_wait3A_100, %dma_wait3A_101] : memref<10112x64xf32, #tpu.memory_space<vmem_shared>> -> memref<10112x64xf32, #tpu.memory_space<vmem_shared>>
      tpu.wait_indirect_dma semaphore(%run_scoped3A : memref<!tpu.dma_semaphore, #tpu.memory_space<semaphore_mem>>) src(%arg9 : memref<128x64xf32, #tpu.memory_space<vmem>>) dst(%dma_wait3A_102 : memref<10112x64xf32, #tpu.memory_space<vmem_shared>>)
      tpu.yield
    }) : () -> ()
    %barrier3A_90 = arith.constant 0 : index
    tpu.barrier barrier_id(%barrier3A_90)
    "tpu.region"() ({
      %run_scoped3A = tpu.sem_alloc : memref<!tpu.dma_semaphore, #tpu.memory_space<semaphore_mem>>
      %dma_start3A_91 = arith.constant 0 : i32
      %dma_start3A_92 = arith.constant 0 : i32
      %dma_start3A_93 = tpu.memref_slice %arg5[%arg0, %dma_start3A_91, %dma_start3A_92] : memref<2x10112x64xf32, #tpu.memory_space<hbm>> -> memref<1x10112x64xf32, #tpu.memory_space<hbm>>
      %dma_start3A_94 = tpu.memref_squeeze %dma_start3A_93 : memref<1x10112x64xf32, #tpu.memory_space<hbm>> -> memref<10112x64xf32, #tpu.memory_space<hbm>>
      %dma_start3A_95 = arith.constant 0 : i32
      %dma_start3A_96 = tpu.memref_slice %dma_start3A_94[%mul3A_2, %dma_start3A_95] : memref<10112x64xf32, #tpu.memory_space<hbm>> -> memref<632x64xf32, #tpu.memory_space<hbm>>
      %dma_start3A_97 = arith.constant 0 : i32
      %dma_start3A_98 = tpu.memref_slice %arg10[%mul3A_2, %dma_start3A_97] : memref<10112x64xf32, #tpu.memory_space<vmem_shared>> -> memref<632x64xf32, #tpu.memory_space<vmem_shared>>
      tpu.enqueue_dma source(%dma_start3A_98 : memref<632x64xf32, #tpu.memory_space<vmem_shared>>) target(%dma_start3A_96 : memref<632x64xf32, #tpu.memory_space<hbm>>) target_semaphore(%run_scoped3A : memref<!tpu.dma_semaphore, #tpu.memory_space<semaphore_mem>>)
      %dma_wait3A_99 = arith.constant 0 : i32
      %dma_wait3A_100 = arith.constant 0 : i32
      %dma_wait3A_101 = tpu.memref_slice %arg5[%arg0, %dma_wait3A_99, %dma_wait3A_100] : memref<2x10112x64xf32, #tpu.memory_space<hbm>> -> memref<1x10112x64xf32, #tpu.memory_space<hbm>>
      %dma_wait3A_102 = tpu.memref_squeeze %dma_wait3A_101 : memref<1x10112x64xf32, #tpu.memory_space<hbm>> -> memref<10112x64xf32, #tpu.memory_space<hbm>>
      %dma_wait3A_103 = arith.constant 0 : i32
      %dma_wait3A_104 = tpu.memref_slice %dma_wait3A_102[%mul3A_2, %dma_wait3A_103] : memref<10112x64xf32, #tpu.memory_space<hbm>> -> memref<632x64xf32, #tpu.memory_space<hbm>>
      %dma_wait3A_105 = arith.constant 0 : i32
      %dma_wait3A_106 = tpu.memref_slice %arg10[%mul3A_2, %dma_wait3A_105] : memref<10112x64xf32, #tpu.memory_space<vmem_shared>> -> memref<632x64xf32, #tpu.memory_space<vmem_shared>>
      tpu.wait_dma2 semaphore(%run_scoped3A : memref<!tpu.dma_semaphore, #tpu.memory_space<semaphore_mem>>) src(%dma_wait3A_106 : memref<632x64xf32, #tpu.memory_space<vmem_shared>>) dst(%dma_wait3A_104 : memref<632x64xf32, #tpu.memory_space<hbm>>)
      tpu.yield
    }) : () -> ()
    return
  }
}

#map = affine_map<(d0, d1) -> (0, 0)>
#map1 = affine_map<(d0, d1) -> (0, 0, 0)>
module attributes {stable_mosaic.version = 14 : i64} {
  func.func @prop_kernel(%arg0: i32, %arg1: i32, %arg2: memref<10112x64xf32, #tpu.memory_space<hbm>>, %arg3: memref<32x108x128xi32, #tpu.memory_space<hbm>>, %arg4: memref<32x108x128xi32, #tpu.memory_space<hbm>>, %arg5: memref<2x10112x64xf32, #tpu.memory_space<hbm>>, %arg6: memref<108x128xi32, #tpu.memory_space<vmem>>, %arg7: memref<108x128xi32, #tpu.memory_space<vmem>>, %arg8: memref<128x64xf32, #tpu.memory_space<vmem>>, %arg9: memref<128x64xf32, #tpu.memory_space<vmem>>, %arg10: memref<10112x64xf32, #tpu.memory_space<vmem_shared>>, %arg11: memref<10112x64xf32, #tpu.memory_space<vmem_shared>>, %arg12: memref<!tpu.dma_semaphore, #tpu.memory_space<semaphore_mem>>, %arg13: memref<!tpu.dma_semaphore, #tpu.memory_space<semaphore_mem>>) attributes {dimension_semantics = [#tpu.dimension_semantics<core_parallel>, #tpu.dimension_semantics<subcore_parallel>], iteration_bounds = array<i64: 2, 16>, scalar_prefetch = 0 : i64, scratch_operands = 8 : i64, tpu.core_type = #tpu.core_type<sc_vector_subcore>, window_params = [{transform_indices = #map}, {transform_indices = #map1}, {transform_indices = #map1}, {transform_indices = #map1}]} {
    %mul3A = arith.constant 16 : i32
    %mul3A_0 = arith.muli %arg0, %mul3A : i32
    %add3A = arith.addi %mul3A_0, %arg1 : i32
    %mul3A_1 = arith.constant 632 : i32
    %mul3A_2 = arith.muli %arg1, %mul3A_1 : i32
    %broadcast_in_dim3A = arith.constant 0.000000e+00 : f32
    %broadcast_in_dim3A_3 = vector.broadcast %broadcast_in_dim3A : f32 to vector<16xf32>
    %scan3A = arith.constant 0 : i32
    %scan3A_4 = arith.constant 0 : i32
    %scan3A_5 = arith.constant 128 : i32
    %scan3A_6 = arith.addi %scan3A_4, %scan3A_5 : i32
    %scan3A_7 = arith.constant 1 : i32
    scf.for %scan3A_91 = %scan3A_4 to %scan3A_6 step %scan3A_7  : i32 {
      %swap3A = arith.index_cast %scan3A_91 : i32 to index
      %swap3A_92 = arith.constant 0 : index
      %swap3A_93 = tpu.vector_load %arg8[%swap3A, %swap3A_92] {strides = array<i32>} : memref<128x64xf32, #tpu.memory_space<vmem>>, vector<1x16xf32>,
      %swap3A_94 = vector.shape_cast %swap3A_93 : vector<1x16xf32> to vector<16xf32>
      %swap3A_95 = vector.shape_cast %broadcast_in_dim3A_3 : vector<16xf32> to vector<1x16xf32>
      tpu.vector_store %arg8[%swap3A, %swap3A_92], %swap3A_95 {strides = array<i32>} : memref<128x64xf32, #tpu.memory_space<vmem>>, vector<1x16xf32>,
      %swap3A_96 = arith.index_cast %scan3A_91 : i32 to index
      %swap3A_97 = arith.constant 16 : index
      %swap3A_98 = tpu.vector_load %arg8[%swap3A_96, %swap3A_97] {strides = array<i32>} : memref<128x64xf32, #tpu.memory_space<vmem>>, vector<1x16xf32>,
      %swap3A_99 = vector.shape_cast %swap3A_98 : vector<1x16xf32> to vector<16xf32>
      %swap3A_100 = vector.shape_cast %broadcast_in_dim3A_3 : vector<16xf32> to vector<1x16xf32>
      tpu.vector_store %arg8[%swap3A_96, %swap3A_97], %swap3A_100 {strides = array<i32>} : memref<128x64xf32, #tpu.memory_space<vmem>>, vector<1x16xf32>,
      %swap3A_101 = arith.index_cast %scan3A_91 : i32 to index
      %swap3A_102 = arith.constant 32 : index
      %swap3A_103 = tpu.vector_load %arg8[%swap3A_101, %swap3A_102] {strides = array<i32>} : memref<128x64xf32, #tpu.memory_space<vmem>>, vector<1x16xf32>,
      %swap3A_104 = vector.shape_cast %swap3A_103 : vector<1x16xf32> to vector<16xf32>
      %swap3A_105 = vector.shape_cast %broadcast_in_dim3A_3 : vector<16xf32> to vector<1x16xf32>
      tpu.vector_store %arg8[%swap3A_101, %swap3A_102], %swap3A_105 {strides = array<i32>} : memref<128x64xf32, #tpu.memory_space<vmem>>, vector<1x16xf32>,
      %swap3A_106 = arith.index_cast %scan3A_91 : i32 to index
      %swap3A_107 = arith.constant 48 : index
      %swap3A_108 = tpu.vector_load %arg8[%swap3A_106, %swap3A_107] {strides = array<i32>} : memref<128x64xf32, #tpu.memory_space<vmem>>, vector<1x16xf32>,
      %swap3A_109 = vector.shape_cast %swap3A_108 : vector<1x16xf32> to vector<16xf32>
      %swap3A_110 = vector.shape_cast %broadcast_in_dim3A_3 : vector<16xf32> to vector<1x16xf32>
      tpu.vector_store %arg8[%swap3A_106, %swap3A_107], %swap3A_110 {strides = array<i32>} : memref<128x64xf32, #tpu.memory_space<vmem>>, vector<1x16xf32>,
    }
    %scan3A_8 = arith.constant 128 : i32
    %add3A_9 = arith.constant 0 : i32
    %add3A_10 = arith.addi %mul3A_2, %add3A_9 : i32
    "tpu.region"() ({
      %run_scoped3A = tpu.sem_alloc : memref<!tpu.dma_semaphore, #tpu.memory_space<semaphore_mem>>
      %dma_start3A_91 = arith.constant 0 : i32
      %dma_start3A_92 = tpu.memref_slice %arg10[%add3A_10, %dma_start3A_91] : memref<10112x64xf32, #tpu.memory_space<vmem_shared>> -> memref<128x64xf32, #tpu.memory_space<vmem_shared>>
      %dma_start3A_93 = arith.constant 0 : i32
      %dma_start3A_94 = tpu.memref_slice %arg10[%add3A_10, %dma_start3A_93] : memref<10112x64xf32, #tpu.memory_space<vmem_shared>> -> memref<128x64xf32, #tpu.memory_space<vmem_shared>>
      tpu.enqueue_dma source(%arg8 : memref<128x64xf32, #tpu.memory_space<vmem>>) target(%dma_start3A_94 : memref<128x64xf32, #tpu.memory_space<vmem_shared>>) target_semaphore(%run_scoped3A : memref<!tpu.dma_semaphore, #tpu.memory_space<semaphore_mem>>)
      %dma_wait3A_95 = arith.constant 0 : i32
      %dma_wait3A_96 = tpu.memref_slice %arg10[%add3A_10, %dma_wait3A_95] : memref<10112x64xf32, #tpu.memory_space<vmem_shared>> -> memref<128x64xf32, #tpu.memory_space<vmem_shared>>
      %dma_wait3A_97 = arith.constant 0 : i32
      %dma_wait3A_98 = tpu.memref_slice %arg10[%add3A_10, %dma_wait3A_97] : memref<10112x64xf32, #tpu.memory_space<vmem_shared>> -> memref<128x64xf32, #tpu.memory_space<vmem_shared>>
      tpu.wait_dma2 semaphore(%run_scoped3A : memref<!tpu.dma_semaphore, #tpu.memory_space<semaphore_mem>>) src(%arg8 : memref<128x64xf32, #tpu.memory_space<vmem>>) dst(%dma_wait3A_98 : memref<128x64xf32, #tpu.memory_space<vmem_shared>>)
      tpu.yield
    }) : () -> ()
    %add3A_11 = arith.constant 128 : i32
    %add3A_12 = arith.addi %mul3A_2, %add3A_11 : i32
    "tpu.region"() ({
      %run_scoped3A = tpu.sem_alloc : memref<!tpu.dma_semaphore, #tpu.memory_space<semaphore_mem>>
      %dma_start3A_91 = arith.constant 0 : i32
      %dma_start3A_92 = tpu.memref_slice %arg10[%add3A_12, %dma_start3A_91] : memref<10112x64xf32, #tpu.memory_space<vmem_shared>> -> memref<128x64xf32, #tpu.memory_space<vmem_shared>>
      %dma_start3A_93 = arith.constant 0 : i32
      %dma_start3A_94 = tpu.memref_slice %arg10[%add3A_12, %dma_start3A_93] : memref<10112x64xf32, #tpu.memory_space<vmem_shared>> -> memref<128x64xf32, #tpu.memory_space<vmem_shared>>
      tpu.enqueue_dma source(%arg8 : memref<128x64xf32, #tpu.memory_space<vmem>>) target(%dma_start3A_94 : memref<128x64xf32, #tpu.memory_space<vmem_shared>>) target_semaphore(%run_scoped3A : memref<!tpu.dma_semaphore, #tpu.memory_space<semaphore_mem>>)
      %dma_wait3A_95 = arith.constant 0 : i32
      %dma_wait3A_96 = tpu.memref_slice %arg10[%add3A_12, %dma_wait3A_95] : memref<10112x64xf32, #tpu.memory_space<vmem_shared>> -> memref<128x64xf32, #tpu.memory_space<vmem_shared>>
      %dma_wait3A_97 = arith.constant 0 : i32
      %dma_wait3A_98 = tpu.memref_slice %arg10[%add3A_12, %dma_wait3A_97] : memref<10112x64xf32, #tpu.memory_space<vmem_shared>> -> memref<128x64xf32, #tpu.memory_space<vmem_shared>>
      tpu.wait_dma2 semaphore(%run_scoped3A : memref<!tpu.dma_semaphore, #tpu.memory_space<semaphore_mem>>) src(%arg8 : memref<128x64xf32, #tpu.memory_space<vmem>>) dst(%dma_wait3A_98 : memref<128x64xf32, #tpu.memory_space<vmem_shared>>)
      tpu.yield
    }) : () -> ()
    %add3A_13 = arith.constant 256 : i32
    %add3A_14 = arith.addi %mul3A_2, %add3A_13 : i32
    "tpu.region"() ({
      %run_scoped3A = tpu.sem_alloc : memref<!tpu.dma_semaphore, #tpu.memory_space<semaphore_mem>>
      %dma_start3A_91 = arith.constant 0 : i32
      %dma_start3A_92 = tpu.memref_slice %arg10[%add3A_14, %dma_start3A_91] : memref<10112x64xf32, #tpu.memory_space<vmem_shared>> -> memref<128x64xf32, #tpu.memory_space<vmem_shared>>
      %dma_start3A_93 = arith.constant 0 : i32
      %dma_start3A_94 = tpu.memref_slice %arg10[%add3A_14, %dma_start3A_93] : memref<10112x64xf32, #tpu.memory_space<vmem_shared>> -> memref<128x64xf32, #tpu.memory_space<vmem_shared>>
      tpu.enqueue_dma source(%arg8 : memref<128x64xf32, #tpu.memory_space<vmem>>) target(%dma_start3A_94 : memref<128x64xf32, #tpu.memory_space<vmem_shared>>) target_semaphore(%run_scoped3A : memref<!tpu.dma_semaphore, #tpu.memory_space<semaphore_mem>>)
      %dma_wait3A_95 = arith.constant 0 : i32
      %dma_wait3A_96 = tpu.memref_slice %arg10[%add3A_14, %dma_wait3A_95] : memref<10112x64xf32, #tpu.memory_space<vmem_shared>> -> memref<128x64xf32, #tpu.memory_space<vmem_shared>>
      %dma_wait3A_97 = arith.constant 0 : i32
      %dma_wait3A_98 = tpu.memref_slice %arg10[%add3A_14, %dma_wait3A_97] : memref<10112x64xf32, #tpu.memory_space<vmem_shared>> -> memref<128x64xf32, #tpu.memory_space<vmem_shared>>
      tpu.wait_dma2 semaphore(%run_scoped3A : memref<!tpu.dma_semaphore, #tpu.memory_space<semaphore_mem>>) src(%arg8 : memref<128x64xf32, #tpu.memory_space<vmem>>) dst(%dma_wait3A_98 : memref<128x64xf32, #tpu.memory_space<vmem_shared>>)
      tpu.yield
    }) : () -> ()
    %add3A_15 = arith.constant 384 : i32
    %add3A_16 = arith.addi %mul3A_2, %add3A_15 : i32
    "tpu.region"() ({
      %run_scoped3A = tpu.sem_alloc : memref<!tpu.dma_semaphore, #tpu.memory_space<semaphore_mem>>
      %dma_start3A_91 = arith.constant 0 : i32
      %dma_start3A_92 = tpu.memref_slice %arg10[%add3A_16, %dma_start3A_91] : memref<10112x64xf32, #tpu.memory_space<vmem_shared>> -> memref<128x64xf32, #tpu.memory_space<vmem_shared>>
      %dma_start3A_93 = arith.constant 0 : i32
      %dma_start3A_94 = tpu.memref_slice %arg10[%add3A_16, %dma_start3A_93] : memref<10112x64xf32, #tpu.memory_space<vmem_shared>> -> memref<128x64xf32, #tpu.memory_space<vmem_shared>>
      tpu.enqueue_dma source(%arg8 : memref<128x64xf32, #tpu.memory_space<vmem>>) target(%dma_start3A_94 : memref<128x64xf32, #tpu.memory_space<vmem_shared>>) target_semaphore(%run_scoped3A : memref<!tpu.dma_semaphore, #tpu.memory_space<semaphore_mem>>)
      %dma_wait3A_95 = arith.constant 0 : i32
      %dma_wait3A_96 = tpu.memref_slice %arg10[%add3A_16, %dma_wait3A_95] : memref<10112x64xf32, #tpu.memory_space<vmem_shared>> -> memref<128x64xf32, #tpu.memory_space<vmem_shared>>
      %dma_wait3A_97 = arith.constant 0 : i32
      %dma_wait3A_98 = tpu.memref_slice %arg10[%add3A_16, %dma_wait3A_97] : memref<10112x64xf32, #tpu.memory_space<vmem_shared>> -> memref<128x64xf32, #tpu.memory_space<vmem_shared>>
      tpu.wait_dma2 semaphore(%run_scoped3A : memref<!tpu.dma_semaphore, #tpu.memory_space<semaphore_mem>>) src(%arg8 : memref<128x64xf32, #tpu.memory_space<vmem>>) dst(%dma_wait3A_98 : memref<128x64xf32, #tpu.memory_space<vmem_shared>>)
      tpu.yield
    }) : () -> ()
    %add3A_17 = arith.constant 512 : i32
    %add3A_18 = arith.addi %mul3A_2, %add3A_17 : i32
    "tpu.region"() ({
      %run_scoped3A = tpu.sem_alloc : memref<!tpu.dma_semaphore, #tpu.memory_space<semaphore_mem>>
      %dma_start3A_91 = arith.constant 0 : i32
      %dma_start3A_92 = arith.constant 0 : i32
      %dma_start3A_93 = tpu.memref_slice %arg8[%dma_start3A_91, %dma_start3A_92] : memref<128x64xf32, #tpu.memory_space<vmem>> -> memref<120x64xf32, #tpu.memory_space<vmem>>
      %dma_start3A_94 = arith.constant 0 : i32
      %dma_start3A_95 = tpu.memref_slice %arg10[%add3A_18, %dma_start3A_94] : memref<10112x64xf32, #tpu.memory_space<vmem_shared>> -> memref<120x64xf32, #tpu.memory_space<vmem_shared>>
      %dma_start3A_96 = arith.constant 0 : i32
      %dma_start3A_97 = tpu.memref_slice %arg10[%add3A_18, %dma_start3A_96] : memref<10112x64xf32, #tpu.memory_space<vmem_shared>> -> memref<120x64xf32, #tpu.memory_space<vmem_shared>>
      %dma_start3A_98 = arith.constant 0 : i32
      %dma_start3A_99 = arith.constant 0 : i32
      %dma_start3A_100 = tpu.memref_slice %arg8[%dma_start3A_98, %dma_start3A_99] : memref<128x64xf32, #tpu.memory_space<vmem>> -> memref<120x64xf32, #tpu.memory_space<vmem>>
      tpu.enqueue_dma source(%dma_start3A_100 : memref<120x64xf32, #tpu.memory_space<vmem>>) target(%dma_start3A_97 : memref<120x64xf32, #tpu.memory_space<vmem_shared>>) target_semaphore(%run_scoped3A : memref<!tpu.dma_semaphore, #tpu.memory_space<semaphore_mem>>)
      %dma_wait3A_101 = arith.constant 0 : i32
      %dma_wait3A_102 = arith.constant 0 : i32
      %dma_wait3A_103 = tpu.memref_slice %arg8[%dma_wait3A_101, %dma_wait3A_102] : memref<128x64xf32, #tpu.memory_space<vmem>> -> memref<120x64xf32, #tpu.memory_space<vmem>>
      %dma_wait3A_104 = arith.constant 0 : i32
      %dma_wait3A_105 = tpu.memref_slice %arg10[%add3A_18, %dma_wait3A_104] : memref<10112x64xf32, #tpu.memory_space<vmem_shared>> -> memref<120x64xf32, #tpu.memory_space<vmem_shared>>
      %dma_wait3A_106 = arith.constant 0 : i32
      %dma_wait3A_107 = tpu.memref_slice %arg10[%add3A_18, %dma_wait3A_106] : memref<10112x64xf32, #tpu.memory_space<vmem_shared>> -> memref<120x64xf32, #tpu.memory_space<vmem_shared>>
      %dma_wait3A_108 = arith.constant 0 : i32
      %dma_wait3A_109 = arith.constant 0 : i32
      %dma_wait3A_110 = tpu.memref_slice %arg8[%dma_wait3A_108, %dma_wait3A_109] : memref<128x64xf32, #tpu.memory_space<vmem>> -> memref<120x64xf32, #tpu.memory_space<vmem>>
      tpu.wait_dma2 semaphore(%run_scoped3A : memref<!tpu.dma_semaphore, #tpu.memory_space<semaphore_mem>>) src(%dma_wait3A_110 : memref<120x64xf32, #tpu.memory_space<vmem>>) dst(%dma_wait3A_107 : memref<120x64xf32, #tpu.memory_space<vmem_shared>>)
      tpu.yield
    }) : () -> ()
    "tpu.region"() ({
      %run_scoped3A = tpu.sem_alloc : memref<!tpu.dma_semaphore, #tpu.memory_space<semaphore_mem>>
      %dma_start3A_91 = arith.constant 0 : i32
      %dma_start3A_92 = tpu.memref_slice %arg11[%mul3A_2, %dma_start3A_91] : memref<10112x64xf32, #tpu.memory_space<vmem_shared>> -> memref<632x64xf32, #tpu.memory_space<vmem_shared>>
      %dma_start3A_93 = arith.constant 0 : i32
      %dma_start3A_94 = tpu.memref_slice %arg2[%mul3A_2, %dma_start3A_93] : memref<10112x64xf32, #tpu.memory_space<hbm>> -> memref<632x64xf32, #tpu.memory_space<hbm>>
      tpu.enqueue_dma source(%dma_start3A_94 : memref<632x64xf32, #tpu.memory_space<hbm>>) target(%dma_start3A_92 : memref<632x64xf32, #tpu.memory_space<vmem_shared>>) target_semaphore(%run_scoped3A : memref<!tpu.dma_semaphore, #tpu.memory_space<semaphore_mem>>)
      %dma_wait3A_95 = arith.constant 0 : i32
      %dma_wait3A_96 = tpu.memref_slice %arg11[%mul3A_2, %dma_wait3A_95] : memref<10112x64xf32, #tpu.memory_space<vmem_shared>> -> memref<632x64xf32, #tpu.memory_space<vmem_shared>>
      %dma_wait3A_97 = arith.constant 0 : i32
      %dma_wait3A_98 = tpu.memref_slice %arg2[%mul3A_2, %dma_wait3A_97] : memref<10112x64xf32, #tpu.memory_space<hbm>> -> memref<632x64xf32, #tpu.memory_space<hbm>>
      tpu.wait_dma2 semaphore(%run_scoped3A : memref<!tpu.dma_semaphore, #tpu.memory_space<semaphore_mem>>) src(%dma_wait3A_98 : memref<632x64xf32, #tpu.memory_space<hbm>>) dst(%dma_wait3A_96 : memref<632x64xf32, #tpu.memory_space<vmem_shared>>)
      tpu.yield
    }) : () -> ()
    "tpu.region"() ({
      %run_scoped3A = tpu.sem_alloc : memref<!tpu.dma_semaphore, #tpu.memory_space<semaphore_mem>>
      %dma_start3A_91 = arith.constant 0 : i32
      %dma_start3A_92 = arith.constant 0 : i32
      %dma_start3A_93 = tpu.memref_slice %arg3[%add3A, %dma_start3A_91, %dma_start3A_92] : memref<32x108x128xi32, #tpu.memory_space<hbm>> -> memref<1x108x128xi32, #tpu.memory_space<hbm>>
      %dma_start3A_94 = tpu.memref_squeeze %dma_start3A_93 : memref<1x108x128xi32, #tpu.memory_space<hbm>> -> memref<108x128xi32, #tpu.memory_space<hbm>>
      %dma_start3A_95 = arith.constant 0 : i32
      %dma_start3A_96 = arith.constant 0 : i32
      %dma_start3A_97 = tpu.memref_slice %arg3[%add3A, %dma_start3A_95, %dma_start3A_96] : memref<32x108x128xi32, #tpu.memory_space<hbm>> -> memref<1x108x128xi32, #tpu.memory_space<hbm>>
      %dma_start3A_98 = tpu.memref_squeeze %dma_start3A_97 : memref<1x108x128xi32, #tpu.memory_space<hbm>> -> memref<108x128xi32, #tpu.memory_space<hbm>>
      tpu.enqueue_dma source(%dma_start3A_98 : memref<108x128xi32, #tpu.memory_space<hbm>>) target(%arg6 : memref<108x128xi32, #tpu.memory_space<vmem>>) target_semaphore(%run_scoped3A : memref<!tpu.dma_semaphore, #tpu.memory_space<semaphore_mem>>)
      %dma_wait3A_99 = arith.constant 0 : i32
      %dma_wait3A_100 = arith.constant 0 : i32
      %dma_wait3A_101 = tpu.memref_slice %arg3[%add3A, %dma_wait3A_99, %dma_wait3A_100] : memref<32x108x128xi32, #tpu.memory_space<hbm>> -> memref<1x108x128xi32, #tpu.memory_space<hbm>>
      %dma_wait3A_102 = tpu.memref_squeeze %dma_wait3A_101 : memref<1x108x128xi32, #tpu.memory_space<hbm>> -> memref<108x128xi32, #tpu.memory_space<hbm>>
      %dma_wait3A_103 = arith.constant 0 : i32
      %dma_wait3A_104 = arith.constant 0 : i32
      %dma_wait3A_105 = tpu.memref_slice %arg3[%add3A, %dma_wait3A_103, %dma_wait3A_104] : memref<32x108x128xi32, #tpu.memory_space<hbm>> -> memref<1x108x128xi32, #tpu.memory_space<hbm>>
      %dma_wait3A_106 = tpu.memref_squeeze %dma_wait3A_105 : memref<1x108x128xi32, #tpu.memory_space<hbm>> -> memref<108x128xi32, #tpu.memory_space<hbm>>
      tpu.wait_dma2 semaphore(%run_scoped3A : memref<!tpu.dma_semaphore, #tpu.memory_space<semaphore_mem>>) src(%dma_wait3A_106 : memref<108x128xi32, #tpu.memory_space<hbm>>) dst(%arg6 : memref<108x128xi32, #tpu.memory_space<vmem>>)
      tpu.yield
    }) : () -> ()
    "tpu.region"() ({
      %run_scoped3A = tpu.sem_alloc : memref<!tpu.dma_semaphore, #tpu.memory_space<semaphore_mem>>
      %dma_start3A_91 = arith.constant 0 : i32
      %dma_start3A_92 = arith.constant 0 : i32
      %dma_start3A_93 = tpu.memref_slice %arg4[%add3A, %dma_start3A_91, %dma_start3A_92] : memref<32x108x128xi32, #tpu.memory_space<hbm>> -> memref<1x108x128xi32, #tpu.memory_space<hbm>>
      %dma_start3A_94 = tpu.memref_squeeze %dma_start3A_93 : memref<1x108x128xi32, #tpu.memory_space<hbm>> -> memref<108x128xi32, #tpu.memory_space<hbm>>
      %dma_start3A_95 = arith.constant 0 : i32
      %dma_start3A_96 = arith.constant 0 : i32
      %dma_start3A_97 = tpu.memref_slice %arg4[%add3A, %dma_start3A_95, %dma_start3A_96] : memref<32x108x128xi32, #tpu.memory_space<hbm>> -> memref<1x108x128xi32, #tpu.memory_space<hbm>>
      %dma_start3A_98 = tpu.memref_squeeze %dma_start3A_97 : memref<1x108x128xi32, #tpu.memory_space<hbm>> -> memref<108x128xi32, #tpu.memory_space<hbm>>
      tpu.enqueue_dma source(%dma_start3A_98 : memref<108x128xi32, #tpu.memory_space<hbm>>) target(%arg7 : memref<108x128xi32, #tpu.memory_space<vmem>>) target_semaphore(%run_scoped3A : memref<!tpu.dma_semaphore, #tpu.memory_space<semaphore_mem>>)
      %dma_wait3A_99 = arith.constant 0 : i32
      %dma_wait3A_100 = arith.constant 0 : i32
      %dma_wait3A_101 = tpu.memref_slice %arg4[%add3A, %dma_wait3A_99, %dma_wait3A_100] : memref<32x108x128xi32, #tpu.memory_space<hbm>> -> memref<1x108x128xi32, #tpu.memory_space<hbm>>
      %dma_wait3A_102 = tpu.memref_squeeze %dma_wait3A_101 : memref<1x108x128xi32, #tpu.memory_space<hbm>> -> memref<108x128xi32, #tpu.memory_space<hbm>>
      %dma_wait3A_103 = arith.constant 0 : i32
      %dma_wait3A_104 = arith.constant 0 : i32
      %dma_wait3A_105 = tpu.memref_slice %arg4[%add3A, %dma_wait3A_103, %dma_wait3A_104] : memref<32x108x128xi32, #tpu.memory_space<hbm>> -> memref<1x108x128xi32, #tpu.memory_space<hbm>>
      %dma_wait3A_106 = tpu.memref_squeeze %dma_wait3A_105 : memref<1x108x128xi32, #tpu.memory_space<hbm>> -> memref<108x128xi32, #tpu.memory_space<hbm>>
      tpu.wait_dma2 semaphore(%run_scoped3A : memref<!tpu.dma_semaphore, #tpu.memory_space<semaphore_mem>>) src(%dma_wait3A_106 : memref<108x128xi32, #tpu.memory_space<hbm>>) dst(%arg7 : memref<108x128xi32, #tpu.memory_space<vmem>>)
      tpu.yield
    }) : () -> ()
    %barrier3A = arith.constant 0 : index
    tpu.barrier barrier_id(%barrier3A)
    %eq3A = arith.constant 0 : i32
    %eq3A_19 = arith.cmpi eq, %arg0, %eq3A : i32
    %jit3A = arith.constant 108 : i32
    %jit3A_20 = arith.constant 50 : i32
    %select_n3A = arith.select %eq3A_19, %jit3A, %jit3A_20 : i32
    %dma_start3A = arith.constant 0 : i32
    %dma_start3A_21 = arith.constant 0 : i32
    %dma_start3A_22 = tpu.memref_slice %arg6[%dma_start3A, %dma_start3A_21] : memref<108x128xi32, #tpu.memory_space<vmem>> -> memref<1x128xi32, #tpu.memory_space<vmem>>
    %dma_start3A_23 = tpu.memref_squeeze %dma_start3A_22 : memref<1x128xi32, #tpu.memory_space<vmem>> -> memref<128xi32, #tpu.memory_space<vmem>>
    %dma_start3A_24 = arith.constant 0 : i32
    %dma_start3A_25 = arith.constant 0 : i32
    %dma_start3A_26 = tpu.memref_slice %arg11[%dma_start3A_24, %dma_start3A_25] : memref<10112x64xf32, #tpu.memory_space<vmem_shared>> -> memref<10112x64xf32, #tpu.memory_space<vmem_shared>>
    tpu.enqueue_indirect_dma source(%dma_start3A_26 : memref<10112x64xf32, #tpu.memory_space<vmem_shared>>) target(%arg8 : memref<128x64xf32, #tpu.memory_space<vmem>>) offsets(%dma_start3A_23 : memref<128xi32, #tpu.memory_space<vmem>>) semaphore(%arg12 : memref<!tpu.dma_semaphore, #tpu.memory_space<semaphore_mem>>)
    %dma_start3A_27 = arith.constant 1 : i32
    %dma_start3A_28 = arith.constant 0 : i32
    %dma_start3A_29 = tpu.memref_slice %arg6[%dma_start3A_27, %dma_start3A_28] : memref<108x128xi32, #tpu.memory_space<vmem>> -> memref<1x128xi32, #tpu.memory_space<vmem>>
    %dma_start3A_30 = tpu.memref_squeeze %dma_start3A_29 : memref<1x128xi32, #tpu.memory_space<vmem>> -> memref<128xi32, #tpu.memory_space<vmem>>
    %dma_start3A_31 = arith.constant 0 : i32
    %dma_start3A_32 = arith.constant 0 : i32
    %dma_start3A_33 = tpu.memref_slice %arg11[%dma_start3A_31, %dma_start3A_32] : memref<10112x64xf32, #tpu.memory_space<vmem_shared>> -> memref<10112x64xf32, #tpu.memory_space<vmem_shared>>
    tpu.enqueue_indirect_dma source(%dma_start3A_33 : memref<10112x64xf32, #tpu.memory_space<vmem_shared>>) target(%arg9 : memref<128x64xf32, #tpu.memory_space<vmem>>) offsets(%dma_start3A_30 : memref<128xi32, #tpu.memory_space<vmem>>) semaphore(%arg13 : memref<!tpu.dma_semaphore, #tpu.memory_space<semaphore_mem>>)
    %jit3A_34 = arith.constant 2 : i32
    %div3A = arith.divsi %select_n3A, %jit3A_34 : i32
    %sign3A = arith.constant 0 : i32
    %sign3A_35 = arith.cmpi sgt, %select_n3A, %sign3A : i32
    %sign3A_36 = arith.extui %sign3A_35 : i1 to i32
    %sign3A_37 = arith.constant 0 : i32
    %sign3A_38 = arith.cmpi slt, %select_n3A, %sign3A_37 : i32
    %sign3A_39 = arith.extui %sign3A_38 : i1 to i32
    %sign3A_40 = arith.subi %sign3A_36, %sign3A_39 : i32
    %sign3A_41 = arith.constant 0 : i32
    %sign3A_42 = arith.cmpi sgt, %jit3A_34, %sign3A_41 : i32
    %sign3A_43 = arith.extui %sign3A_42 : i1 to i32
    %sign3A_44 = arith.constant 0 : i32
    %sign3A_45 = arith.cmpi slt, %jit3A_34, %sign3A_44 : i32
    %sign3A_46 = arith.extui %sign3A_45 : i1 to i32
    %sign3A_47 = arith.subi %sign3A_43, %sign3A_46 : i32
    %ne3A = arith.cmpi ne, %sign3A_40, %sign3A_47 : i32
    %rem3A = arith.remsi %select_n3A, %jit3A_34 : i32
    %ne3A_48 = arith.constant 0 : i32
    %ne3A_49 = arith.cmpi ne, %rem3A, %ne3A_48 : i32
    %and3A = arith.andi %ne3A, %ne3A_49 : i1
    %sub3A = arith.constant 1 : i32
    %sub3A_50 = arith.subi %div3A, %sub3A : i32
    %select_n3A_51 = arith.select %and3A, %sub3A_50, %div3A : i32
    %sub3A_52 = arith.constant 1 : i32
    %sub3A_53 = arith.subi %select_n3A_51, %sub3A_52 : i32
    %while3A = arith.constant 0 : i32
    %while3A_54 = arith.constant 0 : i32
    %while3A_55 = arith.subi %sub3A_53, %while3A_54 : i32
    %while3A_56 = arith.addi %while3A_54, %while3A_55 : i32
    %while3A_57 = arith.constant 1 : i32
    %while3A_58 = arith.divsi %while3A_55, %while3A_57 : i32
    %while3A_59 = arith.muli %while3A_58, %while3A_57 : i32
    %while3A_60 = arith.addi %while3A_54, %while3A_59 : i32
    %while3A_61 = arith.constant 1 : i32
    scf.for %while3A_91 = %while3A_54 to %while3A_60 step %while3A_61  : i32 {
      %mul3A_92 = arith.constant 2 : i32
      %mul3A_93 = arith.muli %mul3A_92, %while3A_91 : i32
      %add3A_94 = arith.constant 0 : i32
      %add3A_95 = arith.addi %mul3A_93, %add3A_94 : i32
      %dma_wait3A_96 = arith.constant 0 : i32
      %dma_wait3A_97 = tpu.memref_slice %arg6[%add3A_95, %dma_wait3A_96] : memref<108x128xi32, #tpu.memory_space<vmem>> -> memref<1x128xi32, #tpu.memory_space<vmem>>
      %dma_wait3A_98 = tpu.memref_squeeze %dma_wait3A_97 : memref<1x128xi32, #tpu.memory_space<vmem>> -> memref<128xi32, #tpu.memory_space<vmem>>
      %dma_wait3A_99 = arith.constant 0 : i32
      %dma_wait3A_100 = arith.constant 0 : i32
      %dma_wait3A_101 = tpu.memref_slice %arg11[%dma_wait3A_99, %dma_wait3A_100] : memref<10112x64xf32, #tpu.memory_space<vmem_shared>> -> memref<10112x64xf32, #tpu.memory_space<vmem_shared>>
      tpu.wait_indirect_dma semaphore(%arg12 : memref<!tpu.dma_semaphore, #tpu.memory_space<semaphore_mem>>) src(%dma_wait3A_101 : memref<10112x64xf32, #tpu.memory_space<vmem_shared>>) dst(%arg8 : memref<128x64xf32, #tpu.memory_space<vmem>>)
      %add3A_102 = arith.constant 0 : i32
      %add3A_103 = arith.addi %mul3A_93, %add3A_102 : i32
      "tpu.region"() ({
        %run_scoped3A = tpu.sem_alloc : memref<!tpu.dma_semaphore, #tpu.memory_space<semaphore_mem>>
        %dma_start3A_134 = arith.constant 0 : i32
        %dma_start3A_135 = tpu.memref_slice %arg7[%add3A_103, %dma_start3A_134] : memref<108x128xi32, #tpu.memory_space<vmem>> -> memref<1x128xi32, #tpu.memory_space<vmem>>
        %dma_start3A_136 = tpu.memref_squeeze %dma_start3A_135 : memref<1x128xi32, #tpu.memory_space<vmem>> -> memref<128xi32, #tpu.memory_space<vmem>>
        %dma_start3A_137 = arith.constant 0 : i32
        %dma_start3A_138 = arith.constant 0 : i32
        %dma_start3A_139 = tpu.memref_slice %arg10[%dma_start3A_137, %dma_start3A_138] : memref<10112x64xf32, #tpu.memory_space<vmem_shared>> -> memref<10112x64xf32, #tpu.memory_space<vmem_shared>>
        tpu.enqueue_indirect_dma source(%arg8 : memref<128x64xf32, #tpu.memory_space<vmem>>) target(%dma_start3A_139 : memref<10112x64xf32, #tpu.memory_space<vmem_shared>>) offsets(%dma_start3A_136 : memref<128xi32, #tpu.memory_space<vmem>>) semaphore(%run_scoped3A : memref<!tpu.dma_semaphore, #tpu.memory_space<semaphore_mem>>) {add = true}
        %dma_wait3A_140 = arith.constant 0 : i32
        %dma_wait3A_141 = tpu.memref_slice %arg7[%add3A_103, %dma_wait3A_140] : memref<108x128xi32, #tpu.memory_space<vmem>> -> memref<1x128xi32, #tpu.memory_space<vmem>>
        %dma_wait3A_142 = tpu.memref_squeeze %dma_wait3A_141 : memref<1x128xi32, #tpu.memory_space<vmem>> -> memref<128xi32, #tpu.memory_space<vmem>>
        %dma_wait3A_143 = arith.constant 0 : i32
        %dma_wait3A_144 = arith.constant 0 : i32
        %dma_wait3A_145 = tpu.memref_slice %arg10[%dma_wait3A_143, %dma_wait3A_144] : memref<10112x64xf32, #tpu.memory_space<vmem_shared>> -> memref<10112x64xf32, #tpu.memory_space<vmem_shared>>
        tpu.wait_indirect_dma semaphore(%run_scoped3A : memref<!tpu.dma_semaphore, #tpu.memory_space<semaphore_mem>>) src(%arg8 : memref<128x64xf32, #tpu.memory_space<vmem>>) dst(%dma_wait3A_145 : memref<10112x64xf32, #tpu.memory_space<vmem_shared>>)
        tpu.yield
      }) : () -> ()
      %add3A_104 = arith.constant 2 : i32
      %add3A_105 = arith.addi %mul3A_93, %add3A_104 : i32
      %add3A_106 = arith.constant 0 : i32
      %add3A_107 = arith.addi %add3A_105, %add3A_106 : i32
      %dma_start3A_108 = arith.constant 0 : i32
      %dma_start3A_109 = tpu.memref_slice %arg6[%add3A_107, %dma_start3A_108] : memref<108x128xi32, #tpu.memory_space<vmem>> -> memref<1x128xi32, #tpu.memory_space<vmem>>
      %dma_start3A_110 = tpu.memref_squeeze %dma_start3A_109 : memref<1x128xi32, #tpu.memory_space<vmem>> -> memref<128xi32, #tpu.memory_space<vmem>>
      %dma_start3A_111 = arith.constant 0 : i32
      %dma_start3A_112 = arith.constant 0 : i32
      %dma_start3A_113 = tpu.memref_slice %arg11[%dma_start3A_111, %dma_start3A_112] : memref<10112x64xf32, #tpu.memory_space<vmem_shared>> -> memref<10112x64xf32, #tpu.memory_space<vmem_shared>>
      tpu.enqueue_indirect_dma source(%dma_start3A_113 : memref<10112x64xf32, #tpu.memory_space<vmem_shared>>) target(%arg8 : memref<128x64xf32, #tpu.memory_space<vmem>>) offsets(%dma_start3A_110 : memref<128xi32, #tpu.memory_space<vmem>>) semaphore(%arg12 : memref<!tpu.dma_semaphore, #tpu.memory_space<semaphore_mem>>)
      %add3A_114 = arith.constant 1 : i32
      %add3A_115 = arith.addi %mul3A_93, %add3A_114 : i32
      %dma_wait3A_116 = arith.constant 0 : i32
      %dma_wait3A_117 = tpu.memref_slice %arg6[%add3A_115, %dma_wait3A_116] : memref<108x128xi32, #tpu.memory_space<vmem>> -> memref<1x128xi32, #tpu.memory_space<vmem>>
      %dma_wait3A_118 = tpu.memref_squeeze %dma_wait3A_117 : memref<1x128xi32, #tpu.memory_space<vmem>> -> memref<128xi32, #tpu.memory_space<vmem>>
      %dma_wait3A_119 = arith.constant 0 : i32
      %dma_wait3A_120 = arith.constant 0 : i32
      %dma_wait3A_121 = tpu.memref_slice %arg11[%dma_wait3A_119, %dma_wait3A_120] : memref<10112x64xf32, #tpu.memory_space<vmem_shared>> -> memref<10112x64xf32, #tpu.memory_space<vmem_shared>>
      tpu.wait_indirect_dma semaphore(%arg13 : memref<!tpu.dma_semaphore, #tpu.memory_space<semaphore_mem>>) src(%dma_wait3A_121 : memref<10112x64xf32, #tpu.memory_space<vmem_shared>>) dst(%arg9 : memref<128x64xf32, #tpu.memory_space<vmem>>)
      %add3A_122 = arith.constant 1 : i32
      %add3A_123 = arith.addi %mul3A_93, %add3A_122 : i32
      "tpu.region"() ({
        %run_scoped3A = tpu.sem_alloc : memref<!tpu.dma_semaphore, #tpu.memory_space<semaphore_mem>>
        %dma_start3A_134 = arith.constant 0 : i32
        %dma_start3A_135 = tpu.memref_slice %arg7[%add3A_123, %dma_start3A_134] : memref<108x128xi32, #tpu.memory_space<vmem>> -> memref<1x128xi32, #tpu.memory_space<vmem>>
        %dma_start3A_136 = tpu.memref_squeeze %dma_start3A_135 : memref<1x128xi32, #tpu.memory_space<vmem>> -> memref<128xi32, #tpu.memory_space<vmem>>
        %dma_start3A_137 = arith.constant 0 : i32
        %dma_start3A_138 = arith.constant 0 : i32
        %dma_start3A_139 = tpu.memref_slice %arg10[%dma_start3A_137, %dma_start3A_138] : memref<10112x64xf32, #tpu.memory_space<vmem_shared>> -> memref<10112x64xf32, #tpu.memory_space<vmem_shared>>
        tpu.enqueue_indirect_dma source(%arg9 : memref<128x64xf32, #tpu.memory_space<vmem>>) target(%dma_start3A_139 : memref<10112x64xf32, #tpu.memory_space<vmem_shared>>) offsets(%dma_start3A_136 : memref<128xi32, #tpu.memory_space<vmem>>) semaphore(%run_scoped3A : memref<!tpu.dma_semaphore, #tpu.memory_space<semaphore_mem>>) {add = true}
        %dma_wait3A_140 = arith.constant 0 : i32
        %dma_wait3A_141 = tpu.memref_slice %arg7[%add3A_123, %dma_wait3A_140] : memref<108x128xi32, #tpu.memory_space<vmem>> -> memref<1x128xi32, #tpu.memory_space<vmem>>
        %dma_wait3A_142 = tpu.memref_squeeze %dma_wait3A_141 : memref<1x128xi32, #tpu.memory_space<vmem>> -> memref<128xi32, #tpu.memory_space<vmem>>
        %dma_wait3A_143 = arith.constant 0 : i32
        %dma_wait3A_144 = arith.constant 0 : i32
        %dma_wait3A_145 = tpu.memref_slice %arg10[%dma_wait3A_143, %dma_wait3A_144] : memref<10112x64xf32, #tpu.memory_space<vmem_shared>> -> memref<10112x64xf32, #tpu.memory_space<vmem_shared>>
        tpu.wait_indirect_dma semaphore(%run_scoped3A : memref<!tpu.dma_semaphore, #tpu.memory_space<semaphore_mem>>) src(%arg9 : memref<128x64xf32, #tpu.memory_space<vmem>>) dst(%dma_wait3A_145 : memref<10112x64xf32, #tpu.memory_space<vmem_shared>>)
        tpu.yield
      }) : () -> ()
      %add3A_124 = arith.constant 2 : i32
      %add3A_125 = arith.addi %mul3A_93, %add3A_124 : i32
      %add3A_126 = arith.constant 1 : i32
      %add3A_127 = arith.addi %add3A_125, %add3A_126 : i32
      %dma_start3A_128 = arith.constant 0 : i32
      %dma_start3A_129 = tpu.memref_slice %arg6[%add3A_127, %dma_start3A_128] : memref<108x128xi32, #tpu.memory_space<vmem>> -> memref<1x128xi32, #tpu.memory_space<vmem>>
      %dma_start3A_130 = tpu.memref_squeeze %dma_start3A_129 : memref<1x128xi32, #tpu.memory_space<vmem>> -> memref<128xi32, #tpu.memory_space<vmem>>
      %dma_start3A_131 = arith.constant 0 : i32
      %dma_start3A_132 = arith.constant 0 : i32
      %dma_start3A_133 = tpu.memref_slice %arg11[%dma_start3A_131, %dma_start3A_132] : memref<10112x64xf32, #tpu.memory_space<vmem_shared>> -> memref<10112x64xf32, #tpu.memory_space<vmem_shared>>
      tpu.enqueue_indirect_dma source(%dma_start3A_133 : memref<10112x64xf32, #tpu.memory_space<vmem_shared>>) target(%arg9 : memref<128x64xf32, #tpu.memory_space<vmem>>) offsets(%dma_start3A_130 : memref<128xi32, #tpu.memory_space<vmem>>) semaphore(%arg13 : memref<!tpu.dma_semaphore, #tpu.memory_space<semaphore_mem>>)
    }
    %while3A_62 = arith.constant 1 : i32
    scf.for %while3A_91 = %while3A_60 to %while3A_56 step %while3A_62  : i32 {
      %mul3A_92 = arith.constant 2 : i32
      %mul3A_93 = arith.muli %mul3A_92, %while3A_91 : i32
      %add3A_94 = arith.constant 0 : i32
      %add3A_95 = arith.addi %mul3A_93, %add3A_94 : i32
      %dma_wait3A_96 = arith.constant 0 : i32
      %dma_wait3A_97 = tpu.memref_slice %arg6[%add3A_95, %dma_wait3A_96] : memref<108x128xi32, #tpu.memory_space<vmem>> -> memref<1x128xi32, #tpu.memory_space<vmem>>
      %dma_wait3A_98 = tpu.memref_squeeze %dma_wait3A_97 : memref<1x128xi32, #tpu.memory_space<vmem>> -> memref<128xi32, #tpu.memory_space<vmem>>
      %dma_wait3A_99 = arith.constant 0 : i32
      %dma_wait3A_100 = arith.constant 0 : i32
      %dma_wait3A_101 = tpu.memref_slice %arg11[%dma_wait3A_99, %dma_wait3A_100] : memref<10112x64xf32, #tpu.memory_space<vmem_shared>> -> memref<10112x64xf32, #tpu.memory_space<vmem_shared>>
      tpu.wait_indirect_dma semaphore(%arg12 : memref<!tpu.dma_semaphore, #tpu.memory_space<semaphore_mem>>) src(%dma_wait3A_101 : memref<10112x64xf32, #tpu.memory_space<vmem_shared>>) dst(%arg8 : memref<128x64xf32, #tpu.memory_space<vmem>>)
      %add3A_102 = arith.constant 0 : i32
      %add3A_103 = arith.addi %mul3A_93, %add3A_102 : i32
      "tpu.region"() ({
        %run_scoped3A = tpu.sem_alloc : memref<!tpu.dma_semaphore, #tpu.memory_space<semaphore_mem>>
        %dma_start3A_134 = arith.constant 0 : i32
        %dma_start3A_135 = tpu.memref_slice %arg7[%add3A_103, %dma_start3A_134] : memref<108x128xi32, #tpu.memory_space<vmem>> -> memref<1x128xi32, #tpu.memory_space<vmem>>
        %dma_start3A_136 = tpu.memref_squeeze %dma_start3A_135 : memref<1x128xi32, #tpu.memory_space<vmem>> -> memref<128xi32, #tpu.memory_space<vmem>>
        %dma_start3A_137 = arith.constant 0 : i32
        %dma_start3A_138 = arith.constant 0 : i32
        %dma_start3A_139 = tpu.memref_slice %arg10[%dma_start3A_137, %dma_start3A_138] : memref<10112x64xf32, #tpu.memory_space<vmem_shared>> -> memref<10112x64xf32, #tpu.memory_space<vmem_shared>>
        tpu.enqueue_indirect_dma source(%arg8 : memref<128x64xf32, #tpu.memory_space<vmem>>) target(%dma_start3A_139 : memref<10112x64xf32, #tpu.memory_space<vmem_shared>>) offsets(%dma_start3A_136 : memref<128xi32, #tpu.memory_space<vmem>>) semaphore(%run_scoped3A : memref<!tpu.dma_semaphore, #tpu.memory_space<semaphore_mem>>) {add = true}
        %dma_wait3A_140 = arith.constant 0 : i32
        %dma_wait3A_141 = tpu.memref_slice %arg7[%add3A_103, %dma_wait3A_140] : memref<108x128xi32, #tpu.memory_space<vmem>> -> memref<1x128xi32, #tpu.memory_space<vmem>>
        %dma_wait3A_142 = tpu.memref_squeeze %dma_wait3A_141 : memref<1x128xi32, #tpu.memory_space<vmem>> -> memref<128xi32, #tpu.memory_space<vmem>>
        %dma_wait3A_143 = arith.constant 0 : i32
        %dma_wait3A_144 = arith.constant 0 : i32
        %dma_wait3A_145 = tpu.memref_slice %arg10[%dma_wait3A_143, %dma_wait3A_144] : memref<10112x64xf32, #tpu.memory_space<vmem_shared>> -> memref<10112x64xf32, #tpu.memory_space<vmem_shared>>
        tpu.wait_indirect_dma semaphore(%run_scoped3A : memref<!tpu.dma_semaphore, #tpu.memory_space<semaphore_mem>>) src(%arg8 : memref<128x64xf32, #tpu.memory_space<vmem>>) dst(%dma_wait3A_145 : memref<10112x64xf32, #tpu.memory_space<vmem_shared>>)
        tpu.yield
      }) : () -> ()
      %add3A_104 = arith.constant 2 : i32
      %add3A_105 = arith.addi %mul3A_93, %add3A_104 : i32
      %add3A_106 = arith.constant 0 : i32
      %add3A_107 = arith.addi %add3A_105, %add3A_106 : i32
      %dma_start3A_108 = arith.constant 0 : i32
      %dma_start3A_109 = tpu.memref_slice %arg6[%add3A_107, %dma_start3A_108] : memref<108x128xi32, #tpu.memory_space<vmem>> -> memref<1x128xi32, #tpu.memory_space<vmem>>
      %dma_start3A_110 = tpu.memref_squeeze %dma_start3A_109 : memref<1x128xi32, #tpu.memory_space<vmem>> -> memref<128xi32, #tpu.memory_space<vmem>>
      %dma_start3A_111 = arith.constant 0 : i32
      %dma_start3A_112 = arith.constant 0 : i32
      %dma_start3A_113 = tpu.memref_slice %arg11[%dma_start3A_111, %dma_start3A_112] : memref<10112x64xf32, #tpu.memory_space<vmem_shared>> -> memref<10112x64xf32, #tpu.memory_space<vmem_shared>>
      tpu.enqueue_indirect_dma source(%dma_start3A_113 : memref<10112x64xf32, #tpu.memory_space<vmem_shared>>) target(%arg8 : memref<128x64xf32, #tpu.memory_space<vmem>>) offsets(%dma_start3A_110 : memref<128xi32, #tpu.memory_space<vmem>>) semaphore(%arg12 : memref<!tpu.dma_semaphore, #tpu.memory_space<semaphore_mem>>)
      %add3A_114 = arith.constant 1 : i32
      %add3A_115 = arith.addi %mul3A_93, %add3A_114 : i32
      %dma_wait3A_116 = arith.constant 0 : i32
      %dma_wait3A_117 = tpu.memref_slice %arg6[%add3A_115, %dma_wait3A_116] : memref<108x128xi32, #tpu.memory_space<vmem>> -> memref<1x128xi32, #tpu.memory_space<vmem>>
      %dma_wait3A_118 = tpu.memref_squeeze %dma_wait3A_117 : memref<1x128xi32, #tpu.memory_space<vmem>> -> memref<128xi32, #tpu.memory_space<vmem>>
      %dma_wait3A_119 = arith.constant 0 : i32
      %dma_wait3A_120 = arith.constant 0 : i32
      %dma_wait3A_121 = tpu.memref_slice %arg11[%dma_wait3A_119, %dma_wait3A_120] : memref<10112x64xf32, #tpu.memory_space<vmem_shared>> -> memref<10112x64xf32, #tpu.memory_space<vmem_shared>>
      tpu.wait_indirect_dma semaphore(%arg13 : memref<!tpu.dma_semaphore, #tpu.memory_space<semaphore_mem>>) src(%dma_wait3A_121 : memref<10112x64xf32, #tpu.memory_space<vmem_shared>>) dst(%arg9 : memref<128x64xf32, #tpu.memory_space<vmem>>)
      %add3A_122 = arith.constant 1 : i32
      %add3A_123 = arith.addi %mul3A_93, %add3A_122 : i32
      "tpu.region"() ({
        %run_scoped3A = tpu.sem_alloc : memref<!tpu.dma_semaphore, #tpu.memory_space<semaphore_mem>>
        %dma_start3A_134 = arith.constant 0 : i32
        %dma_start3A_135 = tpu.memref_slice %arg7[%add3A_123, %dma_start3A_134] : memref<108x128xi32, #tpu.memory_space<vmem>> -> memref<1x128xi32, #tpu.memory_space<vmem>>
        %dma_start3A_136 = tpu.memref_squeeze %dma_start3A_135 : memref<1x128xi32, #tpu.memory_space<vmem>> -> memref<128xi32, #tpu.memory_space<vmem>>
        %dma_start3A_137 = arith.constant 0 : i32
        %dma_start3A_138 = arith.constant 0 : i32
        %dma_start3A_139 = tpu.memref_slice %arg10[%dma_start3A_137, %dma_start3A_138] : memref<10112x64xf32, #tpu.memory_space<vmem_shared>> -> memref<10112x64xf32, #tpu.memory_space<vmem_shared>>
        tpu.enqueue_indirect_dma source(%arg9 : memref<128x64xf32, #tpu.memory_space<vmem>>) target(%dma_start3A_139 : memref<10112x64xf32, #tpu.memory_space<vmem_shared>>) offsets(%dma_start3A_136 : memref<128xi32, #tpu.memory_space<vmem>>) semaphore(%run_scoped3A : memref<!tpu.dma_semaphore, #tpu.memory_space<semaphore_mem>>) {add = true}
        %dma_wait3A_140 = arith.constant 0 : i32
        %dma_wait3A_141 = tpu.memref_slice %arg7[%add3A_123, %dma_wait3A_140] : memref<108x128xi32, #tpu.memory_space<vmem>> -> memref<1x128xi32, #tpu.memory_space<vmem>>
        %dma_wait3A_142 = tpu.memref_squeeze %dma_wait3A_141 : memref<1x128xi32, #tpu.memory_space<vmem>> -> memref<128xi32, #tpu.memory_space<vmem>>
        %dma_wait3A_143 = arith.constant 0 : i32
        %dma_wait3A_144 = arith.constant 0 : i32
        %dma_wait3A_145 = tpu.memref_slice %arg10[%dma_wait3A_143, %dma_wait3A_144] : memref<10112x64xf32, #tpu.memory_space<vmem_shared>> -> memref<10112x64xf32, #tpu.memory_space<vmem_shared>>
        tpu.wait_indirect_dma semaphore(%run_scoped3A : memref<!tpu.dma_semaphore, #tpu.memory_space<semaphore_mem>>) src(%arg9 : memref<128x64xf32, #tpu.memory_space<vmem>>) dst(%dma_wait3A_145 : memref<10112x64xf32, #tpu.memory_space<vmem_shared>>)
        tpu.yield
      }) : () -> ()
      %add3A_124 = arith.constant 2 : i32
      %add3A_125 = arith.addi %mul3A_93, %add3A_124 : i32
      %add3A_126 = arith.constant 1 : i32
      %add3A_127 = arith.addi %add3A_125, %add3A_126 : i32
      %dma_start3A_128 = arith.constant 0 : i32
      %dma_start3A_129 = tpu.memref_slice %arg6[%add3A_127, %dma_start3A_128] : memref<108x128xi32, #tpu.memory_space<vmem>> -> memref<1x128xi32, #tpu.memory_space<vmem>>
      %dma_start3A_130 = tpu.memref_squeeze %dma_start3A_129 : memref<1x128xi32, #tpu.memory_space<vmem>> -> memref<128xi32, #tpu.memory_space<vmem>>
      %dma_start3A_131 = arith.constant 0 : i32
      %dma_start3A_132 = arith.constant 0 : i32
      %dma_start3A_133 = tpu.memref_slice %arg11[%dma_start3A_131, %dma_start3A_132] : memref<10112x64xf32, #tpu.memory_space<vmem_shared>> -> memref<10112x64xf32, #tpu.memory_space<vmem_shared>>
      tpu.enqueue_indirect_dma source(%dma_start3A_133 : memref<10112x64xf32, #tpu.memory_space<vmem_shared>>) target(%arg9 : memref<128x64xf32, #tpu.memory_space<vmem>>) offsets(%dma_start3A_130 : memref<128xi32, #tpu.memory_space<vmem>>) semaphore(%arg13 : memref<!tpu.dma_semaphore, #tpu.memory_space<semaphore_mem>>)
    }
    %sub3A_63 = arith.constant 2 : i32
    %sub3A_64 = arith.subi %select_n3A, %sub3A_63 : i32
    %add3A_65 = arith.constant 0 : i32
    %add3A_66 = arith.addi %sub3A_64, %add3A_65 : i32
    %dma_wait3A = arith.constant 0 : i32
    %dma_wait3A_67 = tpu.memref_slice %arg6[%add3A_66, %dma_wait3A] : memref<108x128xi32, #tpu.memory_space<vmem>> -> memref<1x128xi32, #tpu.memory_space<vmem>>
    %dma_wait3A_68 = tpu.memref_squeeze %dma_wait3A_67 : memref<1x128xi32, #tpu.memory_space<vmem>> -> memref<128xi32, #tpu.memory_space<vmem>>
    %dma_wait3A_69 = arith.constant 0 : i32
    %dma_wait3A_70 = arith.constant 0 : i32
    %dma_wait3A_71 = tpu.memref_slice %arg11[%dma_wait3A_69, %dma_wait3A_70] : memref<10112x64xf32, #tpu.memory_space<vmem_shared>> -> memref<10112x64xf32, #tpu.memory_space<vmem_shared>>
    tpu.wait_indirect_dma semaphore(%arg12 : memref<!tpu.dma_semaphore, #tpu.memory_space<semaphore_mem>>) src(%dma_wait3A_71 : memref<10112x64xf32, #tpu.memory_space<vmem_shared>>) dst(%arg8 : memref<128x64xf32, #tpu.memory_space<vmem>>)
    %sub3A_72 = arith.constant 2 : i32
    %sub3A_73 = arith.subi %select_n3A, %sub3A_72 : i32
    %add3A_74 = arith.constant 0 : i32
    %add3A_75 = arith.addi %sub3A_73, %add3A_74 : i32
    "tpu.region"() ({
      %run_scoped3A = tpu.sem_alloc : memref<!tpu.dma_semaphore, #tpu.memory_space<semaphore_mem>>
      %dma_start3A_91 = arith.constant 0 : i32
      %dma_start3A_92 = tpu.memref_slice %arg7[%add3A_75, %dma_start3A_91] : memref<108x128xi32, #tpu.memory_space<vmem>> -> memref<1x128xi32, #tpu.memory_space<vmem>>
      %dma_start3A_93 = tpu.memref_squeeze %dma_start3A_92 : memref<1x128xi32, #tpu.memory_space<vmem>> -> memref<128xi32, #tpu.memory_space<vmem>>
      %dma_start3A_94 = arith.constant 0 : i32
      %dma_start3A_95 = arith.constant 0 : i32
      %dma_start3A_96 = tpu.memref_slice %arg10[%dma_start3A_94, %dma_start3A_95] : memref<10112x64xf32, #tpu.memory_space<vmem_shared>> -> memref<10112x64xf32, #tpu.memory_space<vmem_shared>>
      tpu.enqueue_indirect_dma source(%arg8 : memref<128x64xf32, #tpu.memory_space<vmem>>) target(%dma_start3A_96 : memref<10112x64xf32, #tpu.memory_space<vmem_shared>>) offsets(%dma_start3A_93 : memref<128xi32, #tpu.memory_space<vmem>>) semaphore(%run_scoped3A : memref<!tpu.dma_semaphore, #tpu.memory_space<semaphore_mem>>) {add = true}
      %dma_wait3A_97 = arith.constant 0 : i32
      %dma_wait3A_98 = tpu.memref_slice %arg7[%add3A_75, %dma_wait3A_97] : memref<108x128xi32, #tpu.memory_space<vmem>> -> memref<1x128xi32, #tpu.memory_space<vmem>>
      %dma_wait3A_99 = tpu.memref_squeeze %dma_wait3A_98 : memref<1x128xi32, #tpu.memory_space<vmem>> -> memref<128xi32, #tpu.memory_space<vmem>>
      %dma_wait3A_100 = arith.constant 0 : i32
      %dma_wait3A_101 = arith.constant 0 : i32
      %dma_wait3A_102 = tpu.memref_slice %arg10[%dma_wait3A_100, %dma_wait3A_101] : memref<10112x64xf32, #tpu.memory_space<vmem_shared>> -> memref<10112x64xf32, #tpu.memory_space<vmem_shared>>
      tpu.wait_indirect_dma semaphore(%run_scoped3A : memref<!tpu.dma_semaphore, #tpu.memory_space<semaphore_mem>>) src(%arg8 : memref<128x64xf32, #tpu.memory_space<vmem>>) dst(%dma_wait3A_102 : memref<10112x64xf32, #tpu.memory_space<vmem_shared>>)
      tpu.yield
    }) : () -> ()
    %sub3A_76 = arith.constant 2 : i32
    %sub3A_77 = arith.subi %select_n3A, %sub3A_76 : i32
    %add3A_78 = arith.constant 1 : i32
    %add3A_79 = arith.addi %sub3A_77, %add3A_78 : i32
    %dma_wait3A_80 = arith.constant 0 : i32
    %dma_wait3A_81 = tpu.memref_slice %arg6[%add3A_79, %dma_wait3A_80] : memref<108x128xi32, #tpu.memory_space<vmem>> -> memref<1x128xi32, #tpu.memory_space<vmem>>
    %dma_wait3A_82 = tpu.memref_squeeze %dma_wait3A_81 : memref<1x128xi32, #tpu.memory_space<vmem>> -> memref<128xi32, #tpu.memory_space<vmem>>
    %dma_wait3A_83 = arith.constant 0 : i32
    %dma_wait3A_84 = arith.constant 0 : i32
    %dma_wait3A_85 = tpu.memref_slice %arg11[%dma_wait3A_83, %dma_wait3A_84] : memref<10112x64xf32, #tpu.memory_space<vmem_shared>> -> memref<10112x64xf32, #tpu.memory_space<vmem_shared>>
    tpu.wait_indirect_dma semaphore(%arg13 : memref<!tpu.dma_semaphore, #tpu.memory_space<semaphore_mem>>) src(%dma_wait3A_85 : memref<10112x64xf32, #tpu.memory_space<vmem_shared>>) dst(%arg9 : memref<128x64xf32, #tpu.memory_space<vmem>>)
    %sub3A_86 = arith.constant 2 : i32
    %sub3A_87 = arith.subi %select_n3A, %sub3A_86 : i32
    %add3A_88 = arith.constant 1 : i32
    %add3A_89 = arith.addi %sub3A_87, %add3A_88 : i32
    "tpu.region"() ({
      %run_scoped3A = tpu.sem_alloc : memref<!tpu.dma_semaphore, #tpu.memory_space<semaphore_mem>>
      %dma_start3A_91 = arith.constant 0 : i32
      %dma_start3A_92 = tpu.memref_slice %arg7[%add3A_89, %dma_start3A_91] : memref<108x128xi32, #tpu.memory_space<vmem>> -> memref<1x128xi32, #tpu.memory_space<vmem>>
      %dma_start3A_93 = tpu.memref_squeeze %dma_start3A_92 : memref<1x128xi32, #tpu.memory_space<vmem>> -> memref<128xi32, #tpu.memory_space<vmem>>
      %dma_start3A_94 = arith.constant 0 : i32
      %dma_start3A_95 = arith.constant 0 : i32
      %dma_start3A_96 = tpu.memref_slice %arg10[%dma_start3A_94, %dma_start3A_95] : memref<10112x64xf32, #tpu.memory_space<vmem_shared>> -> memref<10112x64xf32, #tpu.memory_space<vmem_shared>>
      tpu.enqueue_indirect_dma source(%arg9 : memref<128x64xf32, #tpu.memory_space<vmem>>) target(%dma_start3A_96 : memref<10112x64xf32, #tpu.memory_space<vmem_shared>>) offsets(%dma_start3A_93 : memref<128xi32, #tpu.memory_space<vmem>>) semaphore(%run_scoped3A : memref<!tpu.dma_semaphore, #tpu.memory_space<semaphore_mem>>) {add = true}
      %dma_wait3A_97 = arith.constant 0 : i32
      %dma_wait3A_98 = tpu.memref_slice %arg7[%add3A_89, %dma_wait3A_97] : memref<108x128xi32, #tpu.memory_space<vmem>> -> memref<1x128xi32, #tpu.memory_space<vmem>>
      %dma_wait3A_99 = tpu.memref_squeeze %dma_wait3A_98 : memref<1x128xi32, #tpu.memory_space<vmem>> -> memref<128xi32, #tpu.memory_space<vmem>>
      %dma_wait3A_100 = arith.constant 0 : i32
      %dma_wait3A_101 = arith.constant 0 : i32
      %dma_wait3A_102 = tpu.memref_slice %arg10[%dma_wait3A_100, %dma_wait3A_101] : memref<10112x64xf32, #tpu.memory_space<vmem_shared>> -> memref<10112x64xf32, #tpu.memory_space<vmem_shared>>
      tpu.wait_indirect_dma semaphore(%run_scoped3A : memref<!tpu.dma_semaphore, #tpu.memory_space<semaphore_mem>>) src(%arg9 : memref<128x64xf32, #tpu.memory_space<vmem>>) dst(%dma_wait3A_102 : memref<10112x64xf32, #tpu.memory_space<vmem_shared>>)
      tpu.yield
    }) : () -> ()
    %barrier3A_90 = arith.constant 0 : index
    tpu.barrier barrier_id(%barrier3A_90)
    "tpu.region"() ({
      %run_scoped3A = tpu.sem_alloc : memref<!tpu.dma_semaphore, #tpu.memory_space<semaphore_mem>>
      %dma_start3A_91 = arith.constant 0 : i32
      %dma_start3A_92 = arith.constant 0 : i32
      %dma_start3A_93 = tpu.memref_slice %arg5[%arg0, %dma_start3A_91, %dma_start3A_92] : memref<2x10112x64xf32, #tpu.memory_space<hbm>> -> memref<1x10112x64xf32, #tpu.memory_space<hbm>>
      %dma_start3A_94 = tpu.memref_squeeze %dma_start3A_93 : memref<1x10112x64xf32, #tpu.memory_space<hbm>> -> memref<10112x64xf32, #tpu.memory_space<hbm>>
      %dma_start3A_95 = arith.constant 0 : i32
      %dma_start3A_96 = tpu.memref_slice %dma_start3A_94[%mul3A_2, %dma_start3A_95] : memref<10112x64xf32, #tpu.memory_space<hbm>> -> memref<632x64xf32, #tpu.memory_space<hbm>>
      %dma_start3A_97 = arith.constant 0 : i32
      %dma_start3A_98 = tpu.memref_slice %arg10[%mul3A_2, %dma_start3A_97] : memref<10112x64xf32, #tpu.memory_space<vmem_shared>> -> memref<632x64xf32, #tpu.memory_space<vmem_shared>>
      tpu.enqueue_dma source(%dma_start3A_98 : memref<632x64xf32, #tpu.memory_space<vmem_shared>>) target(%dma_start3A_96 : memref<632x64xf32, #tpu.memory_space<hbm>>) target_semaphore(%run_scoped3A : memref<!tpu.dma_semaphore, #tpu.memory_space<semaphore_mem>>)
      %dma_wait3A_99 = arith.constant 0 : i32
      %dma_wait3A_100 = arith.constant 0 : i32
      %dma_wait3A_101 = tpu.memref_slice %arg5[%arg0, %dma_wait3A_99, %dma_wait3A_100] : memref<2x10112x64xf32, #tpu.memory_space<hbm>> -> memref<1x10112x64xf32, #tpu.memory_space<hbm>>
      %dma_wait3A_102 = tpu.memref_squeeze %dma_wait3A_101 : memref<1x10112x64xf32, #tpu.memory_space<hbm>> -> memref<10112x64xf32, #tpu.memory_space<hbm>>
      %dma_wait3A_103 = arith.constant 0 : i32
      %dma_wait3A_104 = tpu.memref_slice %dma_wait3A_102[%mul3A_2, %dma_wait3A_103] : memref<10112x64xf32, #tpu.memory_space<hbm>> -> memref<632x64xf32, #tpu.memory_space<hbm>>
      %dma_wait3A_105 = arith.constant 0 : i32
      %dma_wait3A_106 = tpu.memref_slice %arg10[%mul3A_2, %dma_wait3A_105] : memref<10112x64xf32, #tpu.memory_space<vmem_shared>> -> memref<632x64xf32, #tpu.memory_space<vmem_shared>>
      tpu.wait_dma2 semaphore(%run_scoped3A : memref<!tpu.dma_semaphore, #tpu.memory_space<semaphore_mem>>) src(%dma_wait3A_106 : memref<632x64xf32, #tpu.memory_space<vmem_shared>>) dst(%dma_wait3A_104 : memref<632x64xf32, #tpu.memory_space<hbm>>)
      tpu.yield
    }) : () -> ()
    return
  }
}

#map = affine_map<(d0, d1) -> (0, 0)>
#map1 = affine_map<(d0, d1) -> (0, 0, 0)>
module attributes {stable_mosaic.version = 14 : i64} {
  func.func @prop_kernel(%arg0: i32, %arg1: i32, %arg2: memref<10112x64xf32, #tpu.memory_space<hbm>>, %arg3: memref<32x108x128xi32, #tpu.memory_space<hbm>>, %arg4: memref<32x108x128xi32, #tpu.memory_space<hbm>>, %arg5: memref<2x10112x64xf32, #tpu.memory_space<hbm>>, %arg6: memref<108x128xi32, #tpu.memory_space<vmem>>, %arg7: memref<108x128xi32, #tpu.memory_space<vmem>>, %arg8: memref<128x64xf32, #tpu.memory_space<vmem>>, %arg9: memref<128x64xf32, #tpu.memory_space<vmem>>, %arg10: memref<10112x64xf32, #tpu.memory_space<vmem_shared>>, %arg11: memref<10112x64xf32, #tpu.memory_space<vmem_shared>>, %arg12: memref<!tpu.dma_semaphore, #tpu.memory_space<semaphore_mem>>, %arg13: memref<!tpu.dma_semaphore, #tpu.memory_space<semaphore_mem>>) attributes {dimension_semantics = [#tpu.dimension_semantics<core_parallel>, #tpu.dimension_semantics<subcore_parallel>], iteration_bounds = array<i64: 2, 16>, scalar_prefetch = 0 : i64, scratch_operands = 8 : i64, tpu.core_type = #tpu.core_type<sc_vector_subcore>, window_params = [{transform_indices = #map}, {transform_indices = #map1}, {transform_indices = #map1}, {transform_indices = #map1}]} {
    %mul3A = arith.constant 16 : i32
    %mul3A_0 = arith.muli %arg0, %mul3A : i32
    %add3A = arith.addi %mul3A_0, %arg1 : i32
    %mul3A_1 = arith.constant 632 : i32
    %mul3A_2 = arith.muli %arg1, %mul3A_1 : i32
    %broadcast_in_dim3A = arith.constant 0.000000e+00 : f32
    %broadcast_in_dim3A_3 = vector.broadcast %broadcast_in_dim3A : f32 to vector<16xf32>
    %scan3A = arith.constant 0 : i32
    %scan3A_4 = arith.constant 0 : i32
    %scan3A_5 = arith.constant 128 : i32
    %scan3A_6 = arith.addi %scan3A_4, %scan3A_5 : i32
    %scan3A_7 = arith.constant 1 : i32
    scf.for %scan3A_91 = %scan3A_4 to %scan3A_6 step %scan3A_7  : i32 {
      %swap3A = arith.index_cast %scan3A_91 : i32 to index
      %swap3A_92 = arith.constant 0 : index
      %swap3A_93 = tpu.vector_load %arg8[%swap3A, %swap3A_92] {strides = array<i32>} : memref<128x64xf32, #tpu.memory_space<vmem>>, vector<1x16xf32>,
      %swap3A_94 = vector.shape_cast %swap3A_93 : vector<1x16xf32> to vector<16xf32>
      %swap3A_95 = vector.shape_cast %broadcast_in_dim3A_3 : vector<16xf32> to vector<1x16xf32>
      tpu.vector_store %arg8[%swap3A, %swap3A_92], %swap3A_95 {strides = array<i32>} : memref<128x64xf32, #tpu.memory_space<vmem>>, vector<1x16xf32>,
      %swap3A_96 = arith.index_cast %scan3A_91 : i32 to index
      %swap3A_97 = arith.constant 16 : index
      %swap3A_98 = tpu.vector_load %arg8[%swap3A_96, %swap3A_97] {strides = array<i32>} : memref<128x64xf32, #tpu.memory_space<vmem>>, vector<1x16xf32>,
      %swap3A_99 = vector.shape_cast %swap3A_98 : vector<1x16xf32> to vector<16xf32>
      %swap3A_100 = vector.shape_cast %broadcast_in_dim3A_3 : vector<16xf32> to vector<1x16xf32>
      tpu.vector_store %arg8[%swap3A_96, %swap3A_97], %swap3A_100 {strides = array<i32>} : memref<128x64xf32, #tpu.memory_space<vmem>>, vector<1x16xf32>,
      %swap3A_101 = arith.index_cast %scan3A_91 : i32 to index
      %swap3A_102 = arith.constant 32 : index
      %swap3A_103 = tpu.vector_load %arg8[%swap3A_101, %swap3A_102] {strides = array<i32>} : memref<128x64xf32, #tpu.memory_space<vmem>>, vector<1x16xf32>,
      %swap3A_104 = vector.shape_cast %swap3A_103 : vector<1x16xf32> to vector<16xf32>
      %swap3A_105 = vector.shape_cast %broadcast_in_dim3A_3 : vector<16xf32> to vector<1x16xf32>
      tpu.vector_store %arg8[%swap3A_101, %swap3A_102], %swap3A_105 {strides = array<i32>} : memref<128x64xf32, #tpu.memory_space<vmem>>, vector<1x16xf32>,
      %swap3A_106 = arith.index_cast %scan3A_91 : i32 to index
      %swap3A_107 = arith.constant 48 : index
      %swap3A_108 = tpu.vector_load %arg8[%swap3A_106, %swap3A_107] {strides = array<i32>} : memref<128x64xf32, #tpu.memory_space<vmem>>, vector<1x16xf32>,
      %swap3A_109 = vector.shape_cast %swap3A_108 : vector<1x16xf32> to vector<16xf32>
      %swap3A_110 = vector.shape_cast %broadcast_in_dim3A_3 : vector<16xf32> to vector<1x16xf32>
      tpu.vector_store %arg8[%swap3A_106, %swap3A_107], %swap3A_110 {strides = array<i32>} : memref<128x64xf32, #tpu.memory_space<vmem>>, vector<1x16xf32>,
    }
    %scan3A_8 = arith.constant 128 : i32
    %add3A_9 = arith.constant 0 : i32
    %add3A_10 = arith.addi %mul3A_2, %add3A_9 : i32
    "tpu.region"() ({
      %run_scoped3A = tpu.sem_alloc : memref<!tpu.dma_semaphore, #tpu.memory_space<semaphore_mem>>
      %dma_start3A_91 = arith.constant 0 : i32
      %dma_start3A_92 = tpu.memref_slice %arg10[%add3A_10, %dma_start3A_91] : memref<10112x64xf32, #tpu.memory_space<vmem_shared>> -> memref<128x64xf32, #tpu.memory_space<vmem_shared>>
      %dma_start3A_93 = arith.constant 0 : i32
      %dma_start3A_94 = tpu.memref_slice %arg10[%add3A_10, %dma_start3A_93] : memref<10112x64xf32, #tpu.memory_space<vmem_shared>> -> memref<128x64xf32, #tpu.memory_space<vmem_shared>>
      tpu.enqueue_dma source(%arg8 : memref<128x64xf32, #tpu.memory_space<vmem>>) target(%dma_start3A_94 : memref<128x64xf32, #tpu.memory_space<vmem_shared>>) target_semaphore(%run_scoped3A : memref<!tpu.dma_semaphore, #tpu.memory_space<semaphore_mem>>)
      %dma_wait3A_95 = arith.constant 0 : i32
      %dma_wait3A_96 = tpu.memref_slice %arg10[%add3A_10, %dma_wait3A_95] : memref<10112x64xf32, #tpu.memory_space<vmem_shared>> -> memref<128x64xf32, #tpu.memory_space<vmem_shared>>
      %dma_wait3A_97 = arith.constant 0 : i32
      %dma_wait3A_98 = tpu.memref_slice %arg10[%add3A_10, %dma_wait3A_97] : memref<10112x64xf32, #tpu.memory_space<vmem_shared>> -> memref<128x64xf32, #tpu.memory_space<vmem_shared>>
      tpu.wait_dma2 semaphore(%run_scoped3A : memref<!tpu.dma_semaphore, #tpu.memory_space<semaphore_mem>>) src(%arg8 : memref<128x64xf32, #tpu.memory_space<vmem>>) dst(%dma_wait3A_98 : memref<128x64xf32, #tpu.memory_space<vmem_shared>>)
      tpu.yield
    }) : () -> ()
    %add3A_11 = arith.constant 128 : i32
    %add3A_12 = arith.addi %mul3A_2, %add3A_11 : i32
    "tpu.region"() ({
      %run_scoped3A = tpu.sem_alloc : memref<!tpu.dma_semaphore, #tpu.memory_space<semaphore_mem>>
      %dma_start3A_91 = arith.constant 0 : i32
      %dma_start3A_92 = tpu.memref_slice %arg10[%add3A_12, %dma_start3A_91] : memref<10112x64xf32, #tpu.memory_space<vmem_shared>> -> memref<128x64xf32, #tpu.memory_space<vmem_shared>>
      %dma_start3A_93 = arith.constant 0 : i32
      %dma_start3A_94 = tpu.memref_slice %arg10[%add3A_12, %dma_start3A_93] : memref<10112x64xf32, #tpu.memory_space<vmem_shared>> -> memref<128x64xf32, #tpu.memory_space<vmem_shared>>
      tpu.enqueue_dma source(%arg8 : memref<128x64xf32, #tpu.memory_space<vmem>>) target(%dma_start3A_94 : memref<128x64xf32, #tpu.memory_space<vmem_shared>>) target_semaphore(%run_scoped3A : memref<!tpu.dma_semaphore, #tpu.memory_space<semaphore_mem>>)
      %dma_wait3A_95 = arith.constant 0 : i32
      %dma_wait3A_96 = tpu.memref_slice %arg10[%add3A_12, %dma_wait3A_95] : memref<10112x64xf32, #tpu.memory_space<vmem_shared>> -> memref<128x64xf32, #tpu.memory_space<vmem_shared>>
      %dma_wait3A_97 = arith.constant 0 : i32
      %dma_wait3A_98 = tpu.memref_slice %arg10[%add3A_12, %dma_wait3A_97] : memref<10112x64xf32, #tpu.memory_space<vmem_shared>> -> memref<128x64xf32, #tpu.memory_space<vmem_shared>>
      tpu.wait_dma2 semaphore(%run_scoped3A : memref<!tpu.dma_semaphore, #tpu.memory_space<semaphore_mem>>) src(%arg8 : memref<128x64xf32, #tpu.memory_space<vmem>>) dst(%dma_wait3A_98 : memref<128x64xf32, #tpu.memory_space<vmem_shared>>)
      tpu.yield
    }) : () -> ()
    %add3A_13 = arith.constant 256 : i32
    %add3A_14 = arith.addi %mul3A_2, %add3A_13 : i32
    "tpu.region"() ({
      %run_scoped3A = tpu.sem_alloc : memref<!tpu.dma_semaphore, #tpu.memory_space<semaphore_mem>>
      %dma_start3A_91 = arith.constant 0 : i32
      %dma_start3A_92 = tpu.memref_slice %arg10[%add3A_14, %dma_start3A_91] : memref<10112x64xf32, #tpu.memory_space<vmem_shared>> -> memref<128x64xf32, #tpu.memory_space<vmem_shared>>
      %dma_start3A_93 = arith.constant 0 : i32
      %dma_start3A_94 = tpu.memref_slice %arg10[%add3A_14, %dma_start3A_93] : memref<10112x64xf32, #tpu.memory_space<vmem_shared>> -> memref<128x64xf32, #tpu.memory_space<vmem_shared>>
      tpu.enqueue_dma source(%arg8 : memref<128x64xf32, #tpu.memory_space<vmem>>) target(%dma_start3A_94 : memref<128x64xf32, #tpu.memory_space<vmem_shared>>) target_semaphore(%run_scoped3A : memref<!tpu.dma_semaphore, #tpu.memory_space<semaphore_mem>>)
      %dma_wait3A_95 = arith.constant 0 : i32
      %dma_wait3A_96 = tpu.memref_slice %arg10[%add3A_14, %dma_wait3A_95] : memref<10112x64xf32, #tpu.memory_space<vmem_shared>> -> memref<128x64xf32, #tpu.memory_space<vmem_shared>>
      %dma_wait3A_97 = arith.constant 0 : i32
      %dma_wait3A_98 = tpu.memref_slice %arg10[%add3A_14, %dma_wait3A_97] : memref<10112x64xf32, #tpu.memory_space<vmem_shared>> -> memref<128x64xf32, #tpu.memory_space<vmem_shared>>
      tpu.wait_dma2 semaphore(%run_scoped3A : memref<!tpu.dma_semaphore, #tpu.memory_space<semaphore_mem>>) src(%arg8 : memref<128x64xf32, #tpu.memory_space<vmem>>) dst(%dma_wait3A_98 : memref<128x64xf32, #tpu.memory_space<vmem_shared>>)
      tpu.yield
    }) : () -> ()
    %add3A_15 = arith.constant 384 : i32
    %add3A_16 = arith.addi %mul3A_2, %add3A_15 : i32
    "tpu.region"() ({
      %run_scoped3A = tpu.sem_alloc : memref<!tpu.dma_semaphore, #tpu.memory_space<semaphore_mem>>
      %dma_start3A_91 = arith.constant 0 : i32
      %dma_start3A_92 = tpu.memref_slice %arg10[%add3A_16, %dma_start3A_91] : memref<10112x64xf32, #tpu.memory_space<vmem_shared>> -> memref<128x64xf32, #tpu.memory_space<vmem_shared>>
      %dma_start3A_93 = arith.constant 0 : i32
      %dma_start3A_94 = tpu.memref_slice %arg10[%add3A_16, %dma_start3A_93] : memref<10112x64xf32, #tpu.memory_space<vmem_shared>> -> memref<128x64xf32, #tpu.memory_space<vmem_shared>>
      tpu.enqueue_dma source(%arg8 : memref<128x64xf32, #tpu.memory_space<vmem>>) target(%dma_start3A_94 : memref<128x64xf32, #tpu.memory_space<vmem_shared>>) target_semaphore(%run_scoped3A : memref<!tpu.dma_semaphore, #tpu.memory_space<semaphore_mem>>)
      %dma_wait3A_95 = arith.constant 0 : i32
      %dma_wait3A_96 = tpu.memref_slice %arg10[%add3A_16, %dma_wait3A_95] : memref<10112x64xf32, #tpu.memory_space<vmem_shared>> -> memref<128x64xf32, #tpu.memory_space<vmem_shared>>
      %dma_wait3A_97 = arith.constant 0 : i32
      %dma_wait3A_98 = tpu.memref_slice %arg10[%add3A_16, %dma_wait3A_97] : memref<10112x64xf32, #tpu.memory_space<vmem_shared>> -> memref<128x64xf32, #tpu.memory_space<vmem_shared>>
      tpu.wait_dma2 semaphore(%run_scoped3A : memref<!tpu.dma_semaphore, #tpu.memory_space<semaphore_mem>>) src(%arg8 : memref<128x64xf32, #tpu.memory_space<vmem>>) dst(%dma_wait3A_98 : memref<128x64xf32, #tpu.memory_space<vmem_shared>>)
      tpu.yield
    }) : () -> ()
    %add3A_17 = arith.constant 512 : i32
    %add3A_18 = arith.addi %mul3A_2, %add3A_17 : i32
    "tpu.region"() ({
      %run_scoped3A = tpu.sem_alloc : memref<!tpu.dma_semaphore, #tpu.memory_space<semaphore_mem>>
      %dma_start3A_91 = arith.constant 0 : i32
      %dma_start3A_92 = arith.constant 0 : i32
      %dma_start3A_93 = tpu.memref_slice %arg8[%dma_start3A_91, %dma_start3A_92] : memref<128x64xf32, #tpu.memory_space<vmem>> -> memref<120x64xf32, #tpu.memory_space<vmem>>
      %dma_start3A_94 = arith.constant 0 : i32
      %dma_start3A_95 = tpu.memref_slice %arg10[%add3A_18, %dma_start3A_94] : memref<10112x64xf32, #tpu.memory_space<vmem_shared>> -> memref<120x64xf32, #tpu.memory_space<vmem_shared>>
      %dma_start3A_96 = arith.constant 0 : i32
      %dma_start3A_97 = tpu.memref_slice %arg10[%add3A_18, %dma_start3A_96] : memref<10112x64xf32, #tpu.memory_space<vmem_shared>> -> memref<120x64xf32, #tpu.memory_space<vmem_shared>>
      %dma_start3A_98 = arith.constant 0 : i32
      %dma_start3A_99 = arith.constant 0 : i32
      %dma_start3A_100 = tpu.memref_slice %arg8[%dma_start3A_98, %dma_start3A_99] : memref<128x64xf32, #tpu.memory_space<vmem>> -> memref<120x64xf32, #tpu.memory_space<vmem>>
      tpu.enqueue_dma source(%dma_start3A_100 : memref<120x64xf32, #tpu.memory_space<vmem>>) target(%dma_start3A_97 : memref<120x64xf32, #tpu.memory_space<vmem_shared>>) target_semaphore(%run_scoped3A : memref<!tpu.dma_semaphore, #tpu.memory_space<semaphore_mem>>)
      %dma_wait3A_101 = arith.constant 0 : i32
      %dma_wait3A_102 = arith.constant 0 : i32
      %dma_wait3A_103 = tpu.memref_slice %arg8[%dma_wait3A_101, %dma_wait3A_102] : memref<128x64xf32, #tpu.memory_space<vmem>> -> memref<120x64xf32, #tpu.memory_space<vmem>>
      %dma_wait3A_104 = arith.constant 0 : i32
      %dma_wait3A_105 = tpu.memref_slice %arg10[%add3A_18, %dma_wait3A_104] : memref<10112x64xf32, #tpu.memory_space<vmem_shared>> -> memref<120x64xf32, #tpu.memory_space<vmem_shared>>
      %dma_wait3A_106 = arith.constant 0 : i32
      %dma_wait3A_107 = tpu.memref_slice %arg10[%add3A_18, %dma_wait3A_106] : memref<10112x64xf32, #tpu.memory_space<vmem_shared>> -> memref<120x64xf32, #tpu.memory_space<vmem_shared>>
      %dma_wait3A_108 = arith.constant 0 : i32
      %dma_wait3A_109 = arith.constant 0 : i32
      %dma_wait3A_110 = tpu.memref_slice %arg8[%dma_wait3A_108, %dma_wait3A_109] : memref<128x64xf32, #tpu.memory_space<vmem>> -> memref<120x64xf32, #tpu.memory_space<vmem>>
      tpu.wait_dma2 semaphore(%run_scoped3A : memref<!tpu.dma_semaphore, #tpu.memory_space<semaphore_mem>>) src(%dma_wait3A_110 : memref<120x64xf32, #tpu.memory_space<vmem>>) dst(%dma_wait3A_107 : memref<120x64xf32, #tpu.memory_space<vmem_shared>>)
      tpu.yield
    }) : () -> ()
    "tpu.region"() ({
      %run_scoped3A = tpu.sem_alloc : memref<!tpu.dma_semaphore, #tpu.memory_space<semaphore_mem>>
      %dma_start3A_91 = arith.constant 0 : i32
      %dma_start3A_92 = tpu.memref_slice %arg11[%mul3A_2, %dma_start3A_91] : memref<10112x64xf32, #tpu.memory_space<vmem_shared>> -> memref<632x64xf32, #tpu.memory_space<vmem_shared>>
      %dma_start3A_93 = arith.constant 0 : i32
      %dma_start3A_94 = tpu.memref_slice %arg2[%mul3A_2, %dma_start3A_93] : memref<10112x64xf32, #tpu.memory_space<hbm>> -> memref<632x64xf32, #tpu.memory_space<hbm>>
      tpu.enqueue_dma source(%dma_start3A_94 : memref<632x64xf32, #tpu.memory_space<hbm>>) target(%dma_start3A_92 : memref<632x64xf32, #tpu.memory_space<vmem_shared>>) target_semaphore(%run_scoped3A : memref<!tpu.dma_semaphore, #tpu.memory_space<semaphore_mem>>)
      %dma_wait3A_95 = arith.constant 0 : i32
      %dma_wait3A_96 = tpu.memref_slice %arg11[%mul3A_2, %dma_wait3A_95] : memref<10112x64xf32, #tpu.memory_space<vmem_shared>> -> memref<632x64xf32, #tpu.memory_space<vmem_shared>>
      %dma_wait3A_97 = arith.constant 0 : i32
      %dma_wait3A_98 = tpu.memref_slice %arg2[%mul3A_2, %dma_wait3A_97] : memref<10112x64xf32, #tpu.memory_space<hbm>> -> memref<632x64xf32, #tpu.memory_space<hbm>>
      tpu.wait_dma2 semaphore(%run_scoped3A : memref<!tpu.dma_semaphore, #tpu.memory_space<semaphore_mem>>) src(%dma_wait3A_98 : memref<632x64xf32, #tpu.memory_space<hbm>>) dst(%dma_wait3A_96 : memref<632x64xf32, #tpu.memory_space<vmem_shared>>)
      tpu.yield
    }) : () -> ()
    "tpu.region"() ({
      %run_scoped3A = tpu.sem_alloc : memref<!tpu.dma_semaphore, #tpu.memory_space<semaphore_mem>>
      %dma_start3A_91 = arith.constant 0 : i32
      %dma_start3A_92 = arith.constant 0 : i32
      %dma_start3A_93 = tpu.memref_slice %arg3[%add3A, %dma_start3A_91, %dma_start3A_92] : memref<32x108x128xi32, #tpu.memory_space<hbm>> -> memref<1x108x128xi32, #tpu.memory_space<hbm>>
      %dma_start3A_94 = tpu.memref_squeeze %dma_start3A_93 : memref<1x108x128xi32, #tpu.memory_space<hbm>> -> memref<108x128xi32, #tpu.memory_space<hbm>>
      %dma_start3A_95 = arith.constant 0 : i32
      %dma_start3A_96 = arith.constant 0 : i32
      %dma_start3A_97 = tpu.memref_slice %arg3[%add3A, %dma_start3A_95, %dma_start3A_96] : memref<32x108x128xi32, #tpu.memory_space<hbm>> -> memref<1x108x128xi32, #tpu.memory_space<hbm>>
      %dma_start3A_98 = tpu.memref_squeeze %dma_start3A_97 : memref<1x108x128xi32, #tpu.memory_space<hbm>> -> memref<108x128xi32, #tpu.memory_space<hbm>>
      tpu.enqueue_dma source(%dma_start3A_98 : memref<108x128xi32, #tpu.memory_space<hbm>>) target(%arg6 : memref<108x128xi32, #tpu.memory_space<vmem>>) target_semaphore(%run_scoped3A : memref<!tpu.dma_semaphore, #tpu.memory_space<semaphore_mem>>)
      %dma_wait3A_99 = arith.constant 0 : i32
      %dma_wait3A_100 = arith.constant 0 : i32
      %dma_wait3A_101 = tpu.memref_slice %arg3[%add3A, %dma_wait3A_99, %dma_wait3A_100] : memref<32x108x128xi32, #tpu.memory_space<hbm>> -> memref<1x108x128xi32, #tpu.memory_space<hbm>>
      %dma_wait3A_102 = tpu.memref_squeeze %dma_wait3A_101 : memref<1x108x128xi32, #tpu.memory_space<hbm>> -> memref<108x128xi32, #tpu.memory_space<hbm>>
      %dma_wait3A_103 = arith.constant 0 : i32
      %dma_wait3A_104 = arith.constant 0 : i32
      %dma_wait3A_105 = tpu.memref_slice %arg3[%add3A, %dma_wait3A_103, %dma_wait3A_104] : memref<32x108x128xi32, #tpu.memory_space<hbm>> -> memref<1x108x128xi32, #tpu.memory_space<hbm>>
      %dma_wait3A_106 = tpu.memref_squeeze %dma_wait3A_105 : memref<1x108x128xi32, #tpu.memory_space<hbm>> -> memref<108x128xi32, #tpu.memory_space<hbm>>
      tpu.wait_dma2 semaphore(%run_scoped3A : memref<!tpu.dma_semaphore, #tpu.memory_space<semaphore_mem>>) src(%dma_wait3A_106 : memref<108x128xi32, #tpu.memory_space<hbm>>) dst(%arg6 : memref<108x128xi32, #tpu.memory_space<vmem>>)
      tpu.yield
    }) : () -> ()
    "tpu.region"() ({
      %run_scoped3A = tpu.sem_alloc : memref<!tpu.dma_semaphore, #tpu.memory_space<semaphore_mem>>
      %dma_start3A_91 = arith.constant 0 : i32
      %dma_start3A_92 = arith.constant 0 : i32
      %dma_start3A_93 = tpu.memref_slice %arg4[%add3A, %dma_start3A_91, %dma_start3A_92] : memref<32x108x128xi32, #tpu.memory_space<hbm>> -> memref<1x108x128xi32, #tpu.memory_space<hbm>>
      %dma_start3A_94 = tpu.memref_squeeze %dma_start3A_93 : memref<1x108x128xi32, #tpu.memory_space<hbm>> -> memref<108x128xi32, #tpu.memory_space<hbm>>
      %dma_start3A_95 = arith.constant 0 : i32
      %dma_start3A_96 = arith.constant 0 : i32
      %dma_start3A_97 = tpu.memref_slice %arg4[%add3A, %dma_start3A_95, %dma_start3A_96] : memref<32x108x128xi32, #tpu.memory_space<hbm>> -> memref<1x108x128xi32, #tpu.memory_space<hbm>>
      %dma_start3A_98 = tpu.memref_squeeze %dma_start3A_97 : memref<1x108x128xi32, #tpu.memory_space<hbm>> -> memref<108x128xi32, #tpu.memory_space<hbm>>
      tpu.enqueue_dma source(%dma_start3A_98 : memref<108x128xi32, #tpu.memory_space<hbm>>) target(%arg7 : memref<108x128xi32, #tpu.memory_space<vmem>>) target_semaphore(%run_scoped3A : memref<!tpu.dma_semaphore, #tpu.memory_space<semaphore_mem>>)
      %dma_wait3A_99 = arith.constant 0 : i32
      %dma_wait3A_100 = arith.constant 0 : i32
      %dma_wait3A_101 = tpu.memref_slice %arg4[%add3A, %dma_wait3A_99, %dma_wait3A_100] : memref<32x108x128xi32, #tpu.memory_space<hbm>> -> memref<1x108x128xi32, #tpu.memory_space<hbm>>
      %dma_wait3A_102 = tpu.memref_squeeze %dma_wait3A_101 : memref<1x108x128xi32, #tpu.memory_space<hbm>> -> memref<108x128xi32, #tpu.memory_space<hbm>>
      %dma_wait3A_103 = arith.constant 0 : i32
      %dma_wait3A_104 = arith.constant 0 : i32
      %dma_wait3A_105 = tpu.memref_slice %arg4[%add3A, %dma_wait3A_103, %dma_wait3A_104] : memref<32x108x128xi32, #tpu.memory_space<hbm>> -> memref<1x108x128xi32, #tpu.memory_space<hbm>>
      %dma_wait3A_106 = tpu.memref_squeeze %dma_wait3A_105 : memref<1x108x128xi32, #tpu.memory_space<hbm>> -> memref<108x128xi32, #tpu.memory_space<hbm>>
      tpu.wait_dma2 semaphore(%run_scoped3A : memref<!tpu.dma_semaphore, #tpu.memory_space<semaphore_mem>>) src(%dma_wait3A_106 : memref<108x128xi32, #tpu.memory_space<hbm>>) dst(%arg7 : memref<108x128xi32, #tpu.memory_space<vmem>>)
      tpu.yield
    }) : () -> ()
    %barrier3A = arith.constant 0 : index
    tpu.barrier barrier_id(%barrier3A)
    %eq3A = arith.constant 0 : i32
    %eq3A_19 = arith.cmpi eq, %arg0, %eq3A : i32
    %jit3A = arith.constant 108 : i32
    %jit3A_20 = arith.constant 50 : i32
    %select_n3A = arith.select %eq3A_19, %jit3A, %jit3A_20 : i32
    %dma_start3A = arith.constant 0 : i32
    %dma_start3A_21 = arith.constant 0 : i32
    %dma_start3A_22 = tpu.memref_slice %arg6[%dma_start3A, %dma_start3A_21] : memref<108x128xi32, #tpu.memory_space<vmem>> -> memref<1x128xi32, #tpu.memory_space<vmem>>
    %dma_start3A_23 = tpu.memref_squeeze %dma_start3A_22 : memref<1x128xi32, #tpu.memory_space<vmem>> -> memref<128xi32, #tpu.memory_space<vmem>>
    %dma_start3A_24 = arith.constant 0 : i32
    %dma_start3A_25 = arith.constant 0 : i32
    %dma_start3A_26 = tpu.memref_slice %arg11[%dma_start3A_24, %dma_start3A_25] : memref<10112x64xf32, #tpu.memory_space<vmem_shared>> -> memref<10112x64xf32, #tpu.memory_space<vmem_shared>>
    tpu.enqueue_indirect_dma source(%dma_start3A_26 : memref<10112x64xf32, #tpu.memory_space<vmem_shared>>) target(%arg8 : memref<128x64xf32, #tpu.memory_space<vmem>>) offsets(%dma_start3A_23 : memref<128xi32, #tpu.memory_space<vmem>>) semaphore(%arg12 : memref<!tpu.dma_semaphore, #tpu.memory_space<semaphore_mem>>)
    %dma_start3A_27 = arith.constant 1 : i32
    %dma_start3A_28 = arith.constant 0 : i32
    %dma_start3A_29 = tpu.memref_slice %arg6[%dma_start3A_27, %dma_start3A_28] : memref<108x128xi32, #tpu.memory_space<vmem>> -> memref<1x128xi32, #tpu.memory_space<vmem>>
    %dma_start3A_30 = tpu.memref_squeeze %dma_start3A_29 : memref<1x128xi32, #tpu.memory_space<vmem>> -> memref<128xi32, #tpu.memory_space<vmem>>
    %dma_start3A_31 = arith.constant 0 : i32
    %dma_start3A_32 = arith.constant 0 : i32
    %dma_start3A_33 = tpu.memref_slice %arg11[%dma_start3A_31, %dma_start3A_32] : memref<10112x64xf32, #tpu.memory_space<vmem_shared>> -> memref<10112x64xf32, #tpu.memory_space<vmem_shared>>
    tpu.enqueue_indirect_dma source(%dma_start3A_33 : memref<10112x64xf32, #tpu.memory_space<vmem_shared>>) target(%arg9 : memref<128x64xf32, #tpu.memory_space<vmem>>) offsets(%dma_start3A_30 : memref<128xi32, #tpu.memory_space<vmem>>) semaphore(%arg13 : memref<!tpu.dma_semaphore, #tpu.memory_space<semaphore_mem>>)
    %jit3A_34 = arith.constant 2 : i32
    %div3A = arith.divsi %select_n3A, %jit3A_34 : i32
    %sign3A = arith.constant 0 : i32
    %sign3A_35 = arith.cmpi sgt, %select_n3A, %sign3A : i32
    %sign3A_36 = arith.extui %sign3A_35 : i1 to i32
    %sign3A_37 = arith.constant 0 : i32
    %sign3A_38 = arith.cmpi slt, %select_n3A, %sign3A_37 : i32
    %sign3A_39 = arith.extui %sign3A_38 : i1 to i32
    %sign3A_40 = arith.subi %sign3A_36, %sign3A_39 : i32
    %sign3A_41 = arith.constant 0 : i32
    %sign3A_42 = arith.cmpi sgt, %jit3A_34, %sign3A_41 : i32
    %sign3A_43 = arith.extui %sign3A_42 : i1 to i32
    %sign3A_44 = arith.constant 0 : i32
    %sign3A_45 = arith.cmpi slt, %jit3A_34, %sign3A_44 : i32
    %sign3A_46 = arith.extui %sign3A_45 : i1 to i32
    %sign3A_47 = arith.subi %sign3A_43, %sign3A_46 : i32
    %ne3A = arith.cmpi ne, %sign3A_40, %sign3A_47 : i32
    %rem3A = arith.remsi %select_n3A, %jit3A_34 : i32
    %ne3A_48 = arith.constant 0 : i32
    %ne3A_49 = arith.cmpi ne, %rem3A, %ne3A_48 : i32
    %and3A = arith.andi %ne3A, %ne3A_49 : i1
    %sub3A = arith.constant 1 : i32
    %sub3A_50 = arith.subi %div3A, %sub3A : i32
    %select_n3A_51 = arith.select %and3A, %sub3A_50, %div3A : i32
    %sub3A_52 = arith.constant 1 : i32
    %sub3A_53 = arith.subi %select_n3A_51, %sub3A_52 : i32
    %while3A = arith.constant 0 : i32
    %while3A_54 = arith.constant 0 : i32
    %while3A_55 = arith.subi %sub3A_53, %while3A_54 : i32
    %while3A_56 = arith.addi %while3A_54, %while3A_55 : i32
    %while3A_57 = arith.constant 1 : i32
    %while3A_58 = arith.divsi %while3A_55, %while3A_57 : i32
    %while3A_59 = arith.muli %while3A_58, %while3A_57 : i32
    %while3A_60 = arith.addi %while3A_54, %while3A_59 : i32
    %while3A_61 = arith.constant 1 : i32
    scf.for %while3A_91 = %while3A_54 to %while3A_60 step %while3A_61  : i32 {
      %mul3A_92 = arith.constant 2 : i32
      %mul3A_93 = arith.muli %mul3A_92, %while3A_91 : i32
      %add3A_94 = arith.constant 0 : i32
      %add3A_95 = arith.addi %mul3A_93, %add3A_94 : i32
      %dma_wait3A_96 = arith.constant 0 : i32
      %dma_wait3A_97 = tpu.memref_slice %arg6[%add3A_95, %dma_wait3A_96] : memref<108x128xi32, #tpu.memory_space<vmem>> -> memref<1x128xi32, #tpu.memory_space<vmem>>
      %dma_wait3A_98 = tpu.memref_squeeze %dma_wait3A_97 : memref<1x128xi32, #tpu.memory_space<vmem>> -> memref<128xi32, #tpu.memory_space<vmem>>
      %dma_wait3A_99 = arith.constant 0 : i32
      %dma_wait3A_100 = arith.constant 0 : i32
      %dma_wait3A_101 = tpu.memref_slice %arg11[%dma_wait3A_99, %dma_wait3A_100] : memref<10112x64xf32, #tpu.memory_space<vmem_shared>> -> memref<10112x64xf32, #tpu.memory_space<vmem_shared>>
      tpu.wait_indirect_dma semaphore(%arg12 : memref<!tpu.dma_semaphore, #tpu.memory_space<semaphore_mem>>) src(%dma_wait3A_101 : memref<10112x64xf32, #tpu.memory_space<vmem_shared>>) dst(%arg8 : memref<128x64xf32, #tpu.memory_space<vmem>>)
      %add3A_102 = arith.constant 0 : i32
      %add3A_103 = arith.addi %mul3A_93, %add3A_102 : i32
      "tpu.region"() ({
        %run_scoped3A = tpu.sem_alloc : memref<!tpu.dma_semaphore, #tpu.memory_space<semaphore_mem>>
        %dma_start3A_134 = arith.constant 0 : i32
        %dma_start3A_135 = tpu.memref_slice %arg7[%add3A_103, %dma_start3A_134] : memref<108x128xi32, #tpu.memory_space<vmem>> -> memref<1x128xi32, #tpu.memory_space<vmem>>
        %dma_start3A_136 = tpu.memref_squeeze %dma_start3A_135 : memref<1x128xi32, #tpu.memory_space<vmem>> -> memref<128xi32, #tpu.memory_space<vmem>>
        %dma_start3A_137 = arith.constant 0 : i32
        %dma_start3A_138 = arith.constant 0 : i32
        %dma_start3A_139 = tpu.memref_slice %arg10[%dma_start3A_137, %dma_start3A_138] : memref<10112x64xf32, #tpu.memory_space<vmem_shared>> -> memref<10112x64xf32, #tpu.memory_space<vmem_shared>>
        tpu.enqueue_indirect_dma source(%arg8 : memref<128x64xf32, #tpu.memory_space<vmem>>) target(%dma_start3A_139 : memref<10112x64xf32, #tpu.memory_space<vmem_shared>>) offsets(%dma_start3A_136 : memref<128xi32, #tpu.memory_space<vmem>>) semaphore(%run_scoped3A : memref<!tpu.dma_semaphore, #tpu.memory_space<semaphore_mem>>) {add = true}
        %dma_wait3A_140 = arith.constant 0 : i32
        %dma_wait3A_141 = tpu.memref_slice %arg7[%add3A_103, %dma_wait3A_140] : memref<108x128xi32, #tpu.memory_space<vmem>> -> memref<1x128xi32, #tpu.memory_space<vmem>>
        %dma_wait3A_142 = tpu.memref_squeeze %dma_wait3A_141 : memref<1x128xi32, #tpu.memory_space<vmem>> -> memref<128xi32, #tpu.memory_space<vmem>>
        %dma_wait3A_143 = arith.constant 0 : i32
        %dma_wait3A_144 = arith.constant 0 : i32
        %dma_wait3A_145 = tpu.memref_slice %arg10[%dma_wait3A_143, %dma_wait3A_144] : memref<10112x64xf32, #tpu.memory_space<vmem_shared>> -> memref<10112x64xf32, #tpu.memory_space<vmem_shared>>
        tpu.wait_indirect_dma semaphore(%run_scoped3A : memref<!tpu.dma_semaphore, #tpu.memory_space<semaphore_mem>>) src(%arg8 : memref<128x64xf32, #tpu.memory_space<vmem>>) dst(%dma_wait3A_145 : memref<10112x64xf32, #tpu.memory_space<vmem_shared>>)
        tpu.yield
      }) : () -> ()
      %add3A_104 = arith.constant 2 : i32
      %add3A_105 = arith.addi %mul3A_93, %add3A_104 : i32
      %add3A_106 = arith.constant 0 : i32
      %add3A_107 = arith.addi %add3A_105, %add3A_106 : i32
      %dma_start3A_108 = arith.constant 0 : i32
      %dma_start3A_109 = tpu.memref_slice %arg6[%add3A_107, %dma_start3A_108] : memref<108x128xi32, #tpu.memory_space<vmem>> -> memref<1x128xi32, #tpu.memory_space<vmem>>
      %dma_start3A_110 = tpu.memref_squeeze %dma_start3A_109 : memref<1x128xi32, #tpu.memory_space<vmem>> -> memref<128xi32, #tpu.memory_space<vmem>>
      %dma_start3A_111 = arith.constant 0 : i32
      %dma_start3A_112 = arith.constant 0 : i32
      %dma_start3A_113 = tpu.memref_slice %arg11[%dma_start3A_111, %dma_start3A_112] : memref<10112x64xf32, #tpu.memory_space<vmem_shared>> -> memref<10112x64xf32, #tpu.memory_space<vmem_shared>>
      tpu.enqueue_indirect_dma source(%dma_start3A_113 : memref<10112x64xf32, #tpu.memory_space<vmem_shared>>) target(%arg8 : memref<128x64xf32, #tpu.memory_space<vmem>>) offsets(%dma_start3A_110 : memref<128xi32, #tpu.memory_space<vmem>>) semaphore(%arg12 : memref<!tpu.dma_semaphore, #tpu.memory_space<semaphore_mem>>)
      %add3A_114 = arith.constant 1 : i32
      %add3A_115 = arith.addi %mul3A_93, %add3A_114 : i32
      %dma_wait3A_116 = arith.constant 0 : i32
      %dma_wait3A_117 = tpu.memref_slice %arg6[%add3A_115, %dma_wait3A_116] : memref<108x128xi32, #tpu.memory_space<vmem>> -> memref<1x128xi32, #tpu.memory_space<vmem>>
      %dma_wait3A_118 = tpu.memref_squeeze %dma_wait3A_117 : memref<1x128xi32, #tpu.memory_space<vmem>> -> memref<128xi32, #tpu.memory_space<vmem>>
      %dma_wait3A_119 = arith.constant 0 : i32
      %dma_wait3A_120 = arith.constant 0 : i32
      %dma_wait3A_121 = tpu.memref_slice %arg11[%dma_wait3A_119, %dma_wait3A_120] : memref<10112x64xf32, #tpu.memory_space<vmem_shared>> -> memref<10112x64xf32, #tpu.memory_space<vmem_shared>>
      tpu.wait_indirect_dma semaphore(%arg13 : memref<!tpu.dma_semaphore, #tpu.memory_space<semaphore_mem>>) src(%dma_wait3A_121 : memref<10112x64xf32, #tpu.memory_space<vmem_shared>>) dst(%arg9 : memref<128x64xf32, #tpu.memory_space<vmem>>)
      %add3A_122 = arith.constant 1 : i32
      %add3A_123 = arith.addi %mul3A_93, %add3A_122 : i32
      "tpu.region"() ({
        %run_scoped3A = tpu.sem_alloc : memref<!tpu.dma_semaphore, #tpu.memory_space<semaphore_mem>>
        %dma_start3A_134 = arith.constant 0 : i32
        %dma_start3A_135 = tpu.memref_slice %arg7[%add3A_123, %dma_start3A_134] : memref<108x128xi32, #tpu.memory_space<vmem>> -> memref<1x128xi32, #tpu.memory_space<vmem>>
        %dma_start3A_136 = tpu.memref_squeeze %dma_start3A_135 : memref<1x128xi32, #tpu.memory_space<vmem>> -> memref<128xi32, #tpu.memory_space<vmem>>
        %dma_start3A_137 = arith.constant 0 : i32
        %dma_start3A_138 = arith.constant 0 : i32
        %dma_start3A_139 = tpu.memref_slice %arg10[%dma_start3A_137, %dma_start3A_138] : memref<10112x64xf32, #tpu.memory_space<vmem_shared>> -> memref<10112x64xf32, #tpu.memory_space<vmem_shared>>
        tpu.enqueue_indirect_dma source(%arg9 : memref<128x64xf32, #tpu.memory_space<vmem>>) target(%dma_start3A_139 : memref<10112x64xf32, #tpu.memory_space<vmem_shared>>) offsets(%dma_start3A_136 : memref<128xi32, #tpu.memory_space<vmem>>) semaphore(%run_scoped3A : memref<!tpu.dma_semaphore, #tpu.memory_space<semaphore_mem>>) {add = true}
        %dma_wait3A_140 = arith.constant 0 : i32
        %dma_wait3A_141 = tpu.memref_slice %arg7[%add3A_123, %dma_wait3A_140] : memref<108x128xi32, #tpu.memory_space<vmem>> -> memref<1x128xi32, #tpu.memory_space<vmem>>
        %dma_wait3A_142 = tpu.memref_squeeze %dma_wait3A_141 : memref<1x128xi32, #tpu.memory_space<vmem>> -> memref<128xi32, #tpu.memory_space<vmem>>
        %dma_wait3A_143 = arith.constant 0 : i32
        %dma_wait3A_144 = arith.constant 0 : i32
        %dma_wait3A_145 = tpu.memref_slice %arg10[%dma_wait3A_143, %dma_wait3A_144] : memref<10112x64xf32, #tpu.memory_space<vmem_shared>> -> memref<10112x64xf32, #tpu.memory_space<vmem_shared>>
        tpu.wait_indirect_dma semaphore(%run_scoped3A : memref<!tpu.dma_semaphore, #tpu.memory_space<semaphore_mem>>) src(%arg9 : memref<128x64xf32, #tpu.memory_space<vmem>>) dst(%dma_wait3A_145 : memref<10112x64xf32, #tpu.memory_space<vmem_shared>>)
        tpu.yield
      }) : () -> ()
      %add3A_124 = arith.constant 2 : i32
      %add3A_125 = arith.addi %mul3A_93, %add3A_124 : i32
      %add3A_126 = arith.constant 1 : i32
      %add3A_127 = arith.addi %add3A_125, %add3A_126 : i32
      %dma_start3A_128 = arith.constant 0 : i32
      %dma_start3A_129 = tpu.memref_slice %arg6[%add3A_127, %dma_start3A_128] : memref<108x128xi32, #tpu.memory_space<vmem>> -> memref<1x128xi32, #tpu.memory_space<vmem>>
      %dma_start3A_130 = tpu.memref_squeeze %dma_start3A_129 : memref<1x128xi32, #tpu.memory_space<vmem>> -> memref<128xi32, #tpu.memory_space<vmem>>
      %dma_start3A_131 = arith.constant 0 : i32
      %dma_start3A_132 = arith.constant 0 : i32
      %dma_start3A_133 = tpu.memref_slice %arg11[%dma_start3A_131, %dma_start3A_132] : memref<10112x64xf32, #tpu.memory_space<vmem_shared>> -> memref<10112x64xf32, #tpu.memory_space<vmem_shared>>
      tpu.enqueue_indirect_dma source(%dma_start3A_133 : memref<10112x64xf32, #tpu.memory_space<vmem_shared>>) target(%arg9 : memref<128x64xf32, #tpu.memory_space<vmem>>) offsets(%dma_start3A_130 : memref<128xi32, #tpu.memory_space<vmem>>) semaphore(%arg13 : memref<!tpu.dma_semaphore, #tpu.memory_space<semaphore_mem>>)
    }
    %while3A_62 = arith.constant 1 : i32
    scf.for %while3A_91 = %while3A_60 to %while3A_56 step %while3A_62  : i32 {
      %mul3A_92 = arith.constant 2 : i32
      %mul3A_93 = arith.muli %mul3A_92, %while3A_91 : i32
      %add3A_94 = arith.constant 0 : i32
      %add3A_95 = arith.addi %mul3A_93, %add3A_94 : i32
      %dma_wait3A_96 = arith.constant 0 : i32
      %dma_wait3A_97 = tpu.memref_slice %arg6[%add3A_95, %dma_wait3A_96] : memref<108x128xi32, #tpu.memory_space<vmem>> -> memref<1x128xi32, #tpu.memory_space<vmem>>
      %dma_wait3A_98 = tpu.memref_squeeze %dma_wait3A_97 : memref<1x128xi32, #tpu.memory_space<vmem>> -> memref<128xi32, #tpu.memory_space<vmem>>
      %dma_wait3A_99 = arith.constant 0 : i32
      %dma_wait3A_100 = arith.constant 0 : i32
      %dma_wait3A_101 = tpu.memref_slice %arg11[%dma_wait3A_99, %dma_wait3A_100] : memref<10112x64xf32, #tpu.memory_space<vmem_shared>> -> memref<10112x64xf32, #tpu.memory_space<vmem_shared>>
      tpu.wait_indirect_dma semaphore(%arg12 : memref<!tpu.dma_semaphore, #tpu.memory_space<semaphore_mem>>) src(%dma_wait3A_101 : memref<10112x64xf32, #tpu.memory_space<vmem_shared>>) dst(%arg8 : memref<128x64xf32, #tpu.memory_space<vmem>>)
      %add3A_102 = arith.constant 0 : i32
      %add3A_103 = arith.addi %mul3A_93, %add3A_102 : i32
      "tpu.region"() ({
        %run_scoped3A = tpu.sem_alloc : memref<!tpu.dma_semaphore, #tpu.memory_space<semaphore_mem>>
        %dma_start3A_134 = arith.constant 0 : i32
        %dma_start3A_135 = tpu.memref_slice %arg7[%add3A_103, %dma_start3A_134] : memref<108x128xi32, #tpu.memory_space<vmem>> -> memref<1x128xi32, #tpu.memory_space<vmem>>
        %dma_start3A_136 = tpu.memref_squeeze %dma_start3A_135 : memref<1x128xi32, #tpu.memory_space<vmem>> -> memref<128xi32, #tpu.memory_space<vmem>>
        %dma_start3A_137 = arith.constant 0 : i32
        %dma_start3A_138 = arith.constant 0 : i32
        %dma_start3A_139 = tpu.memref_slice %arg10[%dma_start3A_137, %dma_start3A_138] : memref<10112x64xf32, #tpu.memory_space<vmem_shared>> -> memref<10112x64xf32, #tpu.memory_space<vmem_shared>>
        tpu.enqueue_indirect_dma source(%arg8 : memref<128x64xf32, #tpu.memory_space<vmem>>) target(%dma_start3A_139 : memref<10112x64xf32, #tpu.memory_space<vmem_shared>>) offsets(%dma_start3A_136 : memref<128xi32, #tpu.memory_space<vmem>>) semaphore(%run_scoped3A : memref<!tpu.dma_semaphore, #tpu.memory_space<semaphore_mem>>) {add = true}
        %dma_wait3A_140 = arith.constant 0 : i32
        %dma_wait3A_141 = tpu.memref_slice %arg7[%add3A_103, %dma_wait3A_140] : memref<108x128xi32, #tpu.memory_space<vmem>> -> memref<1x128xi32, #tpu.memory_space<vmem>>
        %dma_wait3A_142 = tpu.memref_squeeze %dma_wait3A_141 : memref<1x128xi32, #tpu.memory_space<vmem>> -> memref<128xi32, #tpu.memory_space<vmem>>
        %dma_wait3A_143 = arith.constant 0 : i32
        %dma_wait3A_144 = arith.constant 0 : i32
        %dma_wait3A_145 = tpu.memref_slice %arg10[%dma_wait3A_143, %dma_wait3A_144] : memref<10112x64xf32, #tpu.memory_space<vmem_shared>> -> memref<10112x64xf32, #tpu.memory_space<vmem_shared>>
        tpu.wait_indirect_dma semaphore(%run_scoped3A : memref<!tpu.dma_semaphore, #tpu.memory_space<semaphore_mem>>) src(%arg8 : memref<128x64xf32, #tpu.memory_space<vmem>>) dst(%dma_wait3A_145 : memref<10112x64xf32, #tpu.memory_space<vmem_shared>>)
        tpu.yield
      }) : () -> ()
      %add3A_104 = arith.constant 2 : i32
      %add3A_105 = arith.addi %mul3A_93, %add3A_104 : i32
      %add3A_106 = arith.constant 0 : i32
      %add3A_107 = arith.addi %add3A_105, %add3A_106 : i32
      %dma_start3A_108 = arith.constant 0 : i32
      %dma_start3A_109 = tpu.memref_slice %arg6[%add3A_107, %dma_start3A_108] : memref<108x128xi32, #tpu.memory_space<vmem>> -> memref<1x128xi32, #tpu.memory_space<vmem>>
      %dma_start3A_110 = tpu.memref_squeeze %dma_start3A_109 : memref<1x128xi32, #tpu.memory_space<vmem>> -> memref<128xi32, #tpu.memory_space<vmem>>
      %dma_start3A_111 = arith.constant 0 : i32
      %dma_start3A_112 = arith.constant 0 : i32
      %dma_start3A_113 = tpu.memref_slice %arg11[%dma_start3A_111, %dma_start3A_112] : memref<10112x64xf32, #tpu.memory_space<vmem_shared>> -> memref<10112x64xf32, #tpu.memory_space<vmem_shared>>
      tpu.enqueue_indirect_dma source(%dma_start3A_113 : memref<10112x64xf32, #tpu.memory_space<vmem_shared>>) target(%arg8 : memref<128x64xf32, #tpu.memory_space<vmem>>) offsets(%dma_start3A_110 : memref<128xi32, #tpu.memory_space<vmem>>) semaphore(%arg12 : memref<!tpu.dma_semaphore, #tpu.memory_space<semaphore_mem>>)
      %add3A_114 = arith.constant 1 : i32
      %add3A_115 = arith.addi %mul3A_93, %add3A_114 : i32
      %dma_wait3A_116 = arith.constant 0 : i32
      %dma_wait3A_117 = tpu.memref_slice %arg6[%add3A_115, %dma_wait3A_116] : memref<108x128xi32, #tpu.memory_space<vmem>> -> memref<1x128xi32, #tpu.memory_space<vmem>>
      %dma_wait3A_118 = tpu.memref_squeeze %dma_wait3A_117 : memref<1x128xi32, #tpu.memory_space<vmem>> -> memref<128xi32, #tpu.memory_space<vmem>>
      %dma_wait3A_119 = arith.constant 0 : i32
      %dma_wait3A_120 = arith.constant 0 : i32
      %dma_wait3A_121 = tpu.memref_slice %arg11[%dma_wait3A_119, %dma_wait3A_120] : memref<10112x64xf32, #tpu.memory_space<vmem_shared>> -> memref<10112x64xf32, #tpu.memory_space<vmem_shared>>
      tpu.wait_indirect_dma semaphore(%arg13 : memref<!tpu.dma_semaphore, #tpu.memory_space<semaphore_mem>>) src(%dma_wait3A_121 : memref<10112x64xf32, #tpu.memory_space<vmem_shared>>) dst(%arg9 : memref<128x64xf32, #tpu.memory_space<vmem>>)
      %add3A_122 = arith.constant 1 : i32
      %add3A_123 = arith.addi %mul3A_93, %add3A_122 : i32
      "tpu.region"() ({
        %run_scoped3A = tpu.sem_alloc : memref<!tpu.dma_semaphore, #tpu.memory_space<semaphore_mem>>
        %dma_start3A_134 = arith.constant 0 : i32
        %dma_start3A_135 = tpu.memref_slice %arg7[%add3A_123, %dma_start3A_134] : memref<108x128xi32, #tpu.memory_space<vmem>> -> memref<1x128xi32, #tpu.memory_space<vmem>>
        %dma_start3A_136 = tpu.memref_squeeze %dma_start3A_135 : memref<1x128xi32, #tpu.memory_space<vmem>> -> memref<128xi32, #tpu.memory_space<vmem>>
        %dma_start3A_137 = arith.constant 0 : i32
        %dma_start3A_138 = arith.constant 0 : i32
        %dma_start3A_139 = tpu.memref_slice %arg10[%dma_start3A_137, %dma_start3A_138] : memref<10112x64xf32, #tpu.memory_space<vmem_shared>> -> memref<10112x64xf32, #tpu.memory_space<vmem_shared>>
        tpu.enqueue_indirect_dma source(%arg9 : memref<128x64xf32, #tpu.memory_space<vmem>>) target(%dma_start3A_139 : memref<10112x64xf32, #tpu.memory_space<vmem_shared>>) offsets(%dma_start3A_136 : memref<128xi32, #tpu.memory_space<vmem>>) semaphore(%run_scoped3A : memref<!tpu.dma_semaphore, #tpu.memory_space<semaphore_mem>>) {add = true}
        %dma_wait3A_140 = arith.constant 0 : i32
        %dma_wait3A_141 = tpu.memref_slice %arg7[%add3A_123, %dma_wait3A_140] : memref<108x128xi32, #tpu.memory_space<vmem>> -> memref<1x128xi32, #tpu.memory_space<vmem>>
        %dma_wait3A_142 = tpu.memref_squeeze %dma_wait3A_141 : memref<1x128xi32, #tpu.memory_space<vmem>> -> memref<128xi32, #tpu.memory_space<vmem>>
        %dma_wait3A_143 = arith.constant 0 : i32
        %dma_wait3A_144 = arith.constant 0 : i32
        %dma_wait3A_145 = tpu.memref_slice %arg10[%dma_wait3A_143, %dma_wait3A_144] : memref<10112x64xf32, #tpu.memory_space<vmem_shared>> -> memref<10112x64xf32, #tpu.memory_space<vmem_shared>>
        tpu.wait_indirect_dma semaphore(%run_scoped3A : memref<!tpu.dma_semaphore, #tpu.memory_space<semaphore_mem>>) src(%arg9 : memref<128x64xf32, #tpu.memory_space<vmem>>) dst(%dma_wait3A_145 : memref<10112x64xf32, #tpu.memory_space<vmem_shared>>)
        tpu.yield
      }) : () -> ()
      %add3A_124 = arith.constant 2 : i32
      %add3A_125 = arith.addi %mul3A_93, %add3A_124 : i32
      %add3A_126 = arith.constant 1 : i32
      %add3A_127 = arith.addi %add3A_125, %add3A_126 : i32
      %dma_start3A_128 = arith.constant 0 : i32
      %dma_start3A_129 = tpu.memref_slice %arg6[%add3A_127, %dma_start3A_128] : memref<108x128xi32, #tpu.memory_space<vmem>> -> memref<1x128xi32, #tpu.memory_space<vmem>>
      %dma_start3A_130 = tpu.memref_squeeze %dma_start3A_129 : memref<1x128xi32, #tpu.memory_space<vmem>> -> memref<128xi32, #tpu.memory_space<vmem>>
      %dma_start3A_131 = arith.constant 0 : i32
      %dma_start3A_132 = arith.constant 0 : i32
      %dma_start3A_133 = tpu.memref_slice %arg11[%dma_start3A_131, %dma_start3A_132] : memref<10112x64xf32, #tpu.memory_space<vmem_shared>> -> memref<10112x64xf32, #tpu.memory_space<vmem_shared>>
      tpu.enqueue_indirect_dma source(%dma_start3A_133 : memref<10112x64xf32, #tpu.memory_space<vmem_shared>>) target(%arg9 : memref<128x64xf32, #tpu.memory_space<vmem>>) offsets(%dma_start3A_130 : memref<128xi32, #tpu.memory_space<vmem>>) semaphore(%arg13 : memref<!tpu.dma_semaphore, #tpu.memory_space<semaphore_mem>>)
    }
    %sub3A_63 = arith.constant 2 : i32
    %sub3A_64 = arith.subi %select_n3A, %sub3A_63 : i32
    %add3A_65 = arith.constant 0 : i32
    %add3A_66 = arith.addi %sub3A_64, %add3A_65 : i32
    %dma_wait3A = arith.constant 0 : i32
    %dma_wait3A_67 = tpu.memref_slice %arg6[%add3A_66, %dma_wait3A] : memref<108x128xi32, #tpu.memory_space<vmem>> -> memref<1x128xi32, #tpu.memory_space<vmem>>
    %dma_wait3A_68 = tpu.memref_squeeze %dma_wait3A_67 : memref<1x128xi32, #tpu.memory_space<vmem>> -> memref<128xi32, #tpu.memory_space<vmem>>
    %dma_wait3A_69 = arith.constant 0 : i32
    %dma_wait3A_70 = arith.constant 0 : i32
    %dma_wait3A_71 = tpu.memref_slice %arg11[%dma_wait3A_69, %dma_wait3A_70] : memref<10112x64xf32, #tpu.memory_space<vmem_shared>> -> memref<10112x64xf32, #tpu.memory_space<vmem_shared>>
    tpu.wait_indirect_dma semaphore(%arg12 : memref<!tpu.dma_semaphore, #tpu.memory_space<semaphore_mem>>) src(%dma_wait3A_71 : memref<10112x64xf32, #tpu.memory_space<vmem_shared>>) dst(%arg8 : memref<128x64xf32, #tpu.memory_space<vmem>>)
    %sub3A_72 = arith.constant 2 : i32
    %sub3A_73 = arith.subi %select_n3A, %sub3A_72 : i32
    %add3A_74 = arith.constant 0 : i32
    %add3A_75 = arith.addi %sub3A_73, %add3A_74 : i32
    "tpu.region"() ({
      %run_scoped3A = tpu.sem_alloc : memref<!tpu.dma_semaphore, #tpu.memory_space<semaphore_mem>>
      %dma_start3A_91 = arith.constant 0 : i32
      %dma_start3A_92 = tpu.memref_slice %arg7[%add3A_75, %dma_start3A_91] : memref<108x128xi32, #tpu.memory_space<vmem>> -> memref<1x128xi32, #tpu.memory_space<vmem>>
      %dma_start3A_93 = tpu.memref_squeeze %dma_start3A_92 : memref<1x128xi32, #tpu.memory_space<vmem>> -> memref<128xi32, #tpu.memory_space<vmem>>
      %dma_start3A_94 = arith.constant 0 : i32
      %dma_start3A_95 = arith.constant 0 : i32
      %dma_start3A_96 = tpu.memref_slice %arg10[%dma_start3A_94, %dma_start3A_95] : memref<10112x64xf32, #tpu.memory_space<vmem_shared>> -> memref<10112x64xf32, #tpu.memory_space<vmem_shared>>
      tpu.enqueue_indirect_dma source(%arg8 : memref<128x64xf32, #tpu.memory_space<vmem>>) target(%dma_start3A_96 : memref<10112x64xf32, #tpu.memory_space<vmem_shared>>) offsets(%dma_start3A_93 : memref<128xi32, #tpu.memory_space<vmem>>) semaphore(%run_scoped3A : memref<!tpu.dma_semaphore, #tpu.memory_space<semaphore_mem>>) {add = true}
      %dma_wait3A_97 = arith.constant 0 : i32
      %dma_wait3A_98 = tpu.memref_slice %arg7[%add3A_75, %dma_wait3A_97] : memref<108x128xi32, #tpu.memory_space<vmem>> -> memref<1x128xi32, #tpu.memory_space<vmem>>
      %dma_wait3A_99 = tpu.memref_squeeze %dma_wait3A_98 : memref<1x128xi32, #tpu.memory_space<vmem>> -> memref<128xi32, #tpu.memory_space<vmem>>
      %dma_wait3A_100 = arith.constant 0 : i32
      %dma_wait3A_101 = arith.constant 0 : i32
      %dma_wait3A_102 = tpu.memref_slice %arg10[%dma_wait3A_100, %dma_wait3A_101] : memref<10112x64xf32, #tpu.memory_space<vmem_shared>> -> memref<10112x64xf32, #tpu.memory_space<vmem_shared>>
      tpu.wait_indirect_dma semaphore(%run_scoped3A : memref<!tpu.dma_semaphore, #tpu.memory_space<semaphore_mem>>) src(%arg8 : memref<128x64xf32, #tpu.memory_space<vmem>>) dst(%dma_wait3A_102 : memref<10112x64xf32, #tpu.memory_space<vmem_shared>>)
      tpu.yield
    }) : () -> ()
    %sub3A_76 = arith.constant 2 : i32
    %sub3A_77 = arith.subi %select_n3A, %sub3A_76 : i32
    %add3A_78 = arith.constant 1 : i32
    %add3A_79 = arith.addi %sub3A_77, %add3A_78 : i32
    %dma_wait3A_80 = arith.constant 0 : i32
    %dma_wait3A_81 = tpu.memref_slice %arg6[%add3A_79, %dma_wait3A_80] : memref<108x128xi32, #tpu.memory_space<vmem>> -> memref<1x128xi32, #tpu.memory_space<vmem>>
    %dma_wait3A_82 = tpu.memref_squeeze %dma_wait3A_81 : memref<1x128xi32, #tpu.memory_space<vmem>> -> memref<128xi32, #tpu.memory_space<vmem>>
    %dma_wait3A_83 = arith.constant 0 : i32
    %dma_wait3A_84 = arith.constant 0 : i32
    %dma_wait3A_85 = tpu.memref_slice %arg11[%dma_wait3A_83, %dma_wait3A_84] : memref<10112x64xf32, #tpu.memory_space<vmem_shared>> -> memref<10112x64xf32, #tpu.memory_space<vmem_shared>>
    tpu.wait_indirect_dma semaphore(%arg13 : memref<!tpu.dma_semaphore, #tpu.memory_space<semaphore_mem>>) src(%dma_wait3A_85 : memref<10112x64xf32, #tpu.memory_space<vmem_shared>>) dst(%arg9 : memref<128x64xf32, #tpu.memory_space<vmem>>)
    %sub3A_86 = arith.constant 2 : i32
    %sub3A_87 = arith.subi %select_n3A, %sub3A_86 : i32
    %add3A_88 = arith.constant 1 : i32
    %add3A_89 = arith.addi %sub3A_87, %add3A_88 : i32
    "tpu.region"() ({
      %run_scoped3A = tpu.sem_alloc : memref<!tpu.dma_semaphore, #tpu.memory_space<semaphore_mem>>
      %dma_start3A_91 = arith.constant 0 : i32
      %dma_start3A_92 = tpu.memref_slice %arg7[%add3A_89, %dma_start3A_91] : memref<108x128xi32, #tpu.memory_space<vmem>> -> memref<1x128xi32, #tpu.memory_space<vmem>>
      %dma_start3A_93 = tpu.memref_squeeze %dma_start3A_92 : memref<1x128xi32, #tpu.memory_space<vmem>> -> memref<128xi32, #tpu.memory_space<vmem>>
      %dma_start3A_94 = arith.constant 0 : i32
      %dma_start3A_95 = arith.constant 0 : i32
      %dma_start3A_96 = tpu.memref_slice %arg10[%dma_start3A_94, %dma_start3A_95] : memref<10112x64xf32, #tpu.memory_space<vmem_shared>> -> memref<10112x64xf32, #tpu.memory_space<vmem_shared>>
      tpu.enqueue_indirect_dma source(%arg9 : memref<128x64xf32, #tpu.memory_space<vmem>>) target(%dma_start3A_96 : memref<10112x64xf32, #tpu.memory_space<vmem_shared>>) offsets(%dma_start3A_93 : memref<128xi32, #tpu.memory_space<vmem>>) semaphore(%run_scoped3A : memref<!tpu.dma_semaphore, #tpu.memory_space<semaphore_mem>>) {add = true}
      %dma_wait3A_97 = arith.constant 0 : i32
      %dma_wait3A_98 = tpu.memref_slice %arg7[%add3A_89, %dma_wait3A_97] : memref<108x128xi32, #tpu.memory_space<vmem>> -> memref<1x128xi32, #tpu.memory_space<vmem>>
      %dma_wait3A_99 = tpu.memref_squeeze %dma_wait3A_98 : memref<1x128xi32, #tpu.memory_space<vmem>> -> memref<128xi32, #tpu.memory_space<vmem>>
      %dma_wait3A_100 = arith.constant 0 : i32
      %dma_wait3A_101 = arith.constant 0 : i32
      %dma_wait3A_102 = tpu.memref_slice %arg10[%dma_wait3A_100, %dma_wait3A_101] : memref<10112x64xf32, #tpu.memory_space<vmem_shared>> -> memref<10112x64xf32, #tpu.memory_space<vmem_shared>>
      tpu.wait_indirect_dma semaphore(%run_scoped3A : memref<!tpu.dma_semaphore, #tpu.memory_space<semaphore_mem>>) src(%arg9 : memref<128x64xf32, #tpu.memory_space<vmem>>) dst(%dma_wait3A_102 : memref<10112x64xf32, #tpu.memory_space<vmem_shared>>)
      tpu.yield
    }) : () -> ()
    %barrier3A_90 = arith.constant 0 : index
    tpu.barrier barrier_id(%barrier3A_90)
    "tpu.region"() ({
      %run_scoped3A = tpu.sem_alloc : memref<!tpu.dma_semaphore, #tpu.memory_space<semaphore_mem>>
      %dma_start3A_91 = arith.constant 0 : i32
      %dma_start3A_92 = arith.constant 0 : i32
      %dma_start3A_93 = tpu.memref_slice %arg5[%arg0, %dma_start3A_91, %dma_start3A_92] : memref<2x10112x64xf32, #tpu.memory_space<hbm>> -> memref<1x10112x64xf32, #tpu.memory_space<hbm>>
      %dma_start3A_94 = tpu.memref_squeeze %dma_start3A_93 : memref<1x10112x64xf32, #tpu.memory_space<hbm>> -> memref<10112x64xf32, #tpu.memory_space<hbm>>
      %dma_start3A_95 = arith.constant 0 : i32
      %dma_start3A_96 = tpu.memref_slice %dma_start3A_94[%mul3A_2, %dma_start3A_95] : memref<10112x64xf32, #tpu.memory_space<hbm>> -> memref<632x64xf32, #tpu.memory_space<hbm>>
      %dma_start3A_97 = arith.constant 0 : i32
      %dma_start3A_98 = tpu.memref_slice %arg10[%mul3A_2, %dma_start3A_97] : memref<10112x64xf32, #tpu.memory_space<vmem_shared>> -> memref<632x64xf32, #tpu.memory_space<vmem_shared>>
      tpu.enqueue_dma source(%dma_start3A_98 : memref<632x64xf32, #tpu.memory_space<vmem_shared>>) target(%dma_start3A_96 : memref<632x64xf32, #tpu.memory_space<hbm>>) target_semaphore(%run_scoped3A : memref<!tpu.dma_semaphore, #tpu.memory_space<semaphore_mem>>)
      %dma_wait3A_99 = arith.constant 0 : i32
      %dma_wait3A_100 = arith.constant 0 : i32
      %dma_wait3A_101 = tpu.memref_slice %arg5[%arg0, %dma_wait3A_99, %dma_wait3A_100] : memref<2x10112x64xf32, #tpu.memory_space<hbm>> -> memref<1x10112x64xf32, #tpu.memory_space<hbm>>
      %dma_wait3A_102 = tpu.memref_squeeze %dma_wait3A_101 : memref<1x10112x64xf32, #tpu.memory_space<hbm>> -> memref<10112x64xf32, #tpu.memory_space<hbm>>
      %dma_wait3A_103 = arith.constant 0 : i32
      %dma_wait3A_104 = tpu.memref_slice %dma_wait3A_102[%mul3A_2, %dma_wait3A_103] : memref<10112x64xf32, #tpu.memory_space<hbm>> -> memref<632x64xf32, #tpu.memory_space<hbm>>
      %dma_wait3A_105 = arith.constant 0 : i32
      %dma_wait3A_106 = tpu.memref_slice %arg10[%mul3A_2, %dma_wait3A_105] : memref<10112x64xf32, #tpu.memory_space<vmem_shared>> -> memref<632x64xf32, #tpu.memory_space<vmem_shared>>
      tpu.wait_dma2 semaphore(%run_scoped3A : memref<!tpu.dma_semaphore, #tpu.memory_space<semaphore_mem>>) src(%dma_wait3A_106 : memref<632x64xf32, #tpu.memory_space<vmem_shared>>) dst(%dma_wait3A_104 : memref<632x64xf32, #tpu.memory_space<hbm>>)
      tpu.yield
    }) : () -> ()
    return
  }
}

module attributes {stable_mosaic.version = 14 : i64} {
  func.func @body(%arg0: memref<10112x128xf32, #tpu.memory_space<vmem>>, %arg1: memref<64x128xf32, #tpu.memory_space<vmem>>, %arg2: memref<32x10112xf32, #tpu.memory_space<vmem>>, %arg3: memref<10112x64xf32, #tpu.memory_space<vmem>>) attributes {dimension_semantics = [], scalar_prefetch = 0 : i64, scratch_operands = 0 : i64, tpu.core_type = #tpu.core_type<tc>} {
    %get3A = arith.constant 0 : index
    %get3A_0 = arith.constant 0 : index
    %get3A_1 = vector.load %arg2[%get3A, %get3A_0] : memref<32x10112xf32, #tpu.memory_space<vmem>>, vector<32x10112xf32>
    %broadcast_in_dim3A = arith.constant 1.000000e+00 : f32
    %broadcast_in_dim3A_2 = vector.broadcast %broadcast_in_dim3A : f32 to vector<32x1xf32>
    %dot_general3A = arith.constant dense<0.000000e+00> : vector<10112x1xf32>
    %dot_general3A_3 = tpu.matmul %get3A_1, %broadcast_in_dim3A_2, %dot_general3A {dimension_numbers = #tpu.dot_dimension_numbers<[0], [0], [1], [1], [0, 1, 1, 1], [], []>, transpose_lhs_hint = false} : vector<32x10112xf32>, vector<32x1xf32>, vector<10112x1xf32> -> vector<10112x1xf32>
    %add3A = arith.constant 1.000000e+00 : f32
    %add3A_4 = vector.broadcast %add3A : f32 to vector<10112x1xf32>
    %add3A_5 = arith.addf %dot_general3A_3, %add3A_4 : vector<10112x1xf32>
    %rsqrt3A = math.rsqrt %add3A_5 : vector<10112x1xf32>
    %get3A_6 = arith.constant 0 : index
    %get3A_7 = arith.constant 0 : index
    %get3A_8 = vector.load %arg0[%get3A_6, %get3A_7] : memref<10112x128xf32, #tpu.memory_space<vmem>>, vector<10112x128xf32>
    %get3A_9 = arith.constant 0 : index
    %get3A_10 = arith.constant 0 : index
    %get3A_11 = vector.load %arg1[%get3A_9, %get3A_10] : memref<64x128xf32, #tpu.memory_space<vmem>>, vector<64x128xf32>
    %dot_general3A_12 = arith.constant dense<0.000000e+00> : vector<10112x64xf32>
    %dot_general3A_13 = tpu.matmul %get3A_8, %get3A_11, %dot_general3A_12 {dimension_numbers = #tpu.dot_dimension_numbers<[1], [1], [0], [0], [0, 0, 1, 0], [], []>, transpose_lhs_hint = false} : vector<10112x128xf32>, vector<64x128xf32>, vector<10112x64xf32> -> vector<10112x64xf32>
    %mul3A = vector.broadcast %rsqrt3A : vector<10112x1xf32> to vector<10112x64xf32>
    %mul3A_14 = arith.mulf %mul3A, %dot_general3A_13 : vector<10112x64xf32>
    %swap3A = arith.constant 0 : index
    %swap3A_15 = arith.constant 0 : index
    %swap3A_16 = vector.load %arg3[%swap3A, %swap3A_15] : memref<10112x64xf32, #tpu.memory_space<vmem>>, vector<10112x64xf32>
    tpu.vector_store %arg3[%swap3A, %swap3A_15], %mul3A_14 {strides = array<i32>} : memref<10112x64xf32, #tpu.memory_space<vmem>>, vector<10112x64xf32>,
    return
  }
}

module attributes {stable_mosaic.version = 14 : i64} {
  func.func @body(%arg0: memref<2x10112x64xf32, #tpu.memory_space<vmem>>, %arg1: memref<10112x64xf32, #tpu.memory_space<vmem>>, %arg2: memref<32x10112xf32, #tpu.memory_space<vmem>>, %arg3: memref<1x64xf32, #tpu.memory_space<vmem>>, %arg4: memref<64x64xf32, #tpu.memory_space<vmem>>, %arg5: memref<10112x64xf32, #tpu.memory_space<vmem>>) attributes {dimension_semantics = [], scalar_prefetch = 0 : i64, scratch_operands = 0 : i64, tpu.core_type = #tpu.core_type<tc>} {
    %get3A = arith.constant 0 : index
    %get3A_0 = arith.constant 0 : index
    %get3A_1 = vector.load %arg2[%get3A, %get3A_0] : memref<32x10112xf32, #tpu.memory_space<vmem>>, vector<32x10112xf32>
    %broadcast_in_dim3A = arith.constant 1.000000e+00 : f32
    %broadcast_in_dim3A_2 = vector.broadcast %broadcast_in_dim3A : f32 to vector<32x1xf32>
    %dot_general3A = arith.constant dense<0.000000e+00> : vector<10112x1xf32>
    %dot_general3A_3 = tpu.matmul %get3A_1, %broadcast_in_dim3A_2, %dot_general3A {dimension_numbers = #tpu.dot_dimension_numbers<[0], [0], [1], [1], [0, 1, 1, 1], [], []>, transpose_lhs_hint = false} : vector<32x10112xf32>, vector<32x1xf32>, vector<10112x1xf32> -> vector<10112x1xf32>
    %add3A = arith.constant 1.000000e+00 : f32
    %add3A_4 = vector.broadcast %add3A : f32 to vector<10112x1xf32>
    %add3A_5 = arith.addf %dot_general3A_3, %add3A_4 : vector<10112x1xf32>
    %rsqrt3A = math.rsqrt %add3A_5 : vector<10112x1xf32>
    %get3A_6 = arith.constant 0 : index
    %get3A_7 = arith.constant 0 : index
    %get3A_8 = arith.constant 0 : index
    %get3A_9 = vector.load %arg0[%get3A_6, %get3A_7, %get3A_8] : memref<2x10112x64xf32, #tpu.memory_space<vmem>>, vector<1x10112x64xf32>
    %get3A_10 = vector.shape_cast %get3A_9 : vector<1x10112x64xf32> to vector<10112x64xf32>
    %get3A_11 = arith.constant 1 : index
    %get3A_12 = arith.constant 0 : index
    %get3A_13 = arith.constant 0 : index
    %get3A_14 = vector.load %arg0[%get3A_11, %get3A_12, %get3A_13] : memref<2x10112x64xf32, #tpu.memory_space<vmem>>, vector<1x10112x64xf32>
    %get3A_15 = vector.shape_cast %get3A_14 : vector<1x10112x64xf32> to vector<10112x64xf32>
    %add3A_16 = arith.addf %get3A_10, %get3A_15 : vector<10112x64xf32>
    %get3A_17 = arith.constant 0 : index
    %get3A_18 = arith.constant 0 : index
    %get3A_19 = vector.load %arg1[%get3A_17, %get3A_18] : memref<10112x64xf32, #tpu.memory_space<vmem>>, vector<10112x64xf32>
    %add3A_20 = arith.addf %add3A_16, %get3A_19 : vector<10112x64xf32>
    %mul3A = vector.broadcast %rsqrt3A : vector<10112x1xf32> to vector<10112x64xf32>
    %mul3A_21 = arith.mulf %mul3A, %add3A_20 : vector<10112x64xf32>
    %get3A_22 = arith.constant 0 : index
    %get3A_23 = arith.constant 0 : index
    %get3A_24 = vector.load %arg3[%get3A_22, %get3A_23] : memref<1x64xf32, #tpu.memory_space<vmem>>, vector<1x64xf32>
    %add3A_25 = vector.broadcast %get3A_24 : vector<1x64xf32> to vector<10112x64xf32>
    %add3A_26 = arith.addf %mul3A_21, %add3A_25 : vector<10112x64xf32>
    %max3A = arith.constant 0.000000e+00 : f32
    %max3A_27 = vector.broadcast %max3A : f32 to vector<10112x64xf32>
    %max3A_28 = arith.maximumf %add3A_26, %max3A_27 : vector<10112x64xf32>
    %get3A_29 = arith.constant 0 : index
    %get3A_30 = arith.constant 0 : index
    %get3A_31 = vector.load %arg4[%get3A_29, %get3A_30] : memref<64x64xf32, #tpu.memory_space<vmem>>, vector<64x64xf32>
    %dot_general3A_32 = arith.constant dense<0.000000e+00> : vector<10112x64xf32>
    %dot_general3A_33 = tpu.matmul %max3A_28, %get3A_31, %dot_general3A_32 {dimension_numbers = #tpu.dot_dimension_numbers<[1], [1], [0], [0], [0, 0, 1, 0], [], []>, transpose_lhs_hint = false} : vector<10112x64xf32>, vector<64x64xf32>, vector<10112x64xf32> -> vector<10112x64xf32>
    %mul3A_34 = vector.broadcast %rsqrt3A : vector<10112x1xf32> to vector<10112x64xf32>
    %mul3A_35 = arith.mulf %mul3A_34, %dot_general3A_33 : vector<10112x64xf32>
    %swap3A = arith.constant 0 : index
    %swap3A_36 = arith.constant 0 : index
    %swap3A_37 = vector.load %arg5[%swap3A, %swap3A_36] : memref<10112x64xf32, #tpu.memory_space<vmem>>, vector<10112x64xf32>
    tpu.vector_store %arg5[%swap3A, %swap3A_36], %mul3A_35 {strides = array<i32>} : memref<10112x64xf32, #tpu.memory_space<vmem>>, vector<10112x64xf32>,
    return
  }
}

module attributes {stable_mosaic.version = 14 : i64} {
  func.func @body(%arg0: memref<2x10112x64xf32, #tpu.memory_space<vmem>>, %arg1: memref<10112x64xf32, #tpu.memory_space<vmem>>, %arg2: memref<32x10112xf32, #tpu.memory_space<vmem>>, %arg3: memref<1x64xf32, #tpu.memory_space<vmem>>, %arg4: memref<1x10112xi32, #tpu.memory_space<vmem>>, %arg5: memref<1x64xf32, #tpu.memory_space<vmem>>, %arg6: memref<64x1xf32, #tpu.memory_space<vmem>>, %arg7: memref<64x1xf32, #tpu.memory_space<vmem>>) attributes {dimension_semantics = [], scalar_prefetch = 0 : i64, scratch_operands = 0 : i64, tpu.core_type = #tpu.core_type<tc>} {
    %get3A = arith.constant 0 : index
    %get3A_0 = arith.constant 0 : index
    %get3A_1 = vector.load %arg2[%get3A, %get3A_0] : memref<32x10112xf32, #tpu.memory_space<vmem>>, vector<32x10112xf32>
    %broadcast_in_dim3A = arith.constant 1.000000e+00 : f32
    %broadcast_in_dim3A_2 = vector.broadcast %broadcast_in_dim3A : f32 to vector<32x1xf32>
    %dot_general3A = arith.constant dense<0.000000e+00> : vector<10112x1xf32>
    %dot_general3A_3 = tpu.matmul %get3A_1, %broadcast_in_dim3A_2, %dot_general3A {dimension_numbers = #tpu.dot_dimension_numbers<[0], [0], [1], [1], [0, 1, 1, 1], [], []>, transpose_lhs_hint = false} : vector<32x10112xf32>, vector<32x1xf32>, vector<10112x1xf32> -> vector<10112x1xf32>
    %add3A = arith.constant 1.000000e+00 : f32
    %add3A_4 = vector.broadcast %add3A : f32 to vector<10112x1xf32>
    %add3A_5 = arith.addf %dot_general3A_3, %add3A_4 : vector<10112x1xf32>
    %rsqrt3A = math.rsqrt %add3A_5 : vector<10112x1xf32>
    %get3A_6 = arith.constant 0 : index
    %get3A_7 = arith.constant 0 : index
    %get3A_8 = arith.constant 0 : index
    %get3A_9 = vector.load %arg0[%get3A_6, %get3A_7, %get3A_8] : memref<2x10112x64xf32, #tpu.memory_space<vmem>>, vector<1x10112x64xf32>
    %get3A_10 = vector.shape_cast %get3A_9 : vector<1x10112x64xf32> to vector<10112x64xf32>
    %get3A_11 = arith.constant 1 : index
    %get3A_12 = arith.constant 0 : index
    %get3A_13 = arith.constant 0 : index
    %get3A_14 = vector.load %arg0[%get3A_11, %get3A_12, %get3A_13] : memref<2x10112x64xf32, #tpu.memory_space<vmem>>, vector<1x10112x64xf32>
    %get3A_15 = vector.shape_cast %get3A_14 : vector<1x10112x64xf32> to vector<10112x64xf32>
    %add3A_16 = arith.addf %get3A_10, %get3A_15 : vector<10112x64xf32>
    %get3A_17 = arith.constant 0 : index
    %get3A_18 = arith.constant 0 : index
    %get3A_19 = vector.load %arg1[%get3A_17, %get3A_18] : memref<10112x64xf32, #tpu.memory_space<vmem>>, vector<10112x64xf32>
    %add3A_20 = arith.addf %add3A_16, %get3A_19 : vector<10112x64xf32>
    %mul3A = vector.broadcast %rsqrt3A : vector<10112x1xf32> to vector<10112x64xf32>
    %mul3A_21 = arith.mulf %mul3A, %add3A_20 : vector<10112x64xf32>
    %get3A_22 = arith.constant 0 : index
    %get3A_23 = arith.constant 0 : index
    %get3A_24 = vector.load %arg3[%get3A_22, %get3A_23] : memref<1x64xf32, #tpu.memory_space<vmem>>, vector<1x64xf32>
    %add3A_25 = vector.broadcast %get3A_24 : vector<1x64xf32> to vector<10112x64xf32>
    %add3A_26 = arith.addf %mul3A_21, %add3A_25 : vector<10112x64xf32>
    %max3A = arith.constant 0.000000e+00 : f32
    %max3A_27 = vector.broadcast %max3A : f32 to vector<10112x64xf32>
    %max3A_28 = arith.maximumf %add3A_26, %max3A_27 : vector<10112x64xf32>
    %iota3A = tpu.iota {dimensions = array<i32: 0>} : vector<64x10112xi32>
    %get3A_29 = arith.constant 0 : index
    %get3A_30 = arith.constant 0 : index
    %get3A_31 = vector.load %arg4[%get3A_29, %get3A_30] : memref<1x10112xi32, #tpu.memory_space<vmem>>, vector<1x10112xi32>
    %eq3A = vector.broadcast %get3A_31 : vector<1x10112xi32> to vector<64x10112xi32>
    %eq3A_32 = arith.cmpi eq, %iota3A, %eq3A : vector<64x10112xi32>
    %convert_element_type3A = arith.extui %eq3A_32 : vector<64x10112xi1> to vector<64x10112xi32>
    %convert_element_type3A_33 = arith.sitofp %convert_element_type3A : vector<64x10112xi32> to vector<64x10112xf32>
    %dot_general3A_34 = arith.constant dense<0.000000e+00> : vector<64x64xf32>
    %dot_general3A_35 = tpu.matmul %convert_element_type3A_33, %max3A_28, %dot_general3A_34 {dimension_numbers = #tpu.dot_dimension_numbers<[1], [0], [0], [1], [0, 0, 1, 1], [], []>, transpose_lhs_hint = false} : vector<64x10112xf32>, vector<10112x64xf32>, vector<64x64xf32> -> vector<64x64xf32>
    %reduce_sum3A = arith.constant dense<0.000000e+00> : vector<64xf32>
    %reduce_sum3A_36 = vector.multi_reduction <add>, %convert_element_type3A_33, %reduce_sum3A [1] : vector<64x10112xf32> to vector<64xf32>
    %broadcast_in_dim3A_37 = vector.shape_cast %reduce_sum3A_36 : vector<64xf32> to vector<64x1xf32>
    %max3A_38 = arith.constant 1.000000e+00 : f32
    %max3A_39 = vector.broadcast %max3A_38 : f32 to vector<64x1xf32>
    %max3A_40 = arith.maximumf %broadcast_in_dim3A_37, %max3A_39 : vector<64x1xf32>
    %div3A = vector.broadcast %max3A_40 : vector<64x1xf32> to vector<64x64xf32>
    %div3A_41 = arith.divf %dot_general3A_35, %div3A : vector<64x64xf32>
    %get3A_42 = arith.constant 0 : index
    %get3A_43 = arith.constant 0 : index
    %get3A_44 = vector.load %arg5[%get3A_42, %get3A_43] : memref<1x64xf32, #tpu.memory_space<vmem>>, vector<1x64xf32>
    %mul3A_45 = vector.broadcast %get3A_44 : vector<1x64xf32> to vector<64x64xf32>
    %mul3A_46 = arith.mulf %div3A_41, %mul3A_45 : vector<64x64xf32>
    %reduce_sum3A_47 = arith.constant dense<0.000000e+00> : vector<64xf32>
    %reduce_sum3A_48 = vector.multi_reduction <add>, %mul3A_46, %reduce_sum3A_47 [1] : vector<64x64xf32> to vector<64xf32>
    %broadcast_in_dim3A_49 = vector.shape_cast %reduce_sum3A_48 : vector<64xf32> to vector<64x1xf32>
    %get3A_50 = arith.constant 0 : index
    %get3A_51 = arith.constant 0 : index
    %get3A_52 = vector.load %arg6[%get3A_50, %get3A_51] : memref<64x1xf32, #tpu.memory_space<vmem>>, vector<64x1xf32>
    %add3A_53 = arith.addf %broadcast_in_dim3A_49, %get3A_52 : vector<64x1xf32>
    %logistic3A = arith.negf %add3A_53 : vector<64x1xf32>
    %logistic3A_54 = math.exp %logistic3A : vector<64x1xf32>
    %logistic3A_55 = arith.constant 1.000000e+00 : f32
    %logistic3A_56 = vector.broadcast %logistic3A_55 : f32 to vector<64x1xf32>
    %logistic3A_57 = arith.addf %logistic3A_56, %logistic3A_54 : vector<64x1xf32>
    %logistic3A_58 = arith.divf %logistic3A_56, %logistic3A_57 : vector<64x1xf32>
    %swap3A = arith.constant 0 : index
    %swap3A_59 = arith.constant 0 : index
    %swap3A_60 = vector.load %arg7[%swap3A, %swap3A_59] : memref<64x1xf32, #tpu.memory_space<vmem>>, vector<64x1xf32>
    tpu.vector_store %arg7[%swap3A, %swap3A_59], %logistic3A_58 {strides = array<i32>} : memref<64x1xf32, #tpu.memory_space<vmem>>, vector<64x1xf32>,
    return
  }
}

</mosaic_0001>

<sc_bundles>
// kernel: kernel.10.cloned.1.call-start
scs
__scs_entry_jumppad:
0x0: {  	(pc) =	sbr.rel $0x88, $3  }
0x1: {  	(tag) =	ssettag $0x0;
	lr =	simm.s32 $0x1  }
0x2: {  	[smem:$0x3F96] =	sst lr;
	_ =	strace $0xD0000000  }
0x3: {  	_ = 	snop  }
0x4: {  	_ = 	snop  }
0x5: {  	_ = 	snop  }
0x6: {  	_ = 	snop  }
0x7: {  	_ = 	snop  }
__scs_overlays_trampoline_lowered:
0x8: {  	[smem:$0x3FA5] =	sst s0  }
0x9: {  	[smem:$0x3FA6] =	sst s1  }
0xa: {  	[smem:$0x3FA7] =	sst s2  }
0xb: {  	[smem:$0x3FA8] =	sst s3  }
0xc: {  	[smem:$0x3FA9] =	sst s4  }
0xd: {  	[smem:$0x3FAA] =	sst s5  }
0xe: {  	[smem:$0x3FAB] =	sst s6  }
0xf: {  	[smem:$0x3FAC] =	sst s7  }
0x10: {  	[smem:$0x3FAD] =	sst s8  }
0x11: {  	[smem:$0x3FAE] =	sst s9;
	s0 =	simm.s32 @!p0 $0x0  }
0x12: {  	s1 =	sld [smem:$0x3F94];
	s0 =	simm.s32 @p0 $0x1  }
0x13: {  	[smem:$0x3FAF] =	sst s0;
	s0 =	simm.s32 @!p1 $0x0  }
0x14: {  	s2 =	sld [smem:$0x3F93];
	s0 =	simm.s32 @p1 $0x1  }
0x15: {  	[smem:$0x3FB0] =	sst s0;
	s0 =	simm.s32 @!p2 $0x0  }
0x16: {  	s3 =	sld [smem:$0x3FDB];
	s0 =	simm.s32 @p2 $0x1  }
0x17: {  	s4 =	simm.s32 $0x1BF5;
	[smem:$0x3FB2] =	sst s0  }
0x18: {  	s0 =	sld [smem:$0x3F95];
	_ =	swait.ge [sflag:s4], $0x0  }
0x19: {  	s7 =	sld [smem:$0x3F96]  }
0x1a: {  	s8 =	sadd.s32 $0xFFFFE003, lr  }
0x1b: {  	s9 =	sadd.s32 $0xFFFFFEF7, lr;
	s5 =	simm.s32 $0xFFFFFFFF;
	p2 =	slt.u32 s8, $0xFFFFF086  }
0x1c: {  	p1 =	slt.u32 s9, $0xF7A;
	s5 =	simm.s32 @!p2 $0x0  }
0x1d: {  	s5 =	simm.s32 @p1 $0x1;
	p0 =	seq.s32 s7, s2  }
0x1e: {  	s7 =	smul.u32 @!p0 $0xF7A, s2;
	p2 =	seq.s32 @!p0 s5, $0x0  }
0x1f: {  	s9 =	smul.u32 $0xF7A, s1;
	s8 =	simm.s32 @!p0 $0x1BF5;
	p2 =	por !p2, p0  }
0x20: {  	[sflag:s8] =	ssyncset.s32 @!p0 $0xFFFFF086;
	s6 =	sadd.s32 @!p0 s3, s7;
	s7 =	simm.s32 @!p0 $0x108  }
0x21: {  	s3 =	sadd.s32 s3, s9;
	s6 =	sadd.s32 @!p0 $0x88, s6;
	s7 =	simm.s32 @p2 $0x1082  }
0x22: {  	[simem:s7], [sflag:s8] =	dma.local @!p0 [hbm:s6], $0xF7A  }
0x23: {  	s9 =	sor.u32 $0xD0000000, s2;
	s6 =	simm.s32 $0x108;
	_ =	swait.ge @!p0 [sflag:s8], $0x0  }
0x24: {  	s3 =	sadd.s32 $0x88, s3;
	s6 =	simm.s32 @!p1 $0x1082;
	[sflag:s4] =	ssyncset.s32 $0xFFFFF086  }
0x25: {  	[simem:s6], [sflag:s4] =	dma.local [hbm:s3], $0xF7A  }
0x26: {  	[smem:$0x3F96] =	sst s1;
	(tag) =	ssettag s2;
	_ =	strace s9  }
0x27: {  	s1 =	sld [smem:$0x3FA6]  }
0x28: {  	s2 =	sld [smem:$0x3FA7]  }
0x29: {  	s4 =	sld [smem:$0x3FA9]  }
0x2a: {  	p0 =	seq.s32 s5, $0x0;
	s5 =	sld [smem:$0x3FAA]  }
0x2b: {  	s6 =	sld [smem:$0x3FAB]  }
0x2c: {  	s7 =	sld [smem:$0x3FAC]  }
0x2d: {  	s3 =	simm.s32 $0x108;
	s8 =	sld [smem:$0x3FAD]  }
0x2e: {  	s3 =	simm.s32 @!p0 $0x1082;
	s9 =	sld [smem:$0x3FAE]  }
0x2f: {  	lr =	sadd.s32 s0, s3;
	s0 =	sld [smem:$0x3FA5]  }
0x30: {  	s3 =	sld [smem:$0x3FA8]  }
0x31: {  	[smem:$0x3FB1] =	sst s10  }
0x32: {  	s10 =	sld [smem:$0x3FAF];
	_ =	sdelay $0x3  }
0x33: {  	p0 =	seq.s32 s10, $0x1;
	s10 =	sld [smem:$0x3FB1];
	_ =	sdelay $0x3  }
0x34: {  	[smem:$0x3FB1] =	sst s10  }
0x35: {  	s10 =	sld [smem:$0x3FB0];
	_ =	sdelay $0x3  }
0x36: {  	p1 =	seq.s32 s10, $0x1;
	s10 =	sld [smem:$0x3FB1];
	_ =	sdelay $0x3  }
0x37: {  	[smem:$0x3FB1] =	sst s10  }
0x38: {  	s10 =	sld [smem:$0x3FB2]  }
0x39: {  	_ = 	snop;
	(pc) =	sbr.ind lr, $3  }
0x3a: {  	_ = 	snop  }
0x3b: {  	_ = 	snop  }
0x3c: {  	p2 =	seq.s32 s10, $0x1;
	s10 =	sld [smem:$0x3FB1]  }
0x3d: {  	_ =	shalt  }
0x3e: {  	_ =	shalt  }
0x3f: {  	_ =	shalt  }
0x40: {  	_ =	shalt  }
0x41: {  	_ =	shalt  }
0x42: {  	_ =	shalt  }
0x43: {  	_ =	shalt  }
0x44: {  	_ =	shalt  }
0x45: {  	_ =	shalt  }
0x46: {  	_ =	shalt  }
0x47: {  	_ =	shalt  }
0x48: {  	_ =	shalt  }
0x49: {  	_ =	shalt  }
0x4a: {  	_ =	shalt  }
0x4b: {  	_ =	shalt  }
0x4c: {  	_ =	shalt  }
0x4d: {  	_ =	shalt  }
0x4e: {  	_ =	shalt  }
0x4f: {  	_ =	shalt  }
0x50: {  	_ =	shalt  }
0x51: {  	_ =	shalt  }
0x52: {  	_ =	shalt  }
0x53: {  	_ =	shalt  }
0x54: {  	_ =	shalt  }
0x55: {  	_ =	shalt  }
0x56: {  	_ =	shalt  }
0x57: {  	_ =	shalt  }
0x58: {  	_ =	shalt  }
0x59: {  	_ =	shalt  }
0x5a: {  	_ =	shalt  }
0x5b: {  	_ =	shalt  }
0x5c: {  	_ =	shalt  }
0x5d: {  	_ =	shalt  }
0x5e: {  	_ =	shalt  }
0x5f: {  	_ =	shalt  }
0x60: {  	_ =	shalt  }
0x61: {  	_ =	shalt  }
0x62: {  	_ =	shalt  }
0x63: {  	_ =	shalt  }
0x64: {  	_ =	shalt  }
0x65: {  	_ =	shalt  }
0x66: {  	_ =	shalt  }
0x67: {  	_ =	shalt  }
0x68: {  	_ =	shalt  }
0x69: {  	_ =	shalt  }
0x6a: {  	_ =	shalt  }
0x6b: {  	_ =	shalt  }
0x6c: {  	_ =	shalt  }
0x6d: {  	_ =	shalt  }
0x6e: {  	_ =	shalt  }
0x6f: {  	_ =	shalt  }
0x70: {  	_ =	shalt  }
0x71: {  	_ =	shalt  }
0x72: {  	_ =	shalt  }
0x73: {  	_ =	shalt  }
0x74: {  	_ =	shalt  }
0x75: {  	_ =	shalt  }
0x76: {  	_ =	shalt  }
0x77: {  	_ =	shalt  }
0x78: {  	_ =	shalt  }
0x79: {  	_ =	shalt  }
0x7a: {  	_ =	shalt  }
0x7b: {  	_ =	shalt  }
0x7c: {  	_ =	shalt  }
0x7d: {  	_ =	shalt  }
0x7e: {  	_ =	shalt  }
0x7f: {  	_ =	shalt  }
0x80: {  	_ =	shalt  }
0x81: {  	_ =	shalt  }
0x82: {  	_ =	shalt  }
0x83: {  	_ =	shalt  }
0x84: {  	_ =	shalt  }
0x85: {  	_ =	shalt  }
0x86: {  	_ =	shalt  }
0x87: {  	_ =	shalt  }
.Lfunc_end0:
.L_simem_size_0:
called_computation_lowered:
.L_overlay_start_0:
0x88: {  	s2 =	sld [smem:$0x3FD9]  }
0x89: {  	s3 =	sld [smem:$0x3FFE];
	_ =	sdelay $0x1  }
0x8a: {  	s1 =	srdreg.scid  }
0x8b: {  	s0 =	sand.u32 $0x1, s1  }
0x8c: {  	s16 =	sshll.u32 s0, $0xA;
	s2 =	sadd.s32 s3, s2  }
0x8d: {  	s2 =	sadd.s32 s2, s16  }
0x8e: {  	[smem:$0x3FBD] =	sst s2  }
0x8f: {  	_ = 	snop  }
0x90: {  	(tm) =	ssettm $0x1  }
0x91: {  	s17 =	sld [smem:$0x3FFB];
	_ =	sdelay $0x3  }
0x92: {  	_ =	strace s17  }
0x93: {  	s2 =	sld [smem:$0x3FFC];
	_ =	sdelay $0x3  }
0x94: {  	_ =	strace s2  }
0x95: {  	s2 =	sld [smem:$0x3FFD];
	_ =	sdelay $0x3  }
0x96: {  	_ =	strace s2  }
0x97: {  	_ =	strace $0x8FFFFFFF  }
0x98: {  	s18 =	sld [smem:$0x3FDB];
	_ =	sdelay $0x1  }
0x99: {  	s19 =	simm.s32 $_scs_section_size  }
0x9a: {  	s4 =	simm.s32 $_size__tile_overlayer_lowered;
	s5 =	simm.s32 $_tile_overlayer_lowered  }
0x9b: {  	s22 =	simm.s32 $0x1BFF;
	s21 =	sshll.u32 s5, $0x1;
	s2 =	sadd.s32 s19, s18  }
0x9c: {  	s6 =	simm.s32 $0x0;
	s20 =	sshll.u32 s4, $0x1;
	s4 =	sadd.s32 s21, s2  }
0x9d: {  	[timem:s6], [sflag:s22] =	dma.local [hbm:s4], s20  }
0x9e: {  	_ =	swait.ge [sflag:s22], s20  }
0x9f: {  	s3 =	ssub.s32 $0x0, s20;
	[sflag:s22] =	ssyncset.done $0x0  }
0xa0: {  	[sflag:s22] =	ssyncadd.s32 s3;
	_ =	sdelay $0x1  }
0xa1: {  	s23 =	simm.s32 $0x1B8B  }
0xa2: {  	_ =	swait.ge [sflag:s23], $0x1  }
0xa3: {  	[sflag:s23] =	ssyncset.done $0x0  }
0xa4: {  	s25 =	simm.s32 $0x1B8E;
	s24 =	sld [smem:$0x3FFE];
	[sflag:s23] =	ssyncadd.s32 $0xFFFFFFFF  }
0xa5: {  	s26 =	simm.s32 $execute0_lowered;
	[smem:$0x3FD2] =	sst s25  }
0xa6: {  	s4 =	sshll.u32 s26, $0x1;
	_ =	strace $0x80000046;
	[dreg:$0x1] =	wrdreg $0xFFFFFFFF  }
0xa7: {  	s28 =	simm.s32 $_size_execute0_lowered;
	s2 =	sadd.s32 s2, s4;
	[dreg:$0x0] =	wrdreg $0x0  }
0xa8: {  	s4 =	sshll.u32 s28, $0x1;
	[dreg:$0x2] =	wrdreg s2  }
0xa9: {  	[dreg:$0x3] =	wrdreg s4  }
0xaa: {  	[dreg:$0x4] =	wrdreg $0xC0  }
0xab: {  	_ =	task [dreg:s6], $0x5FFFF  }
0xac: {  	[dreg:$0x1] =	wrdreg $0xFFFFFFFF  }
0xad: {  	[dreg:$0x0] =	wrdreg $0x60  }
0xae: {  	[dreg:$0x2] =	wrdreg s24  }
0xaf: {  	[dreg:$0x3] =	wrdreg $0x9  }
0xb0: {  	_ =	task.clear_ibuf [dreg:s6], $0x4FFFF;
	_ =	strace $0x90000046  }
0xb1: {  	s29 =	simm.s32 $0x9;
	_ =	strace $0x80000048  }
0xb2: {  	_ =	swait.ge [sflag:s29], $0x1  }
0xb3: {  	[sflag:s29] =	ssyncadd.s32 $0xFFFFFFFF  }
0xb4: {  	_ =	strace $0x90000048  }
0xb5: {  	_ =	sfence  }
0xb6: {  	s30 =	sld [smem:$0x0];
	_ =	sdelay $0x2  }
0xb7: {  	s31 =	sshll.u32 s1, $0xD;
	s1 =	sshrl.u32 s1, $0x2  }
0xb8: {  	s3 =	sand.u32 $0x4000, s31;
	s1 =	sadd.s32 s1, s30  }
0xb9: {  	s0 =	sor.u32 s3, s0;
	s1 =	sshll.u32 s1, $0x11  }
0xba: {  	s0 =	sor.u32 s1, s0  }
0xbb: {  	s0 =	sadd.s32 $0x8F2B, s0  }
0xbc: {  	[sflag:s0] =	ssyncadd.remote.s32 $0x1  }
0xbd: {  	_ =	sfence.sel $0xFFFF  }
0xbe: {  	[dreg:$0x0] =	wrdreg $0xFFFFFFFF;
	(pc) =	sbr.abs _section_cstart, $3  }
0xbf: {  	[dreg:$0x1] =	wrdreg $0xFFFFFFFF  }
0xc0: {  	_ =	task.clear_ibuf [dreg:s6], $0x2FFFF;
	_ =	strace $0x9FFFFFFF  }
0xc1: {  	(tm) =	ssettm $0x7FFFFFFF  }
tec
execute0_lowered:
.L_overlay_start_1:
0x0: {  	(tag) =	ssettag $0x1  }
0x1: {  	s0 =	srdreg.scid  }
0x2: {  	s4 =	rddreg [dreg:$0x0];
	s1 =	stileid.u32;
	s3 =	sand.u32 $0x1, s0  }
0x3: {  	s2 =	simm.s32 $0x0;
	s8 =	simm.s32 $0x1;
	s5 =	sshll.u32 s3, $0x4  }
0x4: {  	s9 =	simm.s32 $0x0;
	s0 =	rddreg [dreg:$0x1];
	s5 =	sor.u32 s1, s5  }
0x5: {  	[smem:$0x7FF] =	sst s2;
	s6 =	ssub.s32 $0x2, s3;
	s5 =	smul.u32 $0x4F0, s5  }
0x6: {  	_ =	strace $0x80000047;
	s3 =	sadd.s32 $0xB800, s4;
	s7 =	sshrl.u32 s6, $0x1  }
0x7: {  	s6 =	ssub.s32 s6, s7;
	s7 =	simm.s32 $0x2780;
	s5 =	sadd.s32 s5, s4  }
0x8: {  	v0 =	vimm.f32 $1.000000000e+00;
	s6 =	smax.u32 s6, $0x1;
	s4 =	sadd.s32 $0x1A00, s5;
	s5 =	sadd.s32 $0xBE00, s5  }
.LBB2_1:
0x9: {  	[tilespmem:s7], [sflag:$0x1] =	stream.linear.gather [hbm4b:s3+s2], $0x2780, $0x38;
	[tilespmem:$0x4F00] =	vst v63  }
0xa: {  	_ =	swait.ge [sflag:s8], $0x2780  }
0xb: {  	[sflag:s8] =	ssyncset.done $0x0  }
0xc: {  	[sflag:s8] =	ssyncadd.s32 $0xFFFFD880  }
0xd: {  	[tilespmem:s2], [sflag:$0x1] =	stream.linear.gather [hbm4b:s4+s2], $0x2780, $0x38;
	[tilespmem:$0x4F00] =	vst v63  }
0xe: {  	_ =	swait.ge [sflag:s8], $0x2780  }
0xf: {  	[sflag:s8] =	ssyncset.done $0x0  }
0x10: {  	s11 =	simm.s32 $0x0;
	s10 =	simm.s32 $0x40;
	[sflag:s8] =	ssyncadd.s32 $0xFFFFD880  }
.LBB2_2:
0x11: {  	p0 =	sne.s32 s10, $0x9DC0;
	v1 =	vld [tilespmem:s11+$0x0];
	_ =	sdelay $0x3  }
.Ltmp0:
0x12: {  	(pc) =	sbr.rel @p0 .LBB2_2-.Ltmp0, $2  }
0x13: {  	_ =	sdelay $0x2  }
0x14: {  	s11 =	sshra.s32 s10, $0x2;
	s10 =	sadd.s32 $0x40, s10;
	[tilespmem:v1+s7+$0x0] =	vst.idx.add.f32.msk $0xffff, v0  }
0x15: {  	v1 =	vld [tilespmem:s11+$0x0];
	_ =	sdelay $0x5  }
0x16: {  	s9 =	sadd.s32 $0x1, s9  }
0x17: {  	p0 =	sne.s32 s9, s6  }
.Ltmp1:
0x18: {  	[tilespmem:v1+s7+$0x0] =	vst.idx.add.f32.msk $0xffff, v0;
	(pc) =	sbr.rel @p0 .LBB2_1-.Ltmp1, $4  }
0x19: {  	[hbm4b:s5+s2] =	stream.linear.scatter [tilespmem:s7], [sflag:$0x1], $0x2780, $0x38;
	[tilespmem:$0x4F00] =	vst v63  }
0x1a: {  	_ =	swait.ge [sflag:s8], $0x2780  }
0x1b: {  	[sflag:s8] =	ssyncset.done $0x0  }
0x1c: {  	[sflag:s8] =	ssyncadd.s32 $0xFFFFD880  }
0x1d: {  	_ =	sfence.sel $0x180000  }
0x1e: {  	[bflag:$0x0] =	sbarrier.arrive $0xFFFF  }
0x1f: {  	p0 =	sne.s32 s1, $0x0;
	_ =	strace $0x90000047  }
0x20: {  	s0 =	sadd.s32 @!p0 $0x100000, s0;
	[bflag:$0x2] =	sbarrier.arrive $0xFFFF  }
0x21: {  	[sflag:s0] =	ssyncadd.tile.s32 @!p0 $0x1;
	_ =	shalt  }
.Lfunc_end2:
_tile_overlayer_lowered:
.L_overlay_start_2:
0x22: {  	(tag) =	ssettag $0x2  }
0x23: {  	s0 =	rddreg [dreg:$0x0];
	s2 =	stileid.u32  }
0x24: {  	s1 =	rddreg [dreg:$0x1];
	p0 =	sne.s32 s2, $0x0  }
0x25: {  	s3 =	rddreg [dreg:$0x2];
	[bflag:$0x3] =	sbarrier.arrive $0xFFFF;
	s2 =	simm.s32 @!p0 $0x1C01  }
0x26: {  	[timem:s3], [sflag:s2] =	dma.local @!p0 [hbm:s0], s1  }
0x27: {  	s0 =	simm.s32 @!p0 $0x1  }
0x28: {  	_ =	swait.ge @!p0 [sflag:s0], s1  }
0x29: {  	s1 =	ssub.s32 @!p0 $0x0, s1;
	[sflag:s0] =	ssyncset.done @!p0 $0x0  }
0x2a: {  	[sflag:s0] =	ssyncadd.s32 @!p0 s1  }
0x2b: {  	[bflag:$0x3] =	sbarrier.arrive $0xFFFF  }
0x2c: {  	_ =	shalt  }

// kernel: kernel.13.cloned.1.call-start
scs
__scs_entry_jumppad:
0x0: {  	(pc) =	sbr.rel $0x88, $3  }
0x1: {  	(tag) =	ssettag $0x0;
	lr =	simm.s32 $0x1  }
0x2: {  	[smem:$0x3F96] =	sst lr;
	_ =	strace $0xD0000000  }
0x3: {  	_ = 	snop  }
0x4: {  	_ = 	snop  }
0x5: {  	_ = 	snop  }
0x6: {  	_ = 	snop  }
0x7: {  	_ = 	snop  }
__scs_overlays_trampoline_lowered:
0x8: {  	[smem:$0x3FA5] =	sst s0  }
0x9: {  	[smem:$0x3FA6] =	sst s1  }
0xa: {  	[smem:$0x3FA7] =	sst s2  }
0xb: {  	[smem:$0x3FA8] =	sst s3  }
0xc: {  	[smem:$0x3FA9] =	sst s4  }
0xd: {  	[smem:$0x3FAA] =	sst s5  }
0xe: {  	[smem:$0x3FAB] =	sst s6  }
0xf: {  	[smem:$0x3FAC] =	sst s7  }
0x10: {  	[smem:$0x3FAD] =	sst s8  }
0x11: {  	[smem:$0x3FAE] =	sst s9;
	s0 =	simm.s32 @!p0 $0x0  }
0x12: {  	s1 =	sld [smem:$0x3F94];
	s0 =	simm.s32 @p0 $0x1  }
0x13: {  	[smem:$0x3FAF] =	sst s0;
	s0 =	simm.s32 @!p1 $0x0  }
0x14: {  	s2 =	sld [smem:$0x3F93];
	s0 =	simm.s32 @p1 $0x1  }
0x15: {  	[smem:$0x3FB0] =	sst s0;
	s0 =	simm.s32 @!p2 $0x0  }
0x16: {  	s3 =	sld [smem:$0x3FDB];
	s0 =	simm.s32 @p2 $0x1  }
0x17: {  	s4 =	simm.s32 $0x1BF5;
	[smem:$0x3FB2] =	sst s0  }
0x18: {  	s0 =	sld [smem:$0x3F95];
	_ =	swait.ge [sflag:s4], $0x0  }
0x19: {  	s7 =	sld [smem:$0x3F96]  }
0x1a: {  	s8 =	sadd.s32 $0xFFFFE003, lr  }
0x1b: {  	s9 =	sadd.s32 $0xFFFFFEF7, lr;
	s5 =	simm.s32 $0xFFFFFFFF;
	p2 =	slt.u32 s8, $0xFFFFF086  }
0x1c: {  	p1 =	slt.u32 s9, $0xF7A;
	s5 =	simm.s32 @!p2 $0x0  }
0x1d: {  	s5 =	simm.s32 @p1 $0x1;
	p0 =	seq.s32 s7, s2  }
0x1e: {  	s7 =	smul.u32 @!p0 $0xF7A, s2;
	p2 =	seq.s32 @!p0 s5, $0x0  }
0x1f: {  	s9 =	smul.u32 $0xF7A, s1;
	s8 =	simm.s32 @!p0 $0x1BF5;
	p2 =	por !p2, p0  }
0x20: {  	[sflag:s8] =	ssyncset.s32 @!p0 $0xFFFFF086;
	s6 =	sadd.s32 @!p0 s3, s7;
	s7 =	simm.s32 @!p0 $0x108  }
0x21: {  	s3 =	sadd.s32 s3, s9;
	s6 =	sadd.s32 @!p0 $0x88, s6;
	s7 =	simm.s32 @p2 $0x1082  }
0x22: {  	[simem:s7], [sflag:s8] =	dma.local @!p0 [hbm:s6], $0xF7A  }
0x23: {  	s9 =	sor.u32 $0xD0000000, s2;
	s6 =	simm.s32 $0x108;
	_ =	swait.ge @!p0 [sflag:s8], $0x0  }
0x24: {  	s3 =	sadd.s32 $0x88, s3;
	s6 =	simm.s32 @!p1 $0x1082;
	[sflag:s4] =	ssyncset.s32 $0xFFFFF086  }
0x25: {  	[simem:s6], [sflag:s4] =	dma.local [hbm:s3], $0xF7A  }
0x26: {  	[smem:$0x3F96] =	sst s1;
	(tag) =	ssettag s2;
	_ =	strace s9  }
0x27: {  	s1 =	sld [smem:$0x3FA6]  }
0x28: {  	s2 =	sld [smem:$0x3FA7]  }
0x29: {  	s4 =	sld [smem:$0x3FA9]  }
0x2a: {  	p0 =	seq.s32 s5, $0x0;
	s5 =	sld [smem:$0x3FAA]  }
0x2b: {  	s6 =	sld [smem:$0x3FAB]  }
0x2c: {  	s7 =	sld [smem:$0x3FAC]  }
0x2d: {  	s3 =	simm.s32 $0x108;
	s8 =	sld [smem:$0x3FAD]  }
0x2e: {  	s3 =	simm.s32 @!p0 $0x1082;
	s9 =	sld [smem:$0x3FAE]  }
0x2f: {  	lr =	sadd.s32 s0, s3;
	s0 =	sld [smem:$0x3FA5]  }
0x30: {  	s3 =	sld [smem:$0x3FA8]  }
0x31: {  	[smem:$0x3FB1] =	sst s10  }
0x32: {  	s10 =	sld [smem:$0x3FAF];
	_ =	sdelay $0x3  }
0x33: {  	p0 =	seq.s32 s10, $0x1;
	s10 =	sld [smem:$0x3FB1];
	_ =	sdelay $0x3  }
0x34: {  	[smem:$0x3FB1] =	sst s10  }
0x35: {  	s10 =	sld [smem:$0x3FB0];
	_ =	sdelay $0x3  }
0x36: {  	p1 =	seq.s32 s10, $0x1;
	s10 =	sld [smem:$0x3FB1];
	_ =	sdelay $0x3  }
0x37: {  	[smem:$0x3FB1] =	sst s10  }
0x38: {  	s10 =	sld [smem:$0x3FB2]  }
0x39: {  	_ = 	snop;
	(pc) =	sbr.ind lr, $3  }
0x3a: {  	_ = 	snop  }
0x3b: {  	_ = 	snop  }
0x3c: {  	p2 =	seq.s32 s10, $0x1;
	s10 =	sld [smem:$0x3FB1]  }
0x3d: {  	_ =	shalt  }
0x3e: {  	_ =	shalt  }
0x3f: {  	_ =	shalt  }
0x40: {  	_ =	shalt  }
0x41: {  	_ =	shalt  }
0x42: {  	_ =	shalt  }
0x43: {  	_ =	shalt  }
0x44: {  	_ =	shalt  }
0x45: {  	_ =	shalt  }
0x46: {  	_ =	shalt  }
0x47: {  	_ =	shalt  }
0x48: {  	_ =	shalt  }
0x49: {  	_ =	shalt  }
0x4a: {  	_ =	shalt  }
0x4b: {  	_ =	shalt  }
0x4c: {  	_ =	shalt  }
0x4d: {  	_ =	shalt  }
0x4e: {  	_ =	shalt  }
0x4f: {  	_ =	shalt  }
0x50: {  	_ =	shalt  }
0x51: {  	_ =	shalt  }
0x52: {  	_ =	shalt  }
0x53: {  	_ =	shalt  }
0x54: {  	_ =	shalt  }
0x55: {  	_ =	shalt  }
0x56: {  	_ =	shalt  }
0x57: {  	_ =	shalt  }
0x58: {  	_ =	shalt  }
0x59: {  	_ =	shalt  }
0x5a: {  	_ =	shalt  }
0x5b: {  	_ =	shalt  }
0x5c: {  	_ =	shalt  }
0x5d: {  	_ =	shalt  }
0x5e: {  	_ =	shalt  }
0x5f: {  	_ =	shalt  }
0x60: {  	_ =	shalt  }
0x61: {  	_ =	shalt  }
0x62: {  	_ =	shalt  }
0x63: {  	_ =	shalt  }
0x64: {  	_ =	shalt  }
0x65: {  	_ =	shalt  }
0x66: {  	_ =	shalt  }
0x67: {  	_ =	shalt  }
0x68: {  	_ =	shalt  }
0x69: {  	_ =	shalt  }
0x6a: {  	_ =	shalt  }
0x6b: {  	_ =	shalt  }
0x6c: {  	_ =	shalt  }
0x6d: {  	_ =	shalt  }
0x6e: {  	_ =	shalt  }
0x6f: {  	_ =	shalt  }
0x70: {  	_ =	shalt  }
0x71: {  	_ =	shalt  }
0x72: {  	_ =	shalt  }
0x73: {  	_ =	shalt  }
0x74: {  	_ =	shalt  }
0x75: {  	_ =	shalt  }
0x76: {  	_ =	shalt  }
0x77: {  	_ =	shalt  }
0x78: {  	_ =	shalt  }
0x79: {  	_ =	shalt  }
0x7a: {  	_ =	shalt  }
0x7b: {  	_ =	shalt  }
0x7c: {  	_ =	shalt  }
0x7d: {  	_ =	shalt  }
0x7e: {  	_ =	shalt  }
0x7f: {  	_ =	shalt  }
0x80: {  	_ =	shalt  }
0x81: {  	_ =	shalt  }
0x82: {  	_ =	shalt  }
0x83: {  	_ =	shalt  }
0x84: {  	_ =	shalt  }
0x85: {  	_ =	shalt  }
0x86: {  	_ =	shalt  }
0x87: {  	_ =	shalt  }
.Lfunc_end0:
.L_simem_size_0:
called_computation.1_lowered:
.L_overlay_start_0:
0x88: {  	s2 =	sld [smem:$0x3FD9]  }
0x89: {  	s3 =	sld [smem:$0x3FFE];
	_ =	sdelay $0x1  }
0x8a: {  	s1 =	srdreg.scid  }
0x8b: {  	s0 =	sand.u32 $0x1, s1  }
0x8c: {  	s16 =	sshll.u32 s0, $0xA;
	s2 =	sadd.s32 s3, s2  }
0x8d: {  	s2 =	sadd.s32 s2, s16  }
0x8e: {  	[smem:$0x3FBD] =	sst s2  }
0x8f: {  	_ = 	snop  }
0x90: {  	(tm) =	ssettm $0x1  }
0x91: {  	s17 =	sld [smem:$0x3FFB];
	_ =	sdelay $0x3  }
0x92: {  	_ =	strace s17  }
0x93: {  	s2 =	sld [smem:$0x3FFC];
	_ =	sdelay $0x3  }
0x94: {  	_ =	strace s2  }
0x95: {  	s2 =	sld [smem:$0x3FFD];
	_ =	sdelay $0x3  }
0x96: {  	_ =	strace s2  }
0x97: {  	_ =	strace $0x8FFFFFFF  }
0x98: {  	s18 =	sld [smem:$0x3FDB];
	_ =	sdelay $0x1  }
0x99: {  	s19 =	simm.s32 $_scs_section_size  }
0x9a: {  	s4 =	simm.s32 $_size__tile_overlayer_lowered;
	s5 =	simm.s32 $_tile_overlayer_lowered  }
0x9b: {  	s22 =	simm.s32 $0x1BFF;
	s21 =	sshll.u32 s5, $0x1;
	s2 =	sadd.s32 s19, s18  }
0x9c: {  	s6 =	simm.s32 $0x0;
	s20 =	sshll.u32 s4, $0x1;
	s4 =	sadd.s32 s21, s2  }
0x9d: {  	[timem:s6], [sflag:s22] =	dma.local [hbm:s4], s20  }
0x9e: {  	_ =	swait.ge [sflag:s22], s20  }
0x9f: {  	s3 =	ssub.s32 $0x0, s20;
	[sflag:s22] =	ssyncset.done $0x0  }
0xa0: {  	[sflag:s22] =	ssyncadd.s32 s3;
	_ =	sdelay $0x1  }
0xa1: {  	s23 =	simm.s32 $0x1B8B  }
0xa2: {  	_ =	swait.ge [sflag:s23], $0x1  }
0xa3: {  	[sflag:s23] =	ssyncset.done $0x0  }
0xa4: {  	s25 =	simm.s32 $0x1B8E;
	s24 =	sld [smem:$0x3FFE];
	[sflag:s23] =	ssyncadd.s32 $0xFFFFFFFF  }
0xa5: {  	s26 =	simm.s32 $execute0_lowered;
	[smem:$0x3FD2] =	sst s25  }
0xa6: {  	s4 =	sshll.u32 s26, $0x1;
	_ =	strace $0x80000049;
	[dreg:$0x1] =	wrdreg $0xFFFFFFFF  }
0xa7: {  	s28 =	simm.s32 $_size_execute0_lowered;
	s2 =	sadd.s32 s2, s4;
	[dreg:$0x0] =	wrdreg $0x0  }
0xa8: {  	s4 =	sshll.u32 s28, $0x1;
	[dreg:$0x2] =	wrdreg s2  }
0xa9: {  	[dreg:$0x3] =	wrdreg s4  }
0xaa: {  	[dreg:$0x4] =	wrdreg $0xC0  }
0xab: {  	_ =	task [dreg:s6], $0x5FFFF  }
0xac: {  	[dreg:$0x1] =	wrdreg $0xFFFFFFFF  }
0xad: {  	[dreg:$0x0] =	wrdreg $0x60  }
0xae: {  	[dreg:$0x2] =	wrdreg s24  }
0xaf: {  	[dreg:$0x3] =	wrdreg $0xAC000  }
0xb0: {  	[dreg:$0x4] =	wrdreg $0x14A000  }
0xb1: {  	[dreg:$0x5] =	wrdreg $0x9  }
0xb2: {  	_ =	task.clear_ibuf [dreg:s6], $0x6FFFF;
	_ =	strace $0x90000049  }
0xb3: {  	s29 =	simm.s32 $0x9;
	_ =	strace $0x8000004B  }
0xb4: {  	_ =	swait.ge [sflag:s29], $0x1  }
0xb5: {  	[sflag:s29] =	ssyncadd.s32 $0xFFFFFFFF  }
0xb6: {  	_ =	strace $0x9000004B  }
0xb7: {  	_ =	sfence  }
0xb8: {  	s30 =	sld [smem:$0x0];
	_ =	sdelay $0x2  }
0xb9: {  	s31 =	sshll.u32 s1, $0xD;
	s1 =	sshrl.u32 s1, $0x2  }
0xba: {  	s3 =	sand.u32 $0x4000, s31;
	s1 =	sadd.s32 s1, s30  }
0xbb: {  	s0 =	sor.u32 s3, s0;
	s1 =	sshll.u32 s1, $0x11  }
0xbc: {  	s0 =	sor.u32 s1, s0  }
0xbd: {  	s0 =	sadd.s32 $0x8F2B, s0  }
0xbe: {  	[sflag:s0] =	ssyncadd.remote.s32 $0x1  }
0xbf: {  	_ =	sfence.sel $0xFFFF  }
0xc0: {  	[dreg:$0x0] =	wrdreg $0xFFFFFFFF;
	(pc) =	sbr.abs _section_cstart, $3  }
0xc1: {  	[dreg:$0x1] =	wrdreg $0xFFFFFFFF  }
0xc2: {  	_ =	task.clear_ibuf [dreg:s6], $0x2FFFF;
	_ =	strace $0x9FFFFFFF  }
0xc3: {  	(tm) =	ssettm $0x7FFFFFFF  }
tec
execute0_lowered:
.L_overlay_start_1:
0x0: {  	(tag) =	ssettag $0x1  }
0x1: {  	s1 =	rddreg [dreg:$0x0]  }
0x2: {  	s0 =	srdreg.scid;
	s2 =	rddreg [dreg:$0x1]  }
0x3: {  	s29 =	stileid.u32;
	s3 =	rddreg [dreg:$0x2]  }
0x4: {  	s14 =	simm.s32 $0x6C;
	s17 =	simm.s32 $0x6C00;
	s18 =	simm.s32 $0x3  }
0x5: {  	s20 =	simm.s32 $0x3600;
	s21 =	simm.s32 $0x80;
	s22 =	simm.s32 $0x8C00  }
0x6: {  	s23 =	simm.s32 $0x1;
	s25 =	simm.s32 $0x2;
	s11 =	smul.u32 $0x9E00, s29  }
0x7: {  	s26 =	simm.s32 $0x0;
	s10 =	sand.u32 $0x1, s0;
	s6 =	smul.u32 $0x27800, s29  }
0x8: {  	s4 =	sshll.u32 s10, $0x4;
	s7 =	smul.u32 $0x13C00, s10;
	s30 =	ssub.s32 $0x2, s10  }
0x9: {  	p0 =	seq.s32 s10, $0x0;
	s5 =	sor.u32 s29, s4;
	s4 =	simm.s32 $0x0  }
0xa: {  	s24 =	sshrl.u32 s11, $0x3;
	s6 =	sshrl.u32 s6, $0x2;
	s31 =	sshrl.u32 s30, $0x1  }
0xb: {  	s19 =	sadd.s32 s11, s3;
	s14 =	simm.s32 @!p0 $0x32;
	s5 =	smul.u32 $0x6C0, s5  }
0xc: {  	[smem:$0x7FF] =	sst s4;
	s12 =	sadd.s32 s24, s1;
	s9 =	sadd.s32 s6, s2  }
0xd: {  	s15 =	ssub.s32 s30, s31;
	s16 =	sshrl.u32 s14, $0x1;
	s14 =	sshll.u32 s14, $0x7  }
0xe: {  	s19 =	sshrl.u32 s19, $0x3;
	_ =	strace $0x8000004A;
	s6 =	sadd.s32 $0x2000, s9  }
0xf: {  	s8 =	sadd.s32 $0x6000, s9;
	s10 =	sadd.s32 $0x1A00, s12;
	s15 =	smax.u32 s15, $0x1  }
0x10: {  	s16 =	sadd.s32 $0xFFFFFFFF, s16;
	s13 =	sadd.s32 s5, s1;
	s1 =	sadd.s32 s7, s1  }
0x11: {  	s5 =	sadd.s32 s11, s2;
	s7 =	sadd.s32 $0x4000, s9;
	s9 =	sadd.s32 $0x8000, s9  }
0x12: {  	s11 =	sadd.s32 $0x23400, s13;
	s12 =	sadd.s32 $0x15C00, s13;
	s1 =	sadd.s32 $0x30C00, s1  }
0x13: {  	v0 =	vimm.f32 $0.0e+00;
	s13 =	sadd.s32 $0x3500, s14;
	s14 =	sadd.s32 $0x3580, s14;
	s24 =	sadd.s32 s24, s1  }
.LBB2_1:
0x14: {  	s28 =	simm.s32 $0x100;
	s1 =	simm.s32 $0x0  }
.LBB2_2:
0x15: {  	p0 =	sne.s32 s28, $0x7F00;
	[tilespmem:s1+$0x6C30] =	vst v0;
	s29 =	smov.u32 s28;
	s28 =	sadd.s32 $0x100, s28  }
.Ltmp0:
0x16: {  	[tilespmem:s1+$0x6C20] =	vst v0;
	(pc) =	sbr.rel @p0 .LBB2_2-.Ltmp0, $3  }
0x17: {  	[tilespmem:s1+$0x6C00] =	vst v0  }
0x18: {  	[tilespmem:s1+$0x6C10] =	vst v0;
	_ =	sdelay $0x1  }
0x19: {  	s1 =	sshra.s32 s29, $0x2  }
0x1a: {  	[tilespmem:s1+$0x6C30] =	vst v0  }
0x1b: {  	[tilespmem:s1+$0x6C20] =	vst v0  }
0x1c: {  	[tilespmem:s1+$0x6C00] =	vst v0  }
0x1d: {  	[tilespmem:s1+$0x6C10] =	vst v0  }
0x1e: {  	[spmem:s5] =	stream.linear.scatter [tilespmem:s17], [sflag:$0x3], $0x2000, $0x38;
	[tilespmem:$0x1E800] =	vst v63  }
0x1f: {  	_ =	swait.ge [sflag:s18], $0x2000  }
0x20: {  	[sflag:s18] =	ssyncset.done $0x0  }
0x21: {  	[sflag:s18] =	ssyncadd.s32 $0xFFFFE000  }
0x22: {  	[spmem:s6] =	stream.linear.scatter [tilespmem:s17], [sflag:$0x3], $0x2000, $0x38;
	[tilespmem:$0x1E800] =	vst v63  }
0x23: {  	_ =	swait.ge [sflag:s18], $0x2000  }
0x24: {  	[sflag:s18] =	ssyncset.done $0x0  }
0x25: {  	[sflag:s18] =	ssyncadd.s32 $0xFFFFE000  }
0x26: {  	[spmem:s7] =	stream.linear.scatter [tilespmem:s17], [sflag:$0x3], $0x2000, $0x38;
	[tilespmem:$0x1E800] =	vst v63  }
0x27: {  	_ =	swait.ge [sflag:s18], $0x2000  }
0x28: {  	[sflag:s18] =	ssyncset.done $0x0  }
0x29: {  	[sflag:s18] =	ssyncadd.s32 $0xFFFFE000  }
0x2a: {  	[spmem:s8] =	stream.linear.scatter [tilespmem:s17], [sflag:$0x3], $0x2000, $0x38;
	[tilespmem:$0x1E800] =	vst v63  }
0x2b: {  	_ =	swait.ge [sflag:s18], $0x2000  }
0x2c: {  	[sflag:s18] =	ssyncset.done $0x0  }
0x2d: {  	[sflag:s18] =	ssyncadd.s32 $0xFFFFE000  }
0x2e: {  	[spmem:s9] =	stream.linear.scatter [tilespmem:s17], [sflag:$0x3], $0x1E00, $0x38;
	[tilespmem:$0x1E800] =	vst v63  }
0x2f: {  	s0 =	stileid.u32;
	_ =	swait.ge [sflag:s18], $0x1E00  }
0x30: {  	s0 =	sshll.u32 s0, $0x6;
	[sflag:s18] =	ssyncset.done $0x0  }
0x31: {  	s28 =	sor.u32 $0x1C03, s0;
	[sflag:s18] =	ssyncadd.s32 $0xFFFFE200  }
0x32: {  	[spmem:s19], [sflag:s28] =	dma.local [hbm:s10], $0x13C0  }
0x33: {  	_ =	swait.ge [sflag:s18], $0x13C0  }
0x34: {  	[sflag:s18] =	ssyncset.done $0x0  }
0x35: {  	[sflag:s18] =	ssyncadd.s32 $0xFFFFEC40  }
0x36: {  	[tilespmem:s4], [sflag:$0x3] =	stream.linear.gather [hbm4b:s11+s4], $0x3600, $0x38;
	[tilespmem:$0x1E800] =	vst v63  }
0x37: {  	_ =	swait.ge [sflag:s18], $0x3600  }
0x38: {  	[sflag:s18] =	ssyncset.done $0x0  }
0x39: {  	[sflag:s18] =	ssyncadd.s32 $0xFFFFCA00  }
0x3a: {  	[tilespmem:s20], [sflag:$0x3] =	stream.linear.gather [hbm4b:s12+s4], $0x3600, $0x38;
	[tilespmem:$0x1E800] =	vst v63  }
0x3b: {  	_ =	swait.ge [sflag:s18], $0x3600  }
0x3c: {  	[sflag:s18] =	ssyncset.done $0x0  }
0x3d: {  	[sflag:s18] =	ssyncadd.s32 $0xFFFFCA00  }
0x3e: {  	[bflag:$0x0] =	sbarrier.arrive $0xFFFF  }
0x3f: {  	[tilespmem:s17], [sflag:$0x1] =	stream.indirect.gather [spmem:s3], $0x40, s4, s21, $0xb8;
	[tilespmem:$0x1E800] =	vst v63  }
0x40: {  	_ = 	snop  }
0x41: {  	[tilespmem:s22], [sflag:$0x2] =	stream.indirect.gather [spmem:s3], $0x40, s21, s21, $0xb8;
	[tilespmem:$0x1E800] =	vst v63  }
0x42: {  	_ =	swait.ge [sflag:s23], $0x2000  }
0x43: {  	[sflag:s23] =	ssyncset.done $0x0  }
0x44: {  	s0 =	simm.s32 $0x3600;
	[sflag:s23] =	ssyncadd.s32 $0xFFFFE000  }
0x45: {  	[spmem:s2] =	stream.indirect.scatter.add.f32 [tilespmem:s17], [sflag:$0x3], $0x40, s0, s21, $0xb8;
	[tilespmem:$0x1E800] =	vst v63  }
0x46: {  	_ =	swait.ge [sflag:s18], $0x2000  }
0x47: {  	[sflag:s18] =	ssyncset.done $0x0  }
0x48: {  	s0 =	simm.s32 $0x100;
	[sflag:s18] =	ssyncadd.s32 $0xFFFFE000  }
0x49: {  	[tilespmem:s17], [sflag:$0x1] =	stream.indirect.gather [spmem:s3], $0x40, s0, s21, $0xb8;
	[tilespmem:$0x1E800] =	vst v63  }
0x4a: {  	_ =	swait.ge [sflag:s25], $0x2000  }
0x4b: {  	p0 =	sne.s32 s16, $0x1;
	[sflag:s25] =	ssyncset.done $0x0  }
.Ltmp1:
0x4c: {  	s0 =	simm.s32 $0x3680;
	[sflag:s25] =	ssyncadd.s32 $0xFFFFE000;
	(pc) =	sbr.rel @!p0 .LBB2_5-.Ltmp1, $4  }
0x4d: {  	[spmem:s2] =	stream.indirect.scatter.add.f32 [tilespmem:s22], [sflag:$0x3], $0x40, s0, s21, $0xb8;
	[tilespmem:$0x1E800] =	vst v63  }
0x4e: {  	_ =	swait.ge [sflag:s18], $0x2000  }
0x4f: {  	s30 =	simm.s32 $0x180;
	s29 =	sadd.s32 $0xFFFFFFFF, s16;
	[sflag:s18] =	ssyncset.done $0x0  }
0x50: {  	s31 =	simm.s32 $0x280;
	s1 =	simm.s32 $0x3780;
	[sflag:s18] =	ssyncadd.s32 $0xFFFFE000  }
.LBB2_4:
0x51: {  	[tilespmem:s22], [sflag:$0x2] =	stream.indirect.gather [spmem:s3], $0x40, s30, s21, $0xb8;
	[tilespmem:$0x1E800] =	vst v63  }
0x52: {  	p0 =	sne.s32 s29, $0x1;
	s29 =	sadd.s32 $0xFFFFFFFF, s29;
	_ =	swait.ge [sflag:s23], $0x2000  }
0x53: {  	s30 =	smov.u32 s31;
	[sflag:s23] =	ssyncset.done $0x0  }
0x54: {  	s0 =	sadd.s32 $0xFFFFFF80, s1;
	[sflag:s23] =	ssyncadd.s32 $0xFFFFE000  }
0x55: {  	[spmem:s2] =	stream.indirect.scatter.add.f32 [tilespmem:s17], [sflag:$0x3], $0x40, s0, s21, $0xb8;
	[tilespmem:$0x1E800] =	vst v63  }
0x56: {  	_ =	swait.ge [sflag:s18], $0x2000  }
0x57: {  	[sflag:s18] =	ssyncset.done $0x0  }
0x58: {  	s0 =	sadd.s32 $0xFFFFFF80, s31;
	[sflag:s18] =	ssyncadd.s32 $0xFFFFE000  }
0x59: {  	[tilespmem:s17], [sflag:$0x1] =	stream.indirect.gather [spmem:s3], $0x40, s0, s21, $0xb8;
	[tilespmem:$0x1E800] =	vst v63  }
0x5a: {  	_ =	swait.ge [sflag:s25], $0x2000  }
0x5b: {  	[sflag:s25] =	ssyncset.done $0x0  }
.Ltmp2:
0x5c: {  	[sflag:s25] =	ssyncadd.s32 $0xFFFFE000;
	(pc) =	sbr.rel @p0 .LBB2_4-.Ltmp2, $4  }
0x5d: {  	[spmem:s2] =	stream.indirect.scatter.add.f32 [tilespmem:s22], [sflag:$0x3], $0x40, s1, s21, $0xb8;
	[tilespmem:$0x1E800] =	vst v63  }
0x5e: {  	_ =	swait.ge [sflag:s18], $0x2000  }
0x5f: {  	[sflag:s18] =	ssyncset.done $0x0  }
0x60: {  	s31 =	sadd.s32 $0x100, s31;
	s1 =	sadd.s32 $0x100, s1;
	[sflag:s18] =	ssyncadd.s32 $0xFFFFE000  }
.LBB2_5:
0x61: {  	[tilespmem:s22], [sflag:$0x2] =	stream.indirect.gather [spmem:s3], $0x40, s30, s21, $0xb8;
	[tilespmem:$0x1E800] =	vst v63  }
0x62: {  	_ =	swait.ge [sflag:s23], $0x2000  }
0x63: {  	[sflag:s23] =	ssyncset.done $0x0  }
0x64: {  	[sflag:s23] =	ssyncadd.s32 $0xFFFFE000  }
0x65: {  	[spmem:s2] =	stream.indirect.scatter.add.f32 [tilespmem:s17], [sflag:$0x3], $0x40, s13, s21, $0xb8;
	[tilespmem:$0x1E800] =	vst v63  }
0x66: {  	_ =	swait.ge [sflag:s18], $0x2000  }
0x67: {  	[sflag:s18] =	ssyncset.done $0x0  }
0x68: {  	[sflag:s18] =	ssyncadd.s32 $0xFFFFE000  }
0x69: {  	_ =	swait.ge [sflag:s25], $0x2000  }
0x6a: {  	[sflag:s25] =	ssyncset.done $0x0  }
0x6b: {  	[sflag:s25] =	ssyncadd.s32 $0xFFFFE000  }
0x6c: {  	[spmem:s2] =	stream.indirect.scatter.add.f32 [tilespmem:s22], [sflag:$0x3], $0x40, s14, s21, $0xb8;
	[tilespmem:$0x1E800] =	vst v63  }
0x6d: {  	_ =	swait.ge [sflag:s18], $0x2000  }
0x6e: {  	s26 =	sadd.s32 $0x1, s26;
	[sflag:s18] =	ssyncset.done $0x0  }
0x6f: {  	p0 =	sne.s32 s26, s15;
	[sflag:s18] =	ssyncadd.s32 $0xFFFFE000  }
.Ltmp3:
0x70: {  	s0 =	sshrl.u32 s5, $0x3;
	[bflag:$0x0] =	sbarrier.arrive $0xFFFF;
	(pc) =	sbr.rel @p0 .LBB2_1-.Ltmp3, $4  }
0x71: {  	[hbm:s24], [sflag:s28] =	dma.local [spmem:s0], $0x13C0  }
0x72: {  	_ =	swait.ge [sflag:s18], $0x13C0  }
0x73: {  	[sflag:s18] =	ssyncset.done $0x0  }
0x74: {  	[sflag:s18] =	ssyncadd.s32 $0xFFFFEC40  }
0x75: {  	_ =	sfence.sel $0x180000  }
0x76: {  	[bflag:$0x0] =	sbarrier.arrive $0xFFFF  }
0x77: {  	_ =	strace $0x9000004A  }
0x78: {  	s0 =	stileid.u32;
	[bflag:$0x2] =	sbarrier.arrive $0xFFFF  }
0x79: {  	p0 =	sne.s32 s0, $0x0;
	s0 =	rddreg [dreg:$0x3]  }
0x7a: {  	s0 =	sadd.s32 @!p0 $0x100000, s0  }
0x7b: {  	[sflag:s0] =	ssyncadd.tile.s32 @!p0 $0x1;
	_ =	shalt  }
.Lfunc_end2:
_tile_overlayer_lowered:
.L_overlay_start_2:
0x7c: {  	(tag) =	ssettag $0x2  }
0x7d: {  	s0 =	rddreg [dreg:$0x0];
	s2 =	stileid.u32  }
0x7e: {  	s1 =	rddreg [dreg:$0x1];
	p0 =	sne.s32 s2, $0x0  }
0x7f: {  	s3 =	rddreg [dreg:$0x2];
	[bflag:$0x3] =	sbarrier.arrive $0xFFFF;
	s2 =	simm.s32 @!p0 $0x1C03  }
0x80: {  	[timem:s3], [sflag:s2] =	dma.local @!p0 [hbm:s0], s1  }
0x81: {  	s0 =	simm.s32 @!p0 $0x3  }
0x82: {  	_ =	swait.ge @!p0 [sflag:s0], s1  }
0x83: {  	s1 =	ssub.s32 @!p0 $0x0, s1;
	[sflag:s0] =	ssyncset.done @!p0 $0x0  }
0x84: {  	[sflag:s0] =	ssyncadd.s32 @!p0 s1  }
0x85: {  	[bflag:$0x3] =	sbarrier.arrive $0xFFFF  }
0x86: {  	_ =	shalt  }

// kernel: kernel.16.cloned.1.call-start
scs
__scs_entry_jumppad:
0x0: {  	(pc) =	sbr.rel $0x88, $3  }
0x1: {  	(tag) =	ssettag $0x0;
	lr =	simm.s32 $0x1  }
0x2: {  	[smem:$0x3F96] =	sst lr;
	_ =	strace $0xD0000000  }
0x3: {  	_ = 	snop  }
0x4: {  	_ = 	snop  }
0x5: {  	_ = 	snop  }
0x6: {  	_ = 	snop  }
0x7: {  	_ = 	snop  }
__scs_overlays_trampoline_lowered:
0x8: {  	[smem:$0x3FA5] =	sst s0  }
0x9: {  	[smem:$0x3FA6] =	sst s1  }
0xa: {  	[smem:$0x3FA7] =	sst s2  }
0xb: {  	[smem:$0x3FA8] =	sst s3  }
0xc: {  	[smem:$0x3FA9] =	sst s4  }
0xd: {  	[smem:$0x3FAA] =	sst s5  }
0xe: {  	[smem:$0x3FAB] =	sst s6  }
0xf: {  	[smem:$0x3FAC] =	sst s7  }
0x10: {  	[smem:$0x3FAD] =	sst s8  }
0x11: {  	[smem:$0x3FAE] =	sst s9;
	s0 =	simm.s32 @!p0 $0x0  }
0x12: {  	s1 =	sld [smem:$0x3F94];
	s0 =	simm.s32 @p0 $0x1  }
0x13: {  	[smem:$0x3FAF] =	sst s0;
	s0 =	simm.s32 @!p1 $0x0  }
0x14: {  	s2 =	sld [smem:$0x3F93];
	s0 =	simm.s32 @p1 $0x1  }
0x15: {  	[smem:$0x3FB0] =	sst s0;
	s0 =	simm.s32 @!p2 $0x0  }
0x16: {  	s3 =	sld [smem:$0x3FDB];
	s0 =	simm.s32 @p2 $0x1  }
0x17: {  	s4 =	simm.s32 $0x1BF5;
	[smem:$0x3FB2] =	sst s0  }
0x18: {  	s0 =	sld [smem:$0x3F95];
	_ =	swait.ge [sflag:s4], $0x0  }
0x19: {  	s7 =	sld [smem:$0x3F96]  }
0x1a: {  	s8 =	sadd.s32 $0xFFFFE003, lr  }
0x1b: {  	s9 =	sadd.s32 $0xFFFFFEF7, lr;
	s5 =	simm.s32 $0xFFFFFFFF;
	p2 =	slt.u32 s8, $0xFFFFF086  }
0x1c: {  	p1 =	slt.u32 s9, $0xF7A;
	s5 =	simm.s32 @!p2 $0x0  }
0x1d: {  	s5 =	simm.s32 @p1 $0x1;
	p0 =	seq.s32 s7, s2  }
0x1e: {  	s7 =	smul.u32 @!p0 $0xF7A, s2;
	p2 =	seq.s32 @!p0 s5, $0x0  }
0x1f: {  	s9 =	smul.u32 $0xF7A, s1;
	s8 =	simm.s32 @!p0 $0x1BF5;
	p2 =	por !p2, p0  }
0x20: {  	[sflag:s8] =	ssyncset.s32 @!p0 $0xFFFFF086;
	s6 =	sadd.s32 @!p0 s3, s7;
	s7 =	simm.s32 @!p0 $0x108  }
0x21: {  	s3 =	sadd.s32 s3, s9;
	s6 =	sadd.s32 @!p0 $0x88, s6;
	s7 =	simm.s32 @p2 $0x1082  }
0x22: {  	[simem:s7], [sflag:s8] =	dma.local @!p0 [hbm:s6], $0xF7A  }
0x23: {  	s9 =	sor.u32 $0xD0000000, s2;
	s6 =	simm.s32 $0x108;
	_ =	swait.ge @!p0 [sflag:s8], $0x0  }
0x24: {  	s3 =	sadd.s32 $0x88, s3;
	s6 =	simm.s32 @!p1 $0x1082;
	[sflag:s4] =	ssyncset.s32 $0xFFFFF086  }
0x25: {  	[simem:s6], [sflag:s4] =	dma.local [hbm:s3], $0xF7A  }
0x26: {  	[smem:$0x3F96] =	sst s1;
	(tag) =	ssettag s2;
	_ =	strace s9  }
0x27: {  	s1 =	sld [smem:$0x3FA6]  }
0x28: {  	s2 =	sld [smem:$0x3FA7]  }
0x29: {  	s4 =	sld [smem:$0x3FA9]  }
0x2a: {  	p0 =	seq.s32 s5, $0x0;
	s5 =	sld [smem:$0x3FAA]  }
0x2b: {  	s6 =	sld [smem:$0x3FAB]  }
0x2c: {  	s7 =	sld [smem:$0x3FAC]  }
0x2d: {  	s3 =	simm.s32 $0x108;
	s8 =	sld [smem:$0x3FAD]  }
0x2e: {  	s3 =	simm.s32 @!p0 $0x1082;
	s9 =	sld [smem:$0x3FAE]  }
0x2f: {  	lr =	sadd.s32 s0, s3;
	s0 =	sld [smem:$0x3FA5]  }
0x30: {  	s3 =	sld [smem:$0x3FA8]  }
0x31: {  	[smem:$0x3FB1] =	sst s10  }
0x32: {  	s10 =	sld [smem:$0x3FAF];
	_ =	sdelay $0x3  }
0x33: {  	p0 =	seq.s32 s10, $0x1;
	s10 =	sld [smem:$0x3FB1];
	_ =	sdelay $0x3  }
0x34: {  	[smem:$0x3FB1] =	sst s10  }
0x35: {  	s10 =	sld [smem:$0x3FB0];
	_ =	sdelay $0x3  }
0x36: {  	p1 =	seq.s32 s10, $0x1;
	s10 =	sld [smem:$0x3FB1];
	_ =	sdelay $0x3  }
0x37: {  	[smem:$0x3FB1] =	sst s10  }
0x38: {  	s10 =	sld [smem:$0x3FB2]  }
0x39: {  	_ = 	snop;
	(pc) =	sbr.ind lr, $3  }
0x3a: {  	_ = 	snop  }
0x3b: {  	_ = 	snop  }
0x3c: {  	p2 =	seq.s32 s10, $0x1;
	s10 =	sld [smem:$0x3FB1]  }
0x3d: {  	_ =	shalt  }
0x3e: {  	_ =	shalt  }
0x3f: {  	_ =	shalt  }
0x40: {  	_ =	shalt  }
0x41: {  	_ =	shalt  }
0x42: {  	_ =	shalt  }
0x43: {  	_ =	shalt  }
0x44: {  	_ =	shalt  }
0x45: {  	_ =	shalt  }
0x46: {  	_ =	shalt  }
0x47: {  	_ =	shalt  }
0x48: {  	_ =	shalt  }
0x49: {  	_ =	shalt  }
0x4a: {  	_ =	shalt  }
0x4b: {  	_ =	shalt  }
0x4c: {  	_ =	shalt  }
0x4d: {  	_ =	shalt  }
0x4e: {  	_ =	shalt  }
0x4f: {  	_ =	shalt  }
0x50: {  	_ =	shalt  }
0x51: {  	_ =	shalt  }
0x52: {  	_ =	shalt  }
0x53: {  	_ =	shalt  }
0x54: {  	_ =	shalt  }
0x55: {  	_ =	shalt  }
0x56: {  	_ =	shalt  }
0x57: {  	_ =	shalt  }
0x58: {  	_ =	shalt  }
0x59: {  	_ =	shalt  }
0x5a: {  	_ =	shalt  }
0x5b: {  	_ =	shalt  }
0x5c: {  	_ =	shalt  }
0x5d: {  	_ =	shalt  }
0x5e: {  	_ =	shalt  }
0x5f: {  	_ =	shalt  }
0x60: {  	_ =	shalt  }
0x61: {  	_ =	shalt  }
0x62: {  	_ =	shalt  }
0x63: {  	_ =	shalt  }
0x64: {  	_ =	shalt  }
0x65: {  	_ =	shalt  }
0x66: {  	_ =	shalt  }
0x67: {  	_ =	shalt  }
0x68: {  	_ =	shalt  }
0x69: {  	_ =	shalt  }
0x6a: {  	_ =	shalt  }
0x6b: {  	_ =	shalt  }
0x6c: {  	_ =	shalt  }
0x6d: {  	_ =	shalt  }
0x6e: {  	_ =	shalt  }
0x6f: {  	_ =	shalt  }
0x70: {  	_ =	shalt  }
0x71: {  	_ =	shalt  }
0x72: {  	_ =	shalt  }
0x73: {  	_ =	shalt  }
0x74: {  	_ =	shalt  }
0x75: {  	_ =	shalt  }
0x76: {  	_ =	shalt  }
0x77: {  	_ =	shalt  }
0x78: {  	_ =	shalt  }
0x79: {  	_ =	shalt  }
0x7a: {  	_ =	shalt  }
0x7b: {  	_ =	shalt  }
0x7c: {  	_ =	shalt  }
0x7d: {  	_ =	shalt  }
0x7e: {  	_ =	shalt  }
0x7f: {  	_ =	shalt  }
0x80: {  	_ =	shalt  }
0x81: {  	_ =	shalt  }
0x82: {  	_ =	shalt  }
0x83: {  	_ =	shalt  }
0x84: {  	_ =	shalt  }
0x85: {  	_ =	shalt  }
0x86: {  	_ =	shalt  }
0x87: {  	_ =	shalt  }
.Lfunc_end0:
.L_simem_size_0:
called_computation.2_lowered:
.L_overlay_start_0:
0x88: {  	s2 =	sld [smem:$0x3FD9]  }
0x89: {  	s3 =	sld [smem:$0x3FFE];
	_ =	sdelay $0x1  }
0x8a: {  	s1 =	srdreg.scid  }
0x8b: {  	s0 =	sand.u32 $0x1, s1  }
0x8c: {  	s16 =	sshll.u32 s0, $0xA;
	s2 =	sadd.s32 s3, s2  }
0x8d: {  	s2 =	sadd.s32 s2, s16  }
0x8e: {  	[smem:$0x3FBD] =	sst s2  }
0x8f: {  	_ = 	snop  }
0x90: {  	(tm) =	ssettm $0x1  }
0x91: {  	s17 =	sld [smem:$0x3FFB];
	_ =	sdelay $0x3  }
0x92: {  	_ =	strace s17  }
0x93: {  	s2 =	sld [smem:$0x3FFC];
	_ =	sdelay $0x3  }
0x94: {  	_ =	strace s2  }
0x95: {  	s2 =	sld [smem:$0x3FFD];
	_ =	sdelay $0x3  }
0x96: {  	_ =	strace s2  }
0x97: {  	_ =	strace $0x8FFFFFFF  }
0x98: {  	s18 =	sld [smem:$0x3FDB];
	_ =	sdelay $0x1  }
0x99: {  	s19 =	simm.s32 $_scs_section_size  }
0x9a: {  	s4 =	simm.s32 $_size__tile_overlayer_lowered;
	s5 =	simm.s32 $_tile_overlayer_lowered  }
0x9b: {  	s22 =	simm.s32 $0x1BFF;
	s21 =	sshll.u32 s5, $0x1;
	s2 =	sadd.s32 s19, s18  }
0x9c: {  	s6 =	simm.s32 $0x0;
	s20 =	sshll.u32 s4, $0x1;
	s4 =	sadd.s32 s21, s2  }
0x9d: {  	[timem:s6], [sflag:s22] =	dma.local [hbm:s4], s20  }
0x9e: {  	_ =	swait.ge [sflag:s22], s20  }
0x9f: {  	s3 =	ssub.s32 $0x0, s20;
	[sflag:s22] =	ssyncset.done $0x0  }
0xa0: {  	[sflag:s22] =	ssyncadd.s32 s3;
	_ =	sdelay $0x1  }
0xa1: {  	s23 =	simm.s32 $0x1B8B  }
0xa2: {  	_ =	swait.ge [sflag:s23], $0x1  }
0xa3: {  	[sflag:s23] =	ssyncset.done $0x0  }
0xa4: {  	s25 =	simm.s32 $0x1B8E;
	s24 =	sld [smem:$0x3FFE];
	[sflag:s23] =	ssyncadd.s32 $0xFFFFFFFF  }
0xa5: {  	s26 =	simm.s32 $execute0_lowered;
	[smem:$0x3FD2] =	sst s25  }
0xa6: {  	s4 =	sshll.u32 s26, $0x1;
	_ =	strace $0x8000004C;
	[dreg:$0x1] =	wrdreg $0xFFFFFFFF  }
0xa7: {  	s28 =	simm.s32 $_size_execute0_lowered;
	s2 =	sadd.s32 s2, s4;
	[dreg:$0x0] =	wrdreg $0x0  }
0xa8: {  	s4 =	sshll.u32 s28, $0x1;
	[dreg:$0x2] =	wrdreg s2  }
0xa9: {  	[dreg:$0x3] =	wrdreg s4  }
0xaa: {  	[dreg:$0x4] =	wrdreg $0xC0  }
0xab: {  	_ =	task [dreg:s6], $0x5FFFF  }
0xac: {  	[dreg:$0x1] =	wrdreg $0xFFFFFFFF  }
0xad: {  	[dreg:$0x0] =	wrdreg $0x60  }
0xae: {  	[dreg:$0x2] =	wrdreg s24  }
0xaf: {  	[dreg:$0x3] =	wrdreg $0xAC000  }
0xb0: {  	[dreg:$0x4] =	wrdreg $0x14A000  }
0xb1: {  	[dreg:$0x5] =	wrdreg $0x9  }
0xb2: {  	_ =	task.clear_ibuf [dreg:s6], $0x6FFFF;
	_ =	strace $0x9000004C  }
0xb3: {  	s29 =	simm.s32 $0x9;
	_ =	strace $0x8000004E  }
0xb4: {  	_ =	swait.ge [sflag:s29], $0x1  }
0xb5: {  	[sflag:s29] =	ssyncadd.s32 $0xFFFFFFFF  }
0xb6: {  	_ =	strace $0x9000004E  }
0xb7: {  	_ =	sfence  }
0xb8: {  	s30 =	sld [smem:$0x0];
	_ =	sdelay $0x2  }
0xb9: {  	s31 =	sshll.u32 s1, $0xD;
	s1 =	sshrl.u32 s1, $0x2  }
0xba: {  	s3 =	sand.u32 $0x4000, s31;
	s1 =	sadd.s32 s1, s30  }
0xbb: {  	s0 =	sor.u32 s3, s0;
	s1 =	sshll.u32 s1, $0x11  }
0xbc: {  	s0 =	sor.u32 s1, s0  }
0xbd: {  	s0 =	sadd.s32 $0x8F2B, s0  }
0xbe: {  	[sflag:s0] =	ssyncadd.remote.s32 $0x1  }
0xbf: {  	_ =	sfence.sel $0xFFFF  }
0xc0: {  	[dreg:$0x0] =	wrdreg $0xFFFFFFFF;
	(pc) =	sbr.abs _section_cstart, $3  }
0xc1: {  	[dreg:$0x1] =	wrdreg $0xFFFFFFFF  }
0xc2: {  	_ =	task.clear_ibuf [dreg:s6], $0x2FFFF;
	_ =	strace $0x9FFFFFFF  }
0xc3: {  	(tm) =	ssettm $0x7FFFFFFF  }
tec
execute0_lowered:
.L_overlay_start_1:
0x0: {  	(tag) =	ssettag $0x1  }
0x1: {  	s1 =	rddreg [dreg:$0x0]  }
0x2: {  	s0 =	srdreg.scid;
	s2 =	rddreg [dreg:$0x1]  }
0x3: {  	s29 =	stileid.u32;
	s3 =	rddreg [dreg:$0x2]  }
0x4: {  	s14 =	simm.s32 $0x6C;
	s17 =	simm.s32 $0x6C00;
	s18 =	simm.s32 $0x3  }
0x5: {  	s20 =	simm.s32 $0x3600;
	s21 =	simm.s32 $0x80;
	s22 =	simm.s32 $0x8C00  }
0x6: {  	s23 =	simm.s32 $0x1;
	s25 =	simm.s32 $0x2;
	s11 =	smul.u32 $0x9E00, s29  }
0x7: {  	s26 =	simm.s32 $0x0;
	s10 =	sand.u32 $0x1, s0;
	s6 =	smul.u32 $0x27800, s29  }
0x8: {  	s4 =	sshll.u32 s10, $0x4;
	s7 =	smul.u32 $0x13C00, s10;
	s30 =	ssub.s32 $0x2, s10  }
0x9: {  	p0 =	seq.s32 s10, $0x0;
	s5 =	sor.u32 s29, s4;
	s4 =	simm.s32 $0x0  }
0xa: {  	s24 =	sshrl.u32 s11, $0x3;
	s6 =	sshrl.u32 s6, $0x2;
	s31 =	sshrl.u32 s30, $0x1  }
0xb: {  	s19 =	sadd.s32 s11, s3;
	s14 =	simm.s32 @!p0 $0x32;
	s5 =	smul.u32 $0x6C0, s5  }
0xc: {  	[smem:$0x7FF] =	sst s4;
	s12 =	sadd.s32 s24, s1;
	s9 =	sadd.s32 s6, s2  }
0xd: {  	s15 =	ssub.s32 s30, s31;
	s16 =	sshrl.u32 s14, $0x1;
	s14 =	sshll.u32 s14, $0x7  }
0xe: {  	s19 =	sshrl.u32 s19, $0x3;
	_ =	strace $0x8000004D;
	s6 =	sadd.s32 $0x2000, s9  }
0xf: {  	s8 =	sadd.s32 $0x6000, s9;
	s10 =	sadd.s32 $0x1A00, s12;
	s15 =	smax.u32 s15, $0x1  }
0x10: {  	s16 =	sadd.s32 $0xFFFFFFFF, s16;
	s13 =	sadd.s32 s5, s1;
	s1 =	sadd.s32 s7, s1  }
0x11: {  	s5 =	sadd.s32 s11, s2;
	s7 =	sadd.s32 $0x4000, s9;
	s9 =	sadd.s32 $0x8000, s9  }
0x12: {  	s11 =	sadd.s32 $0x23400, s13;
	s12 =	sadd.s32 $0x15C00, s13;
	s1 =	sadd.s32 $0x30C00, s1  }
0x13: {  	v0 =	vimm.f32 $0.0e+00;
	s13 =	sadd.s32 $0x3500, s14;
	s14 =	sadd.s32 $0x3580, s14;
	s24 =	sadd.s32 s24, s1  }
.LBB2_1:
0x14: {  	s28 =	simm.s32 $0x100;
	s1 =	simm.s32 $0x0  }
.LBB2_2:
0x15: {  	p0 =	sne.s32 s28, $0x7F00;
	[tilespmem:s1+$0x6C30] =	vst v0;
	s29 =	smov.u32 s28;
	s28 =	sadd.s32 $0x100, s28  }
.Ltmp0:
0x16: {  	[tilespmem:s1+$0x6C20] =	vst v0;
	(pc) =	sbr.rel @p0 .LBB2_2-.Ltmp0, $3  }
0x17: {  	[tilespmem:s1+$0x6C00] =	vst v0  }
0x18: {  	[tilespmem:s1+$0x6C10] =	vst v0;
	_ =	sdelay $0x1  }
0x19: {  	s1 =	sshra.s32 s29, $0x2  }
0x1a: {  	[tilespmem:s1+$0x6C30] =	vst v0  }
0x1b: {  	[tilespmem:s1+$0x6C20] =	vst v0  }
0x1c: {  	[tilespmem:s1+$0x6C00] =	vst v0  }
0x1d: {  	[tilespmem:s1+$0x6C10] =	vst v0  }
0x1e: {  	[spmem:s5] =	stream.linear.scatter [tilespmem:s17], [sflag:$0x3], $0x2000, $0x38;
	[tilespmem:$0x1E800] =	vst v63  }
0x1f: {  	_ =	swait.ge [sflag:s18], $0x2000  }
0x20: {  	[sflag:s18] =	ssyncset.done $0x0  }
0x21: {  	[sflag:s18] =	ssyncadd.s32 $0xFFFFE000  }
0x22: {  	[spmem:s6] =	stream.linear.scatter [tilespmem:s17], [sflag:$0x3], $0x2000, $0x38;
	[tilespmem:$0x1E800] =	vst v63  }
0x23: {  	_ =	swait.ge [sflag:s18], $0x2000  }
0x24: {  	[sflag:s18] =	ssyncset.done $0x0  }
0x25: {  	[sflag:s18] =	ssyncadd.s32 $0xFFFFE000  }
0x26: {  	[spmem:s7] =	stream.linear.scatter [tilespmem:s17], [sflag:$0x3], $0x2000, $0x38;
	[tilespmem:$0x1E800] =	vst v63  }
0x27: {  	_ =	swait.ge [sflag:s18], $0x2000  }
0x28: {  	[sflag:s18] =	ssyncset.done $0x0  }
0x29: {  	[sflag:s18] =	ssyncadd.s32 $0xFFFFE000  }
0x2a: {  	[spmem:s8] =	stream.linear.scatter [tilespmem:s17], [sflag:$0x3], $0x2000, $0x38;
	[tilespmem:$0x1E800] =	vst v63  }
0x2b: {  	_ =	swait.ge [sflag:s18], $0x2000  }
0x2c: {  	[sflag:s18] =	ssyncset.done $0x0  }
0x2d: {  	[sflag:s18] =	ssyncadd.s32 $0xFFFFE000  }
0x2e: {  	[spmem:s9] =	stream.linear.scatter [tilespmem:s17], [sflag:$0x3], $0x1E00, $0x38;
	[tilespmem:$0x1E800] =	vst v63  }
0x2f: {  	s0 =	stileid.u32;
	_ =	swait.ge [sflag:s18], $0x1E00  }
0x30: {  	s0 =	sshll.u32 s0, $0x6;
	[sflag:s18] =	ssyncset.done $0x0  }
0x31: {  	s28 =	sor.u32 $0x1C03, s0;
	[sflag:s18] =	ssyncadd.s32 $0xFFFFE200  }
0x32: {  	[spmem:s19], [sflag:s28] =	dma.local [hbm:s10], $0x13C0  }
0x33: {  	_ =	swait.ge [sflag:s18], $0x13C0  }
0x34: {  	[sflag:s18] =	ssyncset.done $0x0  }
0x35: {  	[sflag:s18] =	ssyncadd.s32 $0xFFFFEC40  }
0x36: {  	[tilespmem:s4], [sflag:$0x3] =	stream.linear.gather [hbm4b:s11+s4], $0x3600, $0x38;
	[tilespmem:$0x1E800] =	vst v63  }
0x37: {  	_ =	swait.ge [sflag:s18], $0x3600  }
0x38: {  	[sflag:s18] =	ssyncset.done $0x0  }
0x39: {  	[sflag:s18] =	ssyncadd.s32 $0xFFFFCA00  }
0x3a: {  	[tilespmem:s20], [sflag:$0x3] =	stream.linear.gather [hbm4b:s12+s4], $0x3600, $0x38;
	[tilespmem:$0x1E800] =	vst v63  }
0x3b: {  	_ =	swait.ge [sflag:s18], $0x3600  }
0x3c: {  	[sflag:s18] =	ssyncset.done $0x0  }
0x3d: {  	[sflag:s18] =	ssyncadd.s32 $0xFFFFCA00  }
0x3e: {  	[bflag:$0x0] =	sbarrier.arrive $0xFFFF  }
0x3f: {  	[tilespmem:s17], [sflag:$0x1] =	stream.indirect.gather [spmem:s3], $0x40, s4, s21, $0xb8;
	[tilespmem:$0x1E800] =	vst v63  }
0x40: {  	_ = 	snop  }
0x41: {  	[tilespmem:s22], [sflag:$0x2] =	stream.indirect.gather [spmem:s3], $0x40, s21, s21, $0xb8;
	[tilespmem:$0x1E800] =	vst v63  }
0x42: {  	_ =	swait.ge [sflag:s23], $0x2000  }
0x43: {  	[sflag:s23] =	ssyncset.done $0x0  }
0x44: {  	s0 =	simm.s32 $0x3600;
	[sflag:s23] =	ssyncadd.s32 $0xFFFFE000  }
0x45: {  	[spmem:s2] =	stream.indirect.scatter.add.f32 [tilespmem:s17], [sflag:$0x3], $0x40, s0, s21, $0xb8;
	[tilespmem:$0x1E800] =	vst v63  }
0x46: {  	_ =	swait.ge [sflag:s18], $0x2000  }
0x47: {  	[sflag:s18] =	ssyncset.done $0x0  }
0x48: {  	s0 =	simm.s32 $0x100;
	[sflag:s18] =	ssyncadd.s32 $0xFFFFE000  }
0x49: {  	[tilespmem:s17], [sflag:$0x1] =	stream.indirect.gather [spmem:s3], $0x40, s0, s21, $0xb8;
	[tilespmem:$0x1E800] =	vst v63  }
0x4a: {  	_ =	swait.ge [sflag:s25], $0x2000  }
0x4b: {  	p0 =	sne.s32 s16, $0x1;
	[sflag:s25] =	ssyncset.done $0x0  }
.Ltmp1:
0x4c: {  	s0 =	simm.s32 $0x3680;
	[sflag:s25] =	ssyncadd.s32 $0xFFFFE000;
	(pc) =	sbr.rel @!p0 .LBB2_5-.Ltmp1, $4  }
0x4d: {  	[spmem:s2] =	stream.indirect.scatter.add.f32 [tilespmem:s22], [sflag:$0x3], $0x40, s0, s21, $0xb8;
	[tilespmem:$0x1E800] =	vst v63  }
0x4e: {  	_ =	swait.ge [sflag:s18], $0x2000  }
0x4f: {  	s30 =	simm.s32 $0x180;
	s29 =	sadd.s32 $0xFFFFFFFF, s16;
	[sflag:s18] =	ssyncset.done $0x0  }
0x50: {  	s31 =	simm.s32 $0x280;
	s1 =	simm.s32 $0x3780;
	[sflag:s18] =	ssyncadd.s32 $0xFFFFE000  }
.LBB2_4:
0x51: {  	[tilespmem:s22], [sflag:$0x2] =	stream.indirect.gather [spmem:s3], $0x40, s30, s21, $0xb8;
	[tilespmem:$0x1E800] =	vst v63  }
0x52: {  	p0 =	sne.s32 s29, $0x1;
	s29 =	sadd.s32 $0xFFFFFFFF, s29;
	_ =	swait.ge [sflag:s23], $0x2000  }
0x53: {  	s30 =	smov.u32 s31;
	[sflag:s23] =	ssyncset.done $0x0  }
0x54: {  	s0 =	sadd.s32 $0xFFFFFF80, s1;
	[sflag:s23] =	ssyncadd.s32 $0xFFFFE000  }
0x55: {  	[spmem:s2] =	stream.indirect.scatter.add.f32 [tilespmem:s17], [sflag:$0x3], $0x40, s0, s21, $0xb8;
	[tilespmem:$0x1E800] =	vst v63  }
0x56: {  	_ =	swait.ge [sflag:s18], $0x2000  }
0x57: {  	[sflag:s18] =	ssyncset.done $0x0  }
0x58: {  	s0 =	sadd.s32 $0xFFFFFF80, s31;
	[sflag:s18] =	ssyncadd.s32 $0xFFFFE000  }
0x59: {  	[tilespmem:s17], [sflag:$0x1] =	stream.indirect.gather [spmem:s3], $0x40, s0, s21, $0xb8;
	[tilespmem:$0x1E800] =	vst v63  }
0x5a: {  	_ =	swait.ge [sflag:s25], $0x2000  }
0x5b: {  	[sflag:s25] =	ssyncset.done $0x0  }
.Ltmp2:
0x5c: {  	[sflag:s25] =	ssyncadd.s32 $0xFFFFE000;
	(pc) =	sbr.rel @p0 .LBB2_4-.Ltmp2, $4  }
0x5d: {  	[spmem:s2] =	stream.indirect.scatter.add.f32 [tilespmem:s22], [sflag:$0x3], $0x40, s1, s21, $0xb8;
	[tilespmem:$0x1E800] =	vst v63  }
0x5e: {  	_ =	swait.ge [sflag:s18], $0x2000  }
0x5f: {  	[sflag:s18] =	ssyncset.done $0x0  }
0x60: {  	s31 =	sadd.s32 $0x100, s31;
	s1 =	sadd.s32 $0x100, s1;
	[sflag:s18] =	ssyncadd.s32 $0xFFFFE000  }
.LBB2_5:
0x61: {  	[tilespmem:s22], [sflag:$0x2] =	stream.indirect.gather [spmem:s3], $0x40, s30, s21, $0xb8;
	[tilespmem:$0x1E800] =	vst v63  }
0x62: {  	_ =	swait.ge [sflag:s23], $0x2000  }
0x63: {  	[sflag:s23] =	ssyncset.done $0x0  }
0x64: {  	[sflag:s23] =	ssyncadd.s32 $0xFFFFE000  }
0x65: {  	[spmem:s2] =	stream.indirect.scatter.add.f32 [tilespmem:s17], [sflag:$0x3], $0x40, s13, s21, $0xb8;
	[tilespmem:$0x1E800] =	vst v63  }
0x66: {  	_ =	swait.ge [sflag:s18], $0x2000  }
0x67: {  	[sflag:s18] =	ssyncset.done $0x0  }
0x68: {  	[sflag:s18] =	ssyncadd.s32 $0xFFFFE000  }
0x69: {  	_ =	swait.ge [sflag:s25], $0x2000  }
0x6a: {  	[sflag:s25] =	ssyncset.done $0x0  }
0x6b: {  	[sflag:s25] =	ssyncadd.s32 $0xFFFFE000  }
0x6c: {  	[spmem:s2] =	stream.indirect.scatter.add.f32 [tilespmem:s22], [sflag:$0x3], $0x40, s14, s21, $0xb8;
	[tilespmem:$0x1E800] =	vst v63  }
0x6d: {  	_ =	swait.ge [sflag:s18], $0x2000  }
0x6e: {  	s26 =	sadd.s32 $0x1, s26;
	[sflag:s18] =	ssyncset.done $0x0  }
0x6f: {  	p0 =	sne.s32 s26, s15;
	[sflag:s18] =	ssyncadd.s32 $0xFFFFE000  }
.Ltmp3:
0x70: {  	s0 =	sshrl.u32 s5, $0x3;
	[bflag:$0x0] =	sbarrier.arrive $0xFFFF;
	(pc) =	sbr.rel @p0 .LBB2_1-.Ltmp3, $4  }
0x71: {  	[hbm:s24], [sflag:s28] =	dma.local [spmem:s0], $0x13C0  }
0x72: {  	_ =	swait.ge [sflag:s18], $0x13C0  }
0x73: {  	[sflag:s18] =	ssyncset.done $0x0  }
0x74: {  	[sflag:s18] =	ssyncadd.s32 $0xFFFFEC40  }
0x75: {  	_ =	sfence.sel $0x180000  }
0x76: {  	[bflag:$0x0] =	sbarrier.arrive $0xFFFF  }
0x77: {  	_ =	strace $0x9000004D  }
0x78: {  	s0 =	stileid.u32;
	[bflag:$0x2] =	sbarrier.arrive $0xFFFF  }
0x79: {  	p0 =	sne.s32 s0, $0x0;
	s0 =	rddreg [dreg:$0x3]  }
0x7a: {  	s0 =	sadd.s32 @!p0 $0x100000, s0  }
0x7b: {  	[sflag:s0] =	ssyncadd.tile.s32 @!p0 $0x1;
	_ =	shalt  }
.Lfunc_end2:
_tile_overlayer_lowered:
.L_overlay_start_2:
0x7c: {  	(tag) =	ssettag $0x2  }
0x7d: {  	s0 =	rddreg [dreg:$0x0];
	s2 =	stileid.u32  }
0x7e: {  	s1 =	rddreg [dreg:$0x1];
	p0 =	sne.s32 s2, $0x0  }
0x7f: {  	s3 =	rddreg [dreg:$0x2];
	[bflag:$0x3] =	sbarrier.arrive $0xFFFF;
	s2 =	simm.s32 @!p0 $0x1C03  }
0x80: {  	[timem:s3], [sflag:s2] =	dma.local @!p0 [hbm:s0], s1  }
0x81: {  	s0 =	simm.s32 @!p0 $0x3  }
0x82: {  	_ =	swait.ge @!p0 [sflag:s0], s1  }
0x83: {  	s1 =	ssub.s32 @!p0 $0x0, s1;
	[sflag:s0] =	ssyncset.done @!p0 $0x0  }
0x84: {  	[sflag:s0] =	ssyncadd.s32 @!p0 s1  }
0x85: {  	[bflag:$0x3] =	sbarrier.arrive $0xFFFF  }
0x86: {  	_ =	shalt  }

// kernel: kernel.19.cloned.1.call-start
scs
__scs_entry_jumppad:
0x0: {  	(pc) =	sbr.rel $0x88, $3  }
0x1: {  	(tag) =	ssettag $0x0;
	lr =	simm.s32 $0x1  }
0x2: {  	[smem:$0x3F96] =	sst lr;
	_ =	strace $0xD0000000  }
0x3: {  	_ = 	snop  }
0x4: {  	_ = 	snop  }
0x5: {  	_ = 	snop  }
0x6: {  	_ = 	snop  }
0x7: {  	_ = 	snop  }
__scs_overlays_trampoline_lowered:
0x8: {  	[smem:$0x3FA5] =	sst s0  }
0x9: {  	[smem:$0x3FA6] =	sst s1  }
0xa: {  	[smem:$0x3FA7] =	sst s2  }
0xb: {  	[smem:$0x3FA8] =	sst s3  }
0xc: {  	[smem:$0x3FA9] =	sst s4  }
0xd: {  	[smem:$0x3FAA] =	sst s5  }
0xe: {  	[smem:$0x3FAB] =	sst s6  }
0xf: {  	[smem:$0x3FAC] =	sst s7  }
0x10: {  	[smem:$0x3FAD] =	sst s8  }
0x11: {  	[smem:$0x3FAE] =	sst s9;
	s0 =	simm.s32 @!p0 $0x0  }
0x12: {  	s1 =	sld [smem:$0x3F94];
	s0 =	simm.s32 @p0 $0x1  }
0x13: {  	[smem:$0x3FAF] =	sst s0;
	s0 =	simm.s32 @!p1 $0x0  }
0x14: {  	s2 =	sld [smem:$0x3F93];
	s0 =	simm.s32 @p1 $0x1  }
0x15: {  	[smem:$0x3FB0] =	sst s0;
	s0 =	simm.s32 @!p2 $0x0  }
0x16: {  	s3 =	sld [smem:$0x3FDB];
	s0 =	simm.s32 @p2 $0x1  }
0x17: {  	s4 =	simm.s32 $0x1BF5;
	[smem:$0x3FB2] =	sst s0  }
0x18: {  	s0 =	sld [smem:$0x3F95];
	_ =	swait.ge [sflag:s4], $0x0  }
0x19: {  	s7 =	sld [smem:$0x3F96]  }
0x1a: {  	s8 =	sadd.s32 $0xFFFFE003, lr  }
0x1b: {  	s9 =	sadd.s32 $0xFFFFFEF7, lr;
	s5 =	simm.s32 $0xFFFFFFFF;
	p2 =	slt.u32 s8, $0xFFFFF086  }
0x1c: {  	p1 =	slt.u32 s9, $0xF7A;
	s5 =	simm.s32 @!p2 $0x0  }
0x1d: {  	s5 =	simm.s32 @p1 $0x1;
	p0 =	seq.s32 s7, s2  }
0x1e: {  	s7 =	smul.u32 @!p0 $0xF7A, s2;
	p2 =	seq.s32 @!p0 s5, $0x0  }
0x1f: {  	s9 =	smul.u32 $0xF7A, s1;
	s8 =	simm.s32 @!p0 $0x1BF5;
	p2 =	por !p2, p0  }
0x20: {  	[sflag:s8] =	ssyncset.s32 @!p0 $0xFFFFF086;
	s6 =	sadd.s32 @!p0 s3, s7;
	s7 =	simm.s32 @!p0 $0x108  }
0x21: {  	s3 =	sadd.s32 s3, s9;
	s6 =	sadd.s32 @!p0 $0x88, s6;
	s7 =	simm.s32 @p2 $0x1082  }
0x22: {  	[simem:s7], [sflag:s8] =	dma.local @!p0 [hbm:s6], $0xF7A  }
0x23: {  	s9 =	sor.u32 $0xD0000000, s2;
	s6 =	simm.s32 $0x108;
	_ =	swait.ge @!p0 [sflag:s8], $0x0  }
0x24: {  	s3 =	sadd.s32 $0x88, s3;
	s6 =	simm.s32 @!p1 $0x1082;
	[sflag:s4] =	ssyncset.s32 $0xFFFFF086  }
0x25: {  	[simem:s6], [sflag:s4] =	dma.local [hbm:s3], $0xF7A  }
0x26: {  	[smem:$0x3F96] =	sst s1;
	(tag) =	ssettag s2;
	_ =	strace s9  }
0x27: {  	s1 =	sld [smem:$0x3FA6]  }
0x28: {  	s2 =	sld [smem:$0x3FA7]  }
0x29: {  	s4 =	sld [smem:$0x3FA9]  }
0x2a: {  	p0 =	seq.s32 s5, $0x0;
	s5 =	sld [smem:$0x3FAA]  }
0x2b: {  	s6 =	sld [smem:$0x3FAB]  }
0x2c: {  	s7 =	sld [smem:$0x3FAC]  }
0x2d: {  	s3 =	simm.s32 $0x108;
	s8 =	sld [smem:$0x3FAD]  }
0x2e: {  	s3 =	simm.s32 @!p0 $0x1082;
	s9 =	sld [smem:$0x3FAE]  }
0x2f: {  	lr =	sadd.s32 s0, s3;
	s0 =	sld [smem:$0x3FA5]  }
0x30: {  	s3 =	sld [smem:$0x3FA8]  }
0x31: {  	[smem:$0x3FB1] =	sst s10  }
0x32: {  	s10 =	sld [smem:$0x3FAF];
	_ =	sdelay $0x3  }
0x33: {  	p0 =	seq.s32 s10, $0x1;
	s10 =	sld [smem:$0x3FB1];
	_ =	sdelay $0x3  }
0x34: {  	[smem:$0x3FB1] =	sst s10  }
0x35: {  	s10 =	sld [smem:$0x3FB0];
	_ =	sdelay $0x3  }
0x36: {  	p1 =	seq.s32 s10, $0x1;
	s10 =	sld [smem:$0x3FB1];
	_ =	sdelay $0x3  }
0x37: {  	[smem:$0x3FB1] =	sst s10  }
0x38: {  	s10 =	sld [smem:$0x3FB2]  }
0x39: {  	_ = 	snop;
	(pc) =	sbr.ind lr, $3  }
0x3a: {  	_ = 	snop  }
0x3b: {  	_ = 	snop  }
0x3c: {  	p2 =	seq.s32 s10, $0x1;
	s10 =	sld [smem:$0x3FB1]  }
0x3d: {  	_ =	shalt  }
0x3e: {  	_ =	shalt  }
0x3f: {  	_ =	shalt  }
0x40: {  	_ =	shalt  }
0x41: {  	_ =	shalt  }
0x42: {  	_ =	shalt  }
0x43: {  	_ =	shalt  }
0x44: {  	_ =	shalt  }
0x45: {  	_ =	shalt  }
0x46: {  	_ =	shalt  }
0x47: {  	_ =	shalt  }
0x48: {  	_ =	shalt  }
0x49: {  	_ =	shalt  }
0x4a: {  	_ =	shalt  }
0x4b: {  	_ =	shalt  }
0x4c: {  	_ =	shalt  }
0x4d: {  	_ =	shalt  }
0x4e: {  	_ =	shalt  }
0x4f: {  	_ =	shalt  }
0x50: {  	_ =	shalt  }
0x51: {  	_ =	shalt  }
0x52: {  	_ =	shalt  }
0x53: {  	_ =	shalt  }
0x54: {  	_ =	shalt  }
0x55: {  	_ =	shalt  }
0x56: {  	_ =	shalt  }
0x57: {  	_ =	shalt  }
0x58: {  	_ =	shalt  }
0x59: {  	_ =	shalt  }
0x5a: {  	_ =	shalt  }
0x5b: {  	_ =	shalt  }
0x5c: {  	_ =	shalt  }
0x5d: {  	_ =	shalt  }
0x5e: {  	_ =	shalt  }
0x5f: {  	_ =	shalt  }
0x60: {  	_ =	shalt  }
0x61: {  	_ =	shalt  }
0x62: {  	_ =	shalt  }
0x63: {  	_ =	shalt  }
0x64: {  	_ =	shalt  }
0x65: {  	_ =	shalt  }
0x66: {  	_ =	shalt  }
0x67: {  	_ =	shalt  }
0x68: {  	_ =	shalt  }
0x69: {  	_ =	shalt  }
0x6a: {  	_ =	shalt  }
0x6b: {  	_ =	shalt  }
0x6c: {  	_ =	shalt  }
0x6d: {  	_ =	shalt  }
0x6e: {  	_ =	shalt  }
0x6f: {  	_ =	shalt  }
0x70: {  	_ =	shalt  }
0x71: {  	_ =	shalt  }
0x72: {  	_ =	shalt  }
0x73: {  	_ =	shalt  }
0x74: {  	_ =	shalt  }
0x75: {  	_ =	shalt  }
0x76: {  	_ =	shalt  }
0x77: {  	_ =	shalt  }
0x78: {  	_ =	shalt  }
0x79: {  	_ =	shalt  }
0x7a: {  	_ =	shalt  }
0x7b: {  	_ =	shalt  }
0x7c: {  	_ =	shalt  }
0x7d: {  	_ =	shalt  }
0x7e: {  	_ =	shalt  }
0x7f: {  	_ =	shalt  }
0x80: {  	_ =	shalt  }
0x81: {  	_ =	shalt  }
0x82: {  	_ =	shalt  }
0x83: {  	_ =	shalt  }
0x84: {  	_ =	shalt  }
0x85: {  	_ =	shalt  }
0x86: {  	_ =	shalt  }
0x87: {  	_ =	shalt  }
.Lfunc_end0:
.L_simem_size_0:
called_computation.3_lowered:
.L_overlay_start_0:
0x88: {  	s2 =	sld [smem:$0x3FD9]  }
0x89: {  	s3 =	sld [smem:$0x3FFE];
	_ =	sdelay $0x1  }
0x8a: {  	s1 =	srdreg.scid  }
0x8b: {  	s0 =	sand.u32 $0x1, s1  }
0x8c: {  	s16 =	sshll.u32 s0, $0xA;
	s2 =	sadd.s32 s3, s2  }
0x8d: {  	s2 =	sadd.s32 s2, s16  }
0x8e: {  	[smem:$0x3FBD] =	sst s2  }
0x8f: {  	_ = 	snop  }
0x90: {  	(tm) =	ssettm $0x1  }
0x91: {  	s17 =	sld [smem:$0x3FFB];
	_ =	sdelay $0x3  }
0x92: {  	_ =	strace s17  }
0x93: {  	s2 =	sld [smem:$0x3FFC];
	_ =	sdelay $0x3  }
0x94: {  	_ =	strace s2  }
0x95: {  	s2 =	sld [smem:$0x3FFD];
	_ =	sdelay $0x3  }
0x96: {  	_ =	strace s2  }
0x97: {  	_ =	strace $0x8FFFFFFF  }
0x98: {  	s18 =	sld [smem:$0x3FDB];
	_ =	sdelay $0x1  }
0x99: {  	s19 =	simm.s32 $_scs_section_size  }
0x9a: {  	s4 =	simm.s32 $_size__tile_overlayer_lowered;
	s5 =	simm.s32 $_tile_overlayer_lowered  }
0x9b: {  	s22 =	simm.s32 $0x1BFF;
	s21 =	sshll.u32 s5, $0x1;
	s2 =	sadd.s32 s19, s18  }
0x9c: {  	s6 =	simm.s32 $0x0;
	s20 =	sshll.u32 s4, $0x1;
	s4 =	sadd.s32 s21, s2  }
0x9d: {  	[timem:s6], [sflag:s22] =	dma.local [hbm:s4], s20  }
0x9e: {  	_ =	swait.ge [sflag:s22], s20  }
0x9f: {  	s3 =	ssub.s32 $0x0, s20;
	[sflag:s22] =	ssyncset.done $0x0  }
0xa0: {  	[sflag:s22] =	ssyncadd.s32 s3;
	_ =	sdelay $0x1  }
0xa1: {  	s23 =	simm.s32 $0x1B8B  }
0xa2: {  	_ =	swait.ge [sflag:s23], $0x1  }
0xa3: {  	[sflag:s23] =	ssyncset.done $0x0  }
0xa4: {  	s25 =	simm.s32 $0x1B8E;
	s24 =	sld [smem:$0x3FFE];
	[sflag:s23] =	ssyncadd.s32 $0xFFFFFFFF  }
0xa5: {  	s26 =	simm.s32 $execute0_lowered;
	[smem:$0x3FD2] =	sst s25  }
0xa6: {  	s4 =	sshll.u32 s26, $0x1;
	_ =	strace $0x8000004F;
	[dreg:$0x1] =	wrdreg $0xFFFFFFFF  }
0xa7: {  	s28 =	simm.s32 $_size_execute0_lowered;
	s2 =	sadd.s32 s2, s4;
	[dreg:$0x0] =	wrdreg $0x0  }
0xa8: {  	s4 =	sshll.u32 s28, $0x1;
	[dreg:$0x2] =	wrdreg s2  }
0xa9: {  	[dreg:$0x3] =	wrdreg s4  }
0xaa: {  	[dreg:$0x4] =	wrdreg $0xC0  }
0xab: {  	_ =	task [dreg:s6], $0x5FFFF  }
0xac: {  	[dreg:$0x1] =	wrdreg $0xFFFFFFFF  }
0xad: {  	[dreg:$0x0] =	wrdreg $0x60  }
0xae: {  	[dreg:$0x2] =	wrdreg s24  }
0xaf: {  	[dreg:$0x3] =	wrdreg $0xAC000  }
0xb0: {  	[dreg:$0x4] =	wrdreg $0x14A000  }
0xb1: {  	[dreg:$0x5] =	wrdreg $0x9  }
0xb2: {  	_ =	task.clear_ibuf [dreg:s6], $0x6FFFF;
	_ =	strace $0x9000004F  }
0xb3: {  	s29 =	simm.s32 $0x9;
	_ =	strace $0x80000051  }
0xb4: {  	_ =	swait.ge [sflag:s29], $0x1  }
0xb5: {  	[sflag:s29] =	ssyncadd.s32 $0xFFFFFFFF  }
0xb6: {  	_ =	strace $0x90000051  }
0xb7: {  	_ =	sfence  }
0xb8: {  	s30 =	sld [smem:$0x0];
	_ =	sdelay $0x2  }
0xb9: {  	s31 =	sshll.u32 s1, $0xD;
	s1 =	sshrl.u32 s1, $0x2  }
0xba: {  	s3 =	sand.u32 $0x4000, s31;
	s1 =	sadd.s32 s1, s30  }
0xbb: {  	s0 =	sor.u32 s3, s0;
	s1 =	sshll.u32 s1, $0x11  }
0xbc: {  	s0 =	sor.u32 s1, s0  }
0xbd: {  	s0 =	sadd.s32 $0x8F2B, s0  }
0xbe: {  	[sflag:s0] =	ssyncadd.remote.s32 $0x1  }
0xbf: {  	_ =	sfence.sel $0xFFFF  }
0xc0: {  	[dreg:$0x0] =	wrdreg $0xFFFFFFFF;
	(pc) =	sbr.abs _section_cstart, $3  }
0xc1: {  	[dreg:$0x1] =	wrdreg $0xFFFFFFFF  }
0xc2: {  	_ =	task.clear_ibuf [dreg:s6], $0x2FFFF;
	_ =	strace $0x9FFFFFFF  }
0xc3: {  	(tm) =	ssettm $0x7FFFFFFF  }
tec
execute0_lowered:
.L_overlay_start_1:
0x0: {  	(tag) =	ssettag $0x1  }
0x1: {  	s1 =	rddreg [dreg:$0x0]  }
0x2: {  	s0 =	srdreg.scid;
	s2 =	rddreg [dreg:$0x1]  }
0x3: {  	s29 =	stileid.u32;
	s3 =	rddreg [dreg:$0x2]  }
0x4: {  	s14 =	simm.s32 $0x6C;
	s17 =	simm.s32 $0x6C00;
	s18 =	simm.s32 $0x3  }
0x5: {  	s20 =	simm.s32 $0x3600;
	s21 =	simm.s32 $0x80;
	s22 =	simm.s32 $0x8C00  }
0x6: {  	s23 =	simm.s32 $0x1;
	s25 =	simm.s32 $0x2;
	s11 =	smul.u32 $0x9E00, s29  }
0x7: {  	s26 =	simm.s32 $0x0;
	s10 =	sand.u32 $0x1, s0;
	s6 =	smul.u32 $0x27800, s29  }
0x8: {  	s4 =	sshll.u32 s10, $0x4;
	s7 =	smul.u32 $0x13C00, s10;
	s30 =	ssub.s32 $0x2, s10  }
0x9: {  	p0 =	seq.s32 s10, $0x0;
	s5 =	sor.u32 s29, s4;
	s4 =	simm.s32 $0x0  }
0xa: {  	s24 =	sshrl.u32 s11, $0x3;
	s6 =	sshrl.u32 s6, $0x2;
	s31 =	sshrl.u32 s30, $0x1  }
0xb: {  	s19 =	sadd.s32 s11, s3;
	s14 =	simm.s32 @!p0 $0x32;
	s5 =	smul.u32 $0x6C0, s5  }
0xc: {  	[smem:$0x7FF] =	sst s4;
	s12 =	sadd.s32 s24, s1;
	s9 =	sadd.s32 s6, s2  }
0xd: {  	s15 =	ssub.s32 s30, s31;
	s16 =	sshrl.u32 s14, $0x1;
	s14 =	sshll.u32 s14, $0x7  }
0xe: {  	s19 =	sshrl.u32 s19, $0x3;
	_ =	strace $0x80000050;
	s6 =	sadd.s32 $0x2000, s9  }
0xf: {  	s8 =	sadd.s32 $0x6000, s9;
	s10 =	sadd.s32 $0x1A00, s12;
	s15 =	smax.u32 s15, $0x1  }
0x10: {  	s16 =	sadd.s32 $0xFFFFFFFF, s16;
	s13 =	sadd.s32 s5, s1;
	s1 =	sadd.s32 s7, s1  }
0x11: {  	s5 =	sadd.s32 s11, s2;
	s7 =	sadd.s32 $0x4000, s9;
	s9 =	sadd.s32 $0x8000, s9  }
0x12: {  	s11 =	sadd.s32 $0x23400, s13;
	s12 =	sadd.s32 $0x15C00, s13;
	s1 =	sadd.s32 $0x30C00, s1  }
0x13: {  	v0 =	vimm.f32 $0.0e+00;
	s13 =	sadd.s32 $0x3500, s14;
	s14 =	sadd.s32 $0x3580, s14;
	s24 =	sadd.s32 s24, s1  }
.LBB2_1:
0x14: {  	s28 =	simm.s32 $0x100;
	s1 =	simm.s32 $0x0  }
.LBB2_2:
0x15: {  	p0 =	sne.s32 s28, $0x7F00;
	[tilespmem:s1+$0x6C30] =	vst v0;
	s29 =	smov.u32 s28;
	s28 =	sadd.s32 $0x100, s28  }
.Ltmp0:
0x16: {  	[tilespmem:s1+$0x6C20] =	vst v0;
	(pc) =	sbr.rel @p0 .LBB2_2-.Ltmp0, $3  }
0x17: {  	[tilespmem:s1+$0x6C00] =	vst v0  }
0x18: {  	[tilespmem:s1+$0x6C10] =	vst v0;
	_ =	sdelay $0x1  }
0x19: {  	s1 =	sshra.s32 s29, $0x2  }
0x1a: {  	[tilespmem:s1+$0x6C30] =	vst v0  }
0x1b: {  	[tilespmem:s1+$0x6C20] =	vst v0  }
0x1c: {  	[tilespmem:s1+$0x6C00] =	vst v0  }
0x1d: {  	[tilespmem:s1+$0x6C10] =	vst v0  }
0x1e: {  	[spmem:s5] =	stream.linear.scatter [tilespmem:s17], [sflag:$0x3], $0x2000, $0x38;
	[tilespmem:$0x1E800] =	vst v63  }
0x1f: {  	_ =	swait.ge [sflag:s18], $0x2000  }
0x20: {  	[sflag:s18] =	ssyncset.done $0x0  }
0x21: {  	[sflag:s18] =	ssyncadd.s32 $0xFFFFE000  }
0x22: {  	[spmem:s6] =	stream.linear.scatter [tilespmem:s17], [sflag:$0x3], $0x2000, $0x38;
	[tilespmem:$0x1E800] =	vst v63  }
0x23: {  	_ =	swait.ge [sflag:s18], $0x2000  }
0x24: {  	[sflag:s18] =	ssyncset.done $0x0  }
0x25: {  	[sflag:s18] =	ssyncadd.s32 $0xFFFFE000  }
0x26: {  	[spmem:s7] =	stream.linear.scatter [tilespmem:s17], [sflag:$0x3], $0x2000, $0x38;
	[tilespmem:$0x1E800] =	vst v63  }
0x27: {  	_ =	swait.ge [sflag:s18], $0x2000  }
0x28: {  	[sflag:s18] =	ssyncset.done $0x0  }
0x29: {  	[sflag:s18] =	ssyncadd.s32 $0xFFFFE000  }
0x2a: {  	[spmem:s8] =	stream.linear.scatter [tilespmem:s17], [sflag:$0x3], $0x2000, $0x38;
	[tilespmem:$0x1E800] =	vst v63  }
0x2b: {  	_ =	swait.ge [sflag:s18], $0x2000  }
0x2c: {  	[sflag:s18] =	ssyncset.done $0x0  }
0x2d: {  	[sflag:s18] =	ssyncadd.s32 $0xFFFFE000  }
0x2e: {  	[spmem:s9] =	stream.linear.scatter [tilespmem:s17], [sflag:$0x3], $0x1E00, $0x38;
	[tilespmem:$0x1E800] =	vst v63  }
0x2f: {  	s0 =	stileid.u32;
	_ =	swait.ge [sflag:s18], $0x1E00  }
0x30: {  	s0 =	sshll.u32 s0, $0x6;
	[sflag:s18] =	ssyncset.done $0x0  }
0x31: {  	s28 =	sor.u32 $0x1C03, s0;
	[sflag:s18] =	ssyncadd.s32 $0xFFFFE200  }
0x32: {  	[spmem:s19], [sflag:s28] =	dma.local [hbm:s10], $0x13C0  }
0x33: {  	_ =	swait.ge [sflag:s18], $0x13C0  }
0x34: {  	[sflag:s18] =	ssyncset.done $0x0  }
0x35: {  	[sflag:s18] =	ssyncadd.s32 $0xFFFFEC40  }
0x36: {  	[tilespmem:s4], [sflag:$0x3] =	stream.linear.gather [hbm4b:s11+s4], $0x3600, $0x38;
	[tilespmem:$0x1E800] =	vst v63  }
0x37: {  	_ =	swait.ge [sflag:s18], $0x3600  }
0x38: {  	[sflag:s18] =	ssyncset.done $0x0  }
0x39: {  	[sflag:s18] =	ssyncadd.s32 $0xFFFFCA00  }
0x3a: {  	[tilespmem:s20], [sflag:$0x3] =	stream.linear.gather [hbm4b:s12+s4], $0x3600, $0x38;
	[tilespmem:$0x1E800] =	vst v63  }
0x3b: {  	_ =	swait.ge [sflag:s18], $0x3600  }
0x3c: {  	[sflag:s18] =	ssyncset.done $0x0  }
0x3d: {  	[sflag:s18] =	ssyncadd.s32 $0xFFFFCA00  }
0x3e: {  	[bflag:$0x0] =	sbarrier.arrive $0xFFFF  }
0x3f: {  	[tilespmem:s17], [sflag:$0x1] =	stream.indirect.gather [spmem:s3], $0x40, s4, s21, $0xb8;
	[tilespmem:$0x1E800] =	vst v63  }
0x40: {  	_ = 	snop  }
0x41: {  	[tilespmem:s22], [sflag:$0x2] =	stream.indirect.gather [spmem:s3], $0x40, s21, s21, $0xb8;
	[tilespmem:$0x1E800] =	vst v63  }
0x42: {  	_ =	swait.ge [sflag:s23], $0x2000  }
0x43: {  	[sflag:s23] =	ssyncset.done $0x0  }
0x44: {  	s0 =	simm.s32 $0x3600;
	[sflag:s23] =	ssyncadd.s32 $0xFFFFE000  }
0x45: {  	[spmem:s2] =	stream.indirect.scatter.add.f32 [tilespmem:s17], [sflag:$0x3], $0x40, s0, s21, $0xb8;
	[tilespmem:$0x1E800] =	vst v63  }
0x46: {  	_ =	swait.ge [sflag:s18], $0x2000  }
0x47: {  	[sflag:s18] =	ssyncset.done $0x0  }
0x48: {  	s0 =	simm.s32 $0x100;
	[sflag:s18] =	ssyncadd.s32 $0xFFFFE000  }
0x49: {  	[tilespmem:s17], [sflag:$0x1] =	stream.indirect.gather [spmem:s3], $0x40, s0, s21, $0xb8;
	[tilespmem:$0x1E800] =	vst v63  }
0x4a: {  	_ =	swait.ge [sflag:s25], $0x2000  }
0x4b: {  	p0 =	sne.s32 s16, $0x1;
	[sflag:s25] =	ssyncset.done $0x0  }
.Ltmp1:
0x4c: {  	s0 =	simm.s32 $0x3680;
	[sflag:s25] =	ssyncadd.s32 $0xFFFFE000;
	(pc) =	sbr.rel @!p0 .LBB2_5-.Ltmp1, $4  }
0x4d: {  	[spmem:s2] =	stream.indirect.scatter.add.f32 [tilespmem:s22], [sflag:$0x3], $0x40, s0, s21, $0xb8;
	[tilespmem:$0x1E800] =	vst v63  }
0x4e: {  	_ =	swait.ge [sflag:s18], $0x2000  }
0x4f: {  	s30 =	simm.s32 $0x180;
	s29 =	sadd.s32 $0xFFFFFFFF, s16;
	[sflag:s18] =	ssyncset.done $0x0  }
0x50: {  	s31 =	simm.s32 $0x280;
	s1 =	simm.s32 $0x3780;
	[sflag:s18] =	ssyncadd.s32 $0xFFFFE000  }
.LBB2_4:
0x51: {  	[tilespmem:s22], [sflag:$0x2] =	stream.indirect.gather [spmem:s3], $0x40, s30, s21, $0xb8;
	[tilespmem:$0x1E800] =	vst v63  }
0x52: {  	p0 =	sne.s32 s29, $0x1;
	s29 =	sadd.s32 $0xFFFFFFFF, s29;
	_ =	swait.ge [sflag:s23], $0x2000  }
0x53: {  	s30 =	smov.u32 s31;
	[sflag:s23] =	ssyncset.done $0x0  }
0x54: {  	s0 =	sadd.s32 $0xFFFFFF80, s1;
	[sflag:s23] =	ssyncadd.s32 $0xFFFFE000  }
0x55: {  	[spmem:s2] =	stream.indirect.scatter.add.f32 [tilespmem:s17], [sflag:$0x3], $0x40, s0, s21, $0xb8;
	[tilespmem:$0x1E800] =	vst v63  }
0x56: {  	_ =	swait.ge [sflag:s18], $0x2000  }
0x57: {  	[sflag:s18] =	ssyncset.done $0x0  }
0x58: {  	s0 =	sadd.s32 $0xFFFFFF80, s31;
	[sflag:s18] =	ssyncadd.s32 $0xFFFFE000  }
0x59: {  	[tilespmem:s17], [sflag:$0x1] =	stream.indirect.gather [spmem:s3], $0x40, s0, s21, $0xb8;
	[tilespmem:$0x1E800] =	vst v63  }
0x5a: {  	_ =	swait.ge [sflag:s25], $0x2000  }
0x5b: {  	[sflag:s25] =	ssyncset.done $0x0  }
.Ltmp2:
0x5c: {  	[sflag:s25] =	ssyncadd.s32 $0xFFFFE000;
	(pc) =	sbr.rel @p0 .LBB2_4-.Ltmp2, $4  }
0x5d: {  	[spmem:s2] =	stream.indirect.scatter.add.f32 [tilespmem:s22], [sflag:$0x3], $0x40, s1, s21, $0xb8;
	[tilespmem:$0x1E800] =	vst v63  }
0x5e: {  	_ =	swait.ge [sflag:s18], $0x2000  }
0x5f: {  	[sflag:s18] =	ssyncset.done $0x0  }
0x60: {  	s31 =	sadd.s32 $0x100, s31;
	s1 =	sadd.s32 $0x100, s1;
	[sflag:s18] =	ssyncadd.s32 $0xFFFFE000  }
.LBB2_5:
0x61: {  	[tilespmem:s22], [sflag:$0x2] =	stream.indirect.gather [spmem:s3], $0x40, s30, s21, $0xb8;
	[tilespmem:$0x1E800] =	vst v63  }
0x62: {  	_ =	swait.ge [sflag:s23], $0x2000  }
0x63: {  	[sflag:s23] =	ssyncset.done $0x0  }
0x64: {  	[sflag:s23] =	ssyncadd.s32 $0xFFFFE000  }
0x65: {  	[spmem:s2] =	stream.indirect.scatter.add.f32 [tilespmem:s17], [sflag:$0x3], $0x40, s13, s21, $0xb8;
	[tilespmem:$0x1E800] =	vst v63  }
0x66: {  	_ =	swait.ge [sflag:s18], $0x2000  }
0x67: {  	[sflag:s18] =	ssyncset.done $0x0  }
0x68: {  	[sflag:s18] =	ssyncadd.s32 $0xFFFFE000  }
0x69: {  	_ =	swait.ge [sflag:s25], $0x2000  }
0x6a: {  	[sflag:s25] =	ssyncset.done $0x0  }
0x6b: {  	[sflag:s25] =	ssyncadd.s32 $0xFFFFE000  }
0x6c: {  	[spmem:s2] =	stream.indirect.scatter.add.f32 [tilespmem:s22], [sflag:$0x3], $0x40, s14, s21, $0xb8;
	[tilespmem:$0x1E800] =	vst v63  }
0x6d: {  	_ =	swait.ge [sflag:s18], $0x2000  }
0x6e: {  	s26 =	sadd.s32 $0x1, s26;
	[sflag:s18] =	ssyncset.done $0x0  }
0x6f: {  	p0 =	sne.s32 s26, s15;
	[sflag:s18] =	ssyncadd.s32 $0xFFFFE000  }
.Ltmp3:
0x70: {  	s0 =	sshrl.u32 s5, $0x3;
	[bflag:$0x0] =	sbarrier.arrive $0xFFFF;
	(pc) =	sbr.rel @p0 .LBB2_1-.Ltmp3, $4  }
0x71: {  	[hbm:s24], [sflag:s28] =	dma.local [spmem:s0], $0x13C0  }
0x72: {  	_ =	swait.ge [sflag:s18], $0x13C0  }
0x73: {  	[sflag:s18] =	ssyncset.done $0x0  }
0x74: {  	[sflag:s18] =	ssyncadd.s32 $0xFFFFEC40  }
0x75: {  	_ =	sfence.sel $0x180000  }
0x76: {  	[bflag:$0x0] =	sbarrier.arrive $0xFFFF  }
0x77: {  	_ =	strace $0x90000050  }
0x78: {  	s0 =	stileid.u32;
	[bflag:$0x2] =	sbarrier.arrive $0xFFFF  }
0x79: {  	p0 =	sne.s32 s0, $0x0;
	s0 =	rddreg [dreg:$0x3]  }
0x7a: {  	s0 =	sadd.s32 @!p0 $0x100000, s0  }
0x7b: {  	[sflag:s0] =	ssyncadd.tile.s32 @!p0 $0x1;
	_ =	shalt  }
.Lfunc_end2:
_tile_overlayer_lowered:
.L_overlay_start_2:
0x7c: {  	(tag) =	ssettag $0x2  }
0x7d: {  	s0 =	rddreg [dreg:$0x0];
	s2 =	stileid.u32  }
0x7e: {  	s1 =	rddreg [dreg:$0x1];
	p0 =	sne.s32 s2, $0x0  }
0x7f: {  	s3 =	rddreg [dreg:$0x2];
	[bflag:$0x3] =	sbarrier.arrive $0xFFFF;
	s2 =	simm.s32 @!p0 $0x1C03  }
0x80: {  	[timem:s3], [sflag:s2] =	dma.local @!p0 [hbm:s0], s1  }
0x81: {  	s0 =	simm.s32 @!p0 $0x3  }
0x82: {  	_ =	swait.ge @!p0 [sflag:s0], s1  }
0x83: {  	s1 =	ssub.s32 @!p0 $0x0, s1;
	[sflag:s0] =	ssyncset.done @!p0 $0x0  }
0x84: {  	[sflag:s0] =	ssyncadd.s32 @!p0 s1  }
0x85: {  	[bflag:$0x3] =	sbarrier.arrive $0xFFFF  }
0x86: {  	_ =	shalt  }

</sc_bundles>
